<compile_context>
chip_gen: v7x
topology: tpu7x:2x2x1
jax: 0.10.2.dev20260603
libtpu: 0.0.44.dev20260713+nightly
codegen_flags: <defaults>
</compile_context>

<pallas_src>
import jax
import jax.numpy as jnp
from jax import lax
from jax.experimental import pallas as pl
from jax.experimental.pallas import tpu as pltpu
from jax.experimental.pallas import tpu_sc as plsc

N = 10000
E = 320000
D = 128
S = 10
TAU = 0.5
LAMBDA = 1.0

NC = 2
NS = 16
NW = NC * NS
NP = 10240
EB = 80
EP = NW * EB * 128
GB = 25
GP = NW * GB * 128


def _sc_mesh():
    return plsc.VectorSubcoreMesh(core_axis_name="c", subcore_axis_name="s")


HD = D // 2
EB2 = 160
_EPH = 4
_EBP = EB2 // _EPH


def _segsum_body(x_hbm, src_hbm, dst_hbm, z_hbm, out_hbm,
                 xs, acc, srcv, dstv, rows0, rows1,
                 sem0, sem1, sct0, sct1, semz):
    c = lax.axis_index("c")
    s = lax.axis_index("s")
    rpt = NP // NS
    zcp = pltpu.async_copy(z_hbm.at[pl.ds(s * rpt, rpt)],
                           acc.at[pl.ds(s * rpt, rpt)], semz)
    pltpu.sync_copy(x_hbm.at[c, pl.ds(s * rpt, rpt)],
                    xs.at[pl.ds(s * rpt, rpt)])
    pltpu.sync_copy(src_hbm.at[s, pl.ds(0, _EBP)], srcv)
    pltpu.sync_copy(dst_hbm.at[s, pl.ds(0, _EBP)], dstv)
    zcp.wait()
    plsc.subcore_barrier()

    def phase(ph, carry):
        pltpu.async_copy(xs.at[srcv.at[0]], rows0, sem0)
        pltpu.async_copy(xs.at[srcv.at[1]], rows1, sem1)

        def body(jj, carry2):
            j0 = 2 * jj
            j1 = 2 * jj + 1
            j2 = jnp.minimum(2 * jj + 2, _EBP - 1)
            j3 = jnp.minimum(2 * jj + 3, _EBP - 1)
            pltpu.make_async_copy(xs.at[srcv.at[0]], rows0, sem0).wait()
            pltpu.async_copy(rows0, acc.at[dstv.at[j0]], sct0, add=True)
            pltpu.make_async_copy(xs.at[srcv.at[0]], rows1, sem1).wait()
            pltpu.async_copy(rows1, acc.at[dstv.at[j1]], sct1, add=True)
            pltpu.make_async_copy(rows0, acc.at[dstv.at[0]], sct0).wait()
            pltpu.async_copy(xs.at[srcv.at[j2]], rows0, sem0)
            pltpu.make_async_copy(rows1, acc.at[dstv.at[0]], sct1).wait()
            pltpu.async_copy(xs.at[srcv.at[j3]], rows1, sem1)
            return carry2

        lax.fori_loop(0, _EBP // 2, body, 0)
        pltpu.make_async_copy(xs.at[srcv.at[0]], rows0, sem0).wait()
        pltpu.make_async_copy(xs.at[srcv.at[0]], rows1, sem1).wait()
        nxt = jnp.minimum(ph + 1, _EPH - 1)
        pltpu.sync_copy(src_hbm.at[s, pl.ds(nxt * _EBP, _EBP)], srcv)
        pltpu.sync_copy(dst_hbm.at[s, pl.ds(nxt * _EBP, _EBP)], dstv)
        return carry

    lax.fori_loop(0, _EPH, phase, 0)
    plsc.subcore_barrier()
    pltpu.sync_copy(acc.at[pl.ds(s * rpt, rpt)],
                    out_hbm.at[c, pl.ds(s * rpt, rpt)])


def _segsum(x2, src3d, dst3d, zeros_half):
    kfn = pl.kernel(
        _segsum_body,
        out_type=jax.ShapeDtypeStruct((NC, NP, HD), jnp.float32),
        mesh=_sc_mesh(),
        scratch_types=[
            pltpu.VMEM_SHARED((NP, HD), jnp.float32),
            pltpu.VMEM_SHARED((NP, HD), jnp.float32),
            pltpu.VMEM((_EBP, 128), jnp.int32),
            pltpu.VMEM((_EBP, 128), jnp.int32),
            pltpu.VMEM((128, HD), jnp.float32),
            pltpu.VMEM((128, HD), jnp.float32),
            pltpu.SemaphoreType.DMA,
            pltpu.SemaphoreType.DMA,
            pltpu.SemaphoreType.DMA,
            pltpu.SemaphoreType.DMA,
            pltpu.SemaphoreType.DMA,
        ],
    )
    return kfn(x2, src3d, dst3d, zeros_half)


def _gather2_body(tab_hbm, ip_hbm, in_hbm, op_hbm, on_hbm,
                  ys, idxp, idxn, rows0, rows1, sem0, sem1, swr0, swr1):
    c = lax.axis_index("c")
    s = lax.axis_index("s")
    wid = s * NC + c
    rpt = NP // NS
    pltpu.sync_copy(tab_hbm.at[pl.ds(s * rpt, rpt)],
                    ys.at[pl.ds(s * rpt, rpt)])
    pltpu.sync_copy(ip_hbm.at[wid], idxp)
    pltpu.sync_copy(in_hbm.at[wid], idxn)
    plsc.subcore_barrier()
    pltpu.async_copy(ys.at[idxp.at[0]], rows0, sem0)
    pltpu.async_copy(ys.at[idxn.at[0]], rows1, sem1)

    def body(j, carry):
        g = wid * GB + j
        jn = jnp.minimum(j + 1, GB - 1)
        pltpu.make_async_copy(ys.at[idxp.at[0]], rows0, sem0).wait()
        pltpu.async_copy(rows0, op_hbm.at[pl.ds(g * 128, 128)], swr0)
        pltpu.make_async_copy(ys.at[idxn.at[0]], rows1, sem1).wait()
        pltpu.async_copy(rows1, on_hbm.at[pl.ds(g * 128, 128)], swr1)
        pltpu.make_async_copy(rows0, op_hbm.at[pl.ds(0, 128)], swr0).wait()
        pltpu.async_copy(ys.at[idxp.at[jn]], rows0, sem0)
        pltpu.make_async_copy(rows1, on_hbm.at[pl.ds(0, 128)], swr1).wait()
        pltpu.async_copy(ys.at[idxn.at[jn]], rows1, sem1)
        return carry

    lax.fori_loop(0, GB, body, 0)
    pltpu.make_async_copy(ys.at[idxp.at[0]], rows0, sem0).wait()
    pltpu.make_async_copy(ys.at[idxn.at[0]], rows1, sem1).wait()


def _gather2(tab, idxp3d, idxn3d):
    kfn = pl.kernel(
        _gather2_body,
        out_type=(jax.ShapeDtypeStruct((GP, D), jnp.float32),
                  jax.ShapeDtypeStruct((GP, D), jnp.float32)),
        mesh=_sc_mesh(),
        scratch_types=[
            pltpu.VMEM_SHARED((NP, D), jnp.float32),
            pltpu.VMEM((GB, 128), jnp.int32),
            pltpu.VMEM((GB, 128), jnp.int32),
            pltpu.VMEM((128, D), jnp.float32),
            pltpu.VMEM((128, D), jnp.float32),
            pltpu.SemaphoreType.DMA,
            pltpu.SemaphoreType.DMA,
            pltpu.SemaphoreType.DMA,
            pltpu.SemaphoreType.DMA,
        ],
    )
    return kfn(tab, idxp3d, idxn3d)


_BN = 1024


def _gin_hidden(x_ref, p_ref, e_ref, wat_ref, wab_ref, ba_ref):
    ul = x_ref[0] * (1.0 + e_ref[...]) + p_ref[0]
    ur = x_ref[1] * (1.0 + e_ref[...]) + p_ref[1]
    return jnp.maximum(
        jnp.dot(ul, wat_ref[...], preferred_element_type=jnp.float32)
        + jnp.dot(ur, wab_ref[...], preferred_element_type=jnp.float32)
        + ba_ref[...], 0.0)


def _gin_mlp_kernel(x_ref, p_ref, e_ref, wat_ref, wab_ref, ba_ref,
                    wb_ref, bb_ref, o_ref):
    t = _gin_hidden(x_ref, p_ref, e_ref, wat_ref, wab_ref, ba_ref)
    y = (jnp.dot(t, wb_ref[...], preferred_element_type=jnp.float32)
         + bb_ref[...])
    o_ref[0] = y[:, :HD]
    o_ref[1] = y[:, HD:]


def _gin_mlp(x2, parts, eps_row, WaT, WaB, ba, Wb, bb):
    wspec = pl.BlockSpec((D, D), lambda b: (0, 0))
    hspec = pl.BlockSpec((HD, D), lambda b: (0, 0))
    bspec = pl.BlockSpec((1, D), lambda b: (0, 0))
    espec = pl.BlockSpec((1, HD), lambda b: (0, 0))
    h2spec = pl.BlockSpec((2, _BN, HD), lambda b: (0, b, 0))
    return pl.pallas_call(
        _gin_mlp_kernel,
        grid=(NP // _BN,),
        in_specs=[h2spec, h2spec, espec, hspec, hspec, bspec, wspec, bspec],
        out_specs=h2spec,
        out_shape=jax.ShapeDtypeStruct((2, NP, HD), jnp.float32),
    )(x2, parts, eps_row, WaT, WaB, ba, Wb, bb)


def _l2n(y):
    n = jnp.sqrt(jnp.sum(y * y, axis=1, keepdims=True))
    return y / jnp.maximum(n, 1e-12)


def _gin_mlp2_kernel(x_ref, p_ref, e_ref, wat_ref, wab_ref, ba_ref, wb_ref,
                     bb_ref, wp1_ref, bp1_ref, wp2_ref, bp2_ref, wp3_ref,
                     bp3_ref, y_ref, yn_ref, q_ref):
    t = _gin_hidden(x_ref, p_ref, e_ref, wat_ref, wab_ref, ba_ref)
    y = (jnp.dot(t, wb_ref[...], preferred_element_type=jnp.float32)
         + bb_ref[...])
    y_ref[...] = y
    yn_ref[...] = _l2n(y)
    q = jnp.maximum(
        jnp.dot(y, wp1_ref[...], preferred_element_type=jnp.float32)
        + bp1_ref[...], 0.0)
    q = jnp.maximum(
        jnp.dot(q, wp2_ref[...], preferred_element_type=jnp.float32)
        + bp2_ref[...], 0.0)
    q = (jnp.dot(q, wp3_ref[...], preferred_element_type=jnp.float32)
         + bp3_ref[...])
    q_ref[...] = _l2n(q)


def _gin_mlp2(x2, parts, eps_row, WaT, WaB, ba, Wb, bb,
              Wp1, bp1, Wp2, bp2, Wp3, bp3):
    wspec = pl.BlockSpec((D, D), lambda b: (0, 0))
    hspec = pl.BlockSpec((HD, D), lambda b: (0, 0))
    bspec = pl.BlockSpec((1, D), lambda b: (0, 0))
    espec = pl.BlockSpec((1, HD), lambda b: (0, 0))
    h2spec = pl.BlockSpec((2, _BN, HD), lambda b: (0, b, 0))
    rspec = pl.BlockSpec((_BN, D), lambda b: (b, 0))
    sds = jax.ShapeDtypeStruct((NP, D), jnp.float32)
    return pl.pallas_call(
        _gin_mlp2_kernel,
        grid=(NP // _BN,),
        in_specs=[
            h2spec, h2spec,
            espec, hspec, hspec, bspec, wspec, bspec,
            wspec, bspec, wspec, bspec, wspec, bspec,
        ],
        out_specs=(rspec, rspec, rspec),
        out_shape=(sds, sds, sds),
    )(x2, parts, eps_row, WaT, WaB, ba, Wb, bb,
      Wp1, bp1, Wp2, bp2, Wp3, bp3)


_BL = 400


def _loss_kernel(*refs):
    pr_ref, on_ref = refs[0], refs[1]
    pos_refs = refs[2:2 + S]
    neg_refs = refs[2 + S:2 + 2 * S]
    loss_ref = refs[-1]
    pr = pr_ref[...]
    on = on_ref[...]
    ps = jnp.zeros((_BL, 1), jnp.float32)
    ns = jnp.zeros((_BL, 1), jnp.float32)
    for s in range(S):
        pd = jnp.sum(pr * pos_refs[s][0], axis=1, keepdims=True)
        nd = jnp.sum(on * neg_refs[s][0], axis=1, keepdims=True)
        ps = ps + jnp.exp(pd / TAU)
        ns = ns + jnp.exp(nd / TAU)
    part = -jnp.sum(jnp.log(ps / (ps + LAMBDA * ns))) / N

    @pl.when(pl.program_id(0) == 0)
    def _():
        loss_ref[0, 0] = 0.0

    loss_ref[0, 0] += part


def _loss(proj, out_norm, pos3, neg3):
    rspec = pl.BlockSpec((_BL, D), lambda b: (b, 0))
    in_specs = [rspec, rspec]
    for s in range(S):
        in_specs.append(pl.BlockSpec((1, _BL, D), lambda b, s=s: (s, b, 0)))
    for s in range(S):
        in_specs.append(pl.BlockSpec((1, _BL, D), lambda b, s=s: (s, b, 0)))
    return pl.pallas_call(
        _loss_kernel,
        grid=(N // _BL,),
        in_specs=in_specs,
        out_specs=pl.BlockSpec((1, 1), lambda b: (0, 0),
                               memory_space=pltpu.SMEM),
        out_shape=jax.ShapeDtypeStruct((1, 1), jnp.float32),
    )(proj, out_norm, *([pos3] * S + [neg3] * S))


def _prep_gather_idx(idx):
    t = jnp.transpose(idx.astype(jnp.int32))
    t = jnp.concatenate(
        [t, jnp.zeros((S, NP - N), jnp.int32)], axis=1)
    return t.reshape(NW, GB, 128)


def kernel(h, edge_index, nbr_idx, neg_idx,
           eps1, W1a, b1a, W1b, b1b,
           eps2, W2a, b2a, W2b, b2b,
           Wp1, bp1, Wp2, bp2, Wp3, bp3):
    src = edge_index[0].astype(jnp.int32)
    dst = edge_index[1].astype(jnp.int32)
    pad_s = jnp.zeros((EP - E,), jnp.int32)
    pad_d = jnp.full((EP - E,), NP - 1, jnp.int32)
    src3d = jnp.concatenate([src, pad_s]).reshape(NS, EB2, 128)
    dst3d = jnp.concatenate([dst, pad_d]).reshape(NS, EB2, 128)
    zeros_half = jnp.zeros((NP, HD), jnp.float32)
    rpad = jnp.zeros((NP - N, HD), jnp.float32)
    h2 = jnp.stack([jnp.concatenate([h[:, :HD], rpad]),
                    jnp.concatenate([h[:, HD:], rpad])])
    W1aT, W1aB = W1a[:HD], W1a[HD:]
    W2aT, W2aB = W2a[:HD], W2a[HD:]
    e1 = jnp.broadcast_to(jnp.reshape(eps1, (1, 1)), (1, HD))
    e2 = jnp.broadcast_to(jnp.reshape(eps2, (1, 1)), (1, HD))
    b1a2, b1b2 = b1a.reshape(1, D), b1b.reshape(1, D)
    b2a2, b2b2 = b2a.reshape(1, D), b2b.reshape(1, D)
    bp12, bp22, bp32 = bp1.reshape(1, D), bp2.reshape(1, D), bp3.reshape(1, D)
    idxp3d = _prep_gather_idx(nbr_idx)
    idxn3d = _prep_gather_idx(neg_idx)

    agg1 = _segsum(h2, src3d, dst3d, zeros_half)
    l12 = _gin_mlp(h2, agg1, e1, W1aT, W1aB, b1a2, W1b, b1b2)

    agg2 = _segsum(l12, src3d, dst3d, zeros_half)
    y, yn, q = _gin_mlp2(l12, agg2, e2, W2aT, W2aB, b2a2, W2b, b2b2,
                         Wp1, bp12, Wp2, bp22, Wp3, bp32)

    pos_rows, neg_rows = _gather2(yn, idxp3d, idxn3d)
    pos3 = pos_rows.reshape(S, NP, D)
    neg3 = neg_rows.reshape(S, NP, D)
    loss2d = _loss(q, yn, pos3, neg3)

    loss = loss2d.reshape(())
    hij = y[:N]
    return loss, hij

# --- scband reference (transcript-rebuilt; emitter-appended) ---
"""Pipeline reference for scband-gnnstruct-encoder-80599356276736 (READ-ONLY COPY).

The authoritative reference and input builder live on the scoring server;
editing this copy changes nothing except your own understanding.
"""

import jax, jax.numpy as jnp
import numpy as np

N = 10000
E = 320000
D = 128
H = 128
S = 10
TAU = 0.5
LAMBDA = 1.0


def _l2norm(x):
    n = jnp.linalg.norm(x, axis=-1, keepdims=True)
    return x / jnp.maximum(n, 1e-12)


def _mlp(x, params):
    n = len(params)
    for i, (W, b) in enumerate(params):
        x = x @ W + b
        if i < n - 1:
            x = jax.nn.relu(x)
    return x


def _gin(h, eps, mlp_params, src, dst, num_nodes):
    agg = jax.ops.segment_sum(h[src], dst, num_segments=num_nodes)
    return _mlp((1.0 + eps) * h + agg, mlp_params)


def setup_inputs(seed: int = 0) -> dict:
    key = jax.random.key(seed)
    ks = jax.random.split(key, 24)
    h = jax.random.normal(ks[0], (N, D), dtype=jnp.float32)
    edge_index = jax.random.randint(ks[1], (2, E), 0, N, dtype=jnp.int64)
    nbr_idx = jax.random.randint(ks[2], (N, S), 0, N, dtype=jnp.int64)
    neg_idx = jax.random.randint(ks[3], (N, S), 0, N, dtype=jnp.int64)
    sc = 0.05
    inp = {
        'h': h, 'edge_index': edge_index, 'nbr_idx': nbr_idx, 'neg_idx': neg_idx,
        'eps1': jnp.zeros((), jnp.float32),
        'W1a': jax.random.normal(ks[4], (D, H), jnp.float32) * sc,
        'b1a': jnp.zeros((H,), jnp.float32),
        'W1b': jax.random.normal(ks[5], (H, H), jnp.float32) * sc,
        'b1b': jnp.zeros((H,), jnp.float32),
        'eps2': jnp.zeros((), jnp.float32),
        'W2a': jax.random.normal(ks[6], (H, H), jnp.float32) * sc,
        'b2a': jnp.zeros((H,), jnp.float32),
        'W2b': jax.random.normal(ks[7], (H, H), jnp.float32) * sc,
        'b2b': jnp.zeros((H,), jnp.float32),
        'Wp1': jax.random.normal(ks[8], (H, H), jnp.float32) * sc,
        'bp1': jnp.zeros((H,), jnp.float32),
        'Wp2': jax.random.normal(ks[9], (H, H), jnp.float32) * sc,
        'bp2': jnp.zeros((H,), jnp.float32),
        'Wp3': jax.random.normal(ks[10], (H, H), jnp.float32) * sc,
        'bp3': jnp.zeros((H,), jnp.float32),
    }
    return inp


def reference(h, edge_index, nbr_idx, neg_idx,
              eps1, W1a, b1a, W1b, b1b,
              eps2, W2a, b2a, W2b, b2b,
              Wp1, bp1, Wp2, bp2, Wp3, bp3):
    src = edge_index[0]
    dst = edge_index[1]
    mlp1 = [(W1a, b1a), (W1b, b1b)]
    mlp2 = [(W2a, b2a), (W2b, b2b)]
    proj = [(Wp1, bp1), (Wp2, bp2), (Wp3, bp3)]

    # online encoder (GIN x2)
    l1 = _gin(h, eps1, mlp1, src, dst, N)
    output_emb = _gin(l1, eps2, mlp2, src, dst, N)

    # target encoder (deepcopy at init with moving_average_decay=0 -> identical params,
    # requires_grad=False -> stop_gradient)
    t_l1 = _gin(h, eps1, mlp1, src, dst, N)
    target_emb = _l2norm(_gin(t_l1, eps2, mlp2, src, dst, N))
    target_emb = jax.lax.stop_gradient(target_emb)

    projected_rep = _l2norm(_mlp(output_emb, proj))
    out_norm = _l2norm(output_emb)

    # neighbor / negative sampling (precomputed random indices)
    pos = target_emb[nbr_idx]   # [N, S, H]
    neg = out_norm[neg_idx]     # [N, S, H]

    pos_sim = jnp.exp(jnp.einsum('nd,nsd->ns', projected_rep, pos) / TAU)
    neg_sim = jnp.exp(jnp.einsum('nd,nsd->ns', out_norm, neg) / TAU)
    loss = -jnp.log(pos_sim.sum(axis=1) /
                    (pos_sim.sum(axis=1) + LAMBDA * neg_sim.sum(axis=1))).mean()

    # hij = forward_encoder(g, h)[0] -> recomputation yields identical output_emb
    hij = output_emb
    return loss, hij

if __name__ == "__main__":
    import jax
    _d = setup_inputs()
    print(jax.jit(kernel)(*tuple(_d.values())))

</pallas_src>

<mosaic_0001>
#map = affine_map<(d0, d1) -> (0, 0, 0)>
#map1 = affine_map<(d0, d1) -> (0, 0)>
module attributes {stable_mosaic.version = 14 : i64} {
  func.func @_segsum_body(%arg0: i32, %arg1: i32, %arg2: memref<2x10240x64xf32, #tpu.memory_space<hbm>>, %arg3: memref<16x160x128xi32, #tpu.memory_space<hbm>>, %arg4: memref<16x160x128xi32, #tpu.memory_space<hbm>>, %arg5: memref<10240x64xf32, #tpu.memory_space<hbm>>, %arg6: memref<2x10240x64xf32, #tpu.memory_space<hbm>>, %arg7: memref<10240x64xf32, #tpu.memory_space<vmem_shared>>, %arg8: memref<10240x64xf32, #tpu.memory_space<vmem_shared>>, %arg9: memref<40x128xi32, #tpu.memory_space<vmem>>, %arg10: memref<40x128xi32, #tpu.memory_space<vmem>>, %arg11: memref<128x64xf32, #tpu.memory_space<vmem>>, %arg12: memref<128x64xf32, #tpu.memory_space<vmem>>, %arg13: memref<!tpu.dma_semaphore, #tpu.memory_space<semaphore_mem>>, %arg14: memref<!tpu.dma_semaphore, #tpu.memory_space<semaphore_mem>>, %arg15: memref<!tpu.dma_semaphore, #tpu.memory_space<semaphore_mem>>, %arg16: memref<!tpu.dma_semaphore, #tpu.memory_space<semaphore_mem>>, %arg17: memref<!tpu.dma_semaphore, #tpu.memory_space<semaphore_mem>>) attributes {dimension_semantics = [#tpu.dimension_semantics<core_parallel>, #tpu.dimension_semantics<subcore_parallel>], iteration_bounds = array<i64: 2, 16>, scalar_prefetch = 0 : i64, scratch_operands = 11 : i64, tpu.core_type = #tpu.core_type<sc_vector_subcore>, window_params = [{transform_indices = #map}, {transform_indices = #map}, {transform_indices = #map}, {transform_indices = #map1}, {transform_indices = #map}]} {
    %mul3A = arith.constant 640 : i32
    %mul3A_0 = arith.muli %arg1, %mul3A : i32
    %mul3A_1 = arith.constant 640 : i32
    %mul3A_2 = arith.muli %arg1, %mul3A_1 : i32
    %dma_start3A = arith.constant 0 : i32
    %dma_start3A_3 = tpu.memref_slice %arg8[%mul3A_2, %dma_start3A] : memref<10240x64xf32, #tpu.memory_space<vmem_shared>> -> memref<640x64xf32, #tpu.memory_space<vmem_shared>>
    %dma_start3A_4 = arith.constant 0 : i32
    %dma_start3A_5 = tpu.memref_slice %arg5[%mul3A_0, %dma_start3A_4] : memref<10240x64xf32, #tpu.memory_space<hbm>> -> memref<640x64xf32, #tpu.memory_space<hbm>>
    tpu.enqueue_dma source(%dma_start3A_5 : memref<640x64xf32, #tpu.memory_space<hbm>>) target(%dma_start3A_3 : memref<640x64xf32, #tpu.memory_space<vmem_shared>>) target_semaphore(%arg17 : memref<!tpu.dma_semaphore, #tpu.memory_space<semaphore_mem>>)
    %mul3A_6 = arith.constant 640 : i32
    %mul3A_7 = arith.muli %arg1, %mul3A_6 : i32
    %mul3A_8 = arith.constant 640 : i32
    %mul3A_9 = arith.muli %arg1, %mul3A_8 : i32
    "tpu.region"() ({
      %run_scoped3A = tpu.sem_alloc : memref<!tpu.dma_semaphore, #tpu.memory_space<semaphore_mem>>
      %dma_start3A_23 = arith.constant 0 : i32
      %dma_start3A_24 = tpu.memref_slice %arg7[%mul3A_9, %dma_start3A_23] : memref<10240x64xf32, #tpu.memory_space<vmem_shared>> -> memref<640x64xf32, #tpu.memory_space<vmem_shared>>
      %dma_start3A_25 = arith.constant 0 : i32
      %dma_start3A_26 = tpu.memref_slice %arg2[%arg0, %mul3A_7, %dma_start3A_25] : memref<2x10240x64xf32, #tpu.memory_space<hbm>> -> memref<1x640x64xf32, #tpu.memory_space<hbm>>
      %dma_start3A_27 = tpu.memref_squeeze %dma_start3A_26 : memref<1x640x64xf32, #tpu.memory_space<hbm>> -> memref<640x64xf32, #tpu.memory_space<hbm>>
      tpu.enqueue_dma source(%dma_start3A_27 : memref<640x64xf32, #tpu.memory_space<hbm>>) target(%dma_start3A_24 : memref<640x64xf32, #tpu.memory_space<vmem_shared>>) target_semaphore(%run_scoped3A : memref<!tpu.dma_semaphore, #tpu.memory_space<semaphore_mem>>)
      %dma_wait3A_28 = arith.constant 0 : i32
      %dma_wait3A_29 = tpu.memref_slice %arg7[%mul3A_9, %dma_wait3A_28] : memref<10240x64xf32, #tpu.memory_space<vmem_shared>> -> memref<640x64xf32, #tpu.memory_space<vmem_shared>>
      %dma_wait3A_30 = arith.constant 0 : i32
      %dma_wait3A_31 = tpu.memref_slice %arg2[%arg0, %mul3A_7, %dma_wait3A_30] : memref<2x10240x64xf32, #tpu.memory_space<hbm>> -> memref<1x640x64xf32, #tpu.memory_space<hbm>>
      %dma_wait3A_32 = tpu.memref_squeeze %dma_wait3A_31 : memref<1x640x64xf32, #tpu.memory_space<hbm>> -> memref<640x64xf32, #tpu.memory_space<hbm>>
      tpu.wait_dma2 semaphore(%run_scoped3A : memref<!tpu.dma_semaphore, #tpu.memory_space<semaphore_mem>>) src(%dma_wait3A_32 : memref<640x64xf32, #tpu.memory_space<hbm>>) dst(%dma_wait3A_29 : memref<640x64xf32, #tpu.memory_space<vmem_shared>>)
      tpu.yield
    }) : () -> ()
    "tpu.region"() ({
      %run_scoped3A = tpu.sem_alloc : memref<!tpu.dma_semaphore, #tpu.memory_space<semaphore_mem>>
      %dma_start3A_23 = arith.constant 0 : i32
      %dma_start3A_24 = arith.constant 0 : i32
      %dma_start3A_25 = tpu.memref_slice %arg3[%arg1, %dma_start3A_23, %dma_start3A_24] : memref<16x160x128xi32, #tpu.memory_space<hbm>> -> memref<1x40x128xi32, #tpu.memory_space<hbm>>
      %dma_start3A_26 = tpu.memref_squeeze %dma_start3A_25 : memref<1x40x128xi32, #tpu.memory_space<hbm>> -> memref<40x128xi32, #tpu.memory_space<hbm>>
      %dma_start3A_27 = arith.constant 0 : i32
      %dma_start3A_28 = arith.constant 0 : i32
      %dma_start3A_29 = tpu.memref_slice %arg3[%arg1, %dma_start3A_27, %dma_start3A_28] : memref<16x160x128xi32, #tpu.memory_space<hbm>> -> memref<1x40x128xi32, #tpu.memory_space<hbm>>
      %dma_start3A_30 = tpu.memref_squeeze %dma_start3A_29 : memref<1x40x128xi32, #tpu.memory_space<hbm>> -> memref<40x128xi32, #tpu.memory_space<hbm>>
      tpu.enqueue_dma source(%dma_start3A_30 : memref<40x128xi32, #tpu.memory_space<hbm>>) target(%arg9 : memref<40x128xi32, #tpu.memory_space<vmem>>) target_semaphore(%run_scoped3A : memref<!tpu.dma_semaphore, #tpu.memory_space<semaphore_mem>>)
      %dma_wait3A_31 = arith.constant 0 : i32
      %dma_wait3A_32 = arith.constant 0 : i32
      %dma_wait3A_33 = tpu.memref_slice %arg3[%arg1, %dma_wait3A_31, %dma_wait3A_32] : memref<16x160x128xi32, #tpu.memory_space<hbm>> -> memref<1x40x128xi32, #tpu.memory_space<hbm>>
      %dma_wait3A_34 = tpu.memref_squeeze %dma_wait3A_33 : memref<1x40x128xi32, #tpu.memory_space<hbm>> -> memref<40x128xi32, #tpu.memory_space<hbm>>
      %dma_wait3A_35 = arith.constant 0 : i32
      %dma_wait3A_36 = arith.constant 0 : i32
      %dma_wait3A_37 = tpu.memref_slice %arg3[%arg1, %dma_wait3A_35, %dma_wait3A_36] : memref<16x160x128xi32, #tpu.memory_space<hbm>> -> memref<1x40x128xi32, #tpu.memory_space<hbm>>
      %dma_wait3A_38 = tpu.memref_squeeze %dma_wait3A_37 : memref<1x40x128xi32, #tpu.memory_space<hbm>> -> memref<40x128xi32, #tpu.memory_space<hbm>>
      tpu.wait_dma2 semaphore(%run_scoped3A : memref<!tpu.dma_semaphore, #tpu.memory_space<semaphore_mem>>) src(%dma_wait3A_38 : memref<40x128xi32, #tpu.memory_space<hbm>>) dst(%arg9 : memref<40x128xi32, #tpu.memory_space<vmem>>)
      tpu.yield
    }) : () -> ()
    "tpu.region"() ({
      %run_scoped3A = tpu.sem_alloc : memref<!tpu.dma_semaphore, #tpu.memory_space<semaphore_mem>>
      %dma_start3A_23 = arith.constant 0 : i32
      %dma_start3A_24 = arith.constant 0 : i32
      %dma_start3A_25 = tpu.memref_slice %arg4[%arg1, %dma_start3A_23, %dma_start3A_24] : memref<16x160x128xi32, #tpu.memory_space<hbm>> -> memref<1x40x128xi32, #tpu.memory_space<hbm>>
      %dma_start3A_26 = tpu.memref_squeeze %dma_start3A_25 : memref<1x40x128xi32, #tpu.memory_space<hbm>> -> memref<40x128xi32, #tpu.memory_space<hbm>>
      %dma_start3A_27 = arith.constant 0 : i32
      %dma_start3A_28 = arith.constant 0 : i32
      %dma_start3A_29 = tpu.memref_slice %arg4[%arg1, %dma_start3A_27, %dma_start3A_28] : memref<16x160x128xi32, #tpu.memory_space<hbm>> -> memref<1x40x128xi32, #tpu.memory_space<hbm>>
      %dma_start3A_30 = tpu.memref_squeeze %dma_start3A_29 : memref<1x40x128xi32, #tpu.memory_space<hbm>> -> memref<40x128xi32, #tpu.memory_space<hbm>>
      tpu.enqueue_dma source(%dma_start3A_30 : memref<40x128xi32, #tpu.memory_space<hbm>>) target(%arg10 : memref<40x128xi32, #tpu.memory_space<vmem>>) target_semaphore(%run_scoped3A : memref<!tpu.dma_semaphore, #tpu.memory_space<semaphore_mem>>)
      %dma_wait3A_31 = arith.constant 0 : i32
      %dma_wait3A_32 = arith.constant 0 : i32
      %dma_wait3A_33 = tpu.memref_slice %arg4[%arg1, %dma_wait3A_31, %dma_wait3A_32] : memref<16x160x128xi32, #tpu.memory_space<hbm>> -> memref<1x40x128xi32, #tpu.memory_space<hbm>>
      %dma_wait3A_34 = tpu.memref_squeeze %dma_wait3A_33 : memref<1x40x128xi32, #tpu.memory_space<hbm>> -> memref<40x128xi32, #tpu.memory_space<hbm>>
      %dma_wait3A_35 = arith.constant 0 : i32
      %dma_wait3A_36 = arith.constant 0 : i32
      %dma_wait3A_37 = tpu.memref_slice %arg4[%arg1, %dma_wait3A_35, %dma_wait3A_36] : memref<16x160x128xi32, #tpu.memory_space<hbm>> -> memref<1x40x128xi32, #tpu.memory_space<hbm>>
      %dma_wait3A_38 = tpu.memref_squeeze %dma_wait3A_37 : memref<1x40x128xi32, #tpu.memory_space<hbm>> -> memref<40x128xi32, #tpu.memory_space<hbm>>
      tpu.wait_dma2 semaphore(%run_scoped3A : memref<!tpu.dma_semaphore, #tpu.memory_space<semaphore_mem>>) src(%dma_wait3A_38 : memref<40x128xi32, #tpu.memory_space<hbm>>) dst(%arg10 : memref<40x128xi32, #tpu.memory_space<vmem>>)
      tpu.yield
    }) : () -> ()
    %dma_wait3A = arith.constant 0 : i32
    %dma_wait3A_10 = tpu.memref_slice %arg8[%mul3A_2, %dma_wait3A] : memref<10240x64xf32, #tpu.memory_space<vmem_shared>> -> memref<640x64xf32, #tpu.memory_space<vmem_shared>>
    %dma_wait3A_11 = arith.constant 0 : i32
    %dma_wait3A_12 = tpu.memref_slice %arg5[%mul3A_0, %dma_wait3A_11] : memref<10240x64xf32, #tpu.memory_space<hbm>> -> memref<640x64xf32, #tpu.memory_space<hbm>>
    tpu.wait_dma2 semaphore(%arg17 : memref<!tpu.dma_semaphore, #tpu.memory_space<semaphore_mem>>) src(%dma_wait3A_12 : memref<640x64xf32, #tpu.memory_space<hbm>>) dst(%dma_wait3A_10 : memref<640x64xf32, #tpu.memory_space<vmem_shared>>)
    %barrier3A = arith.constant 0 : index
    tpu.barrier barrier_id(%barrier3A)
    %scan3A = arith.constant 0 : i32
    %scan3A_13 = arith.constant 0 : i32
    %scan3A_14 = arith.constant 4 : i32
    %scan3A_15 = arith.addi %scan3A_13, %scan3A_14 : i32
    %scan3A_16 = arith.constant 1 : i32
    scf.for %scan3A_23 = %scan3A_13 to %scan3A_15 step %scan3A_16  : i32 {
      %dma_start3A_24 = arith.constant 0 : i32
      %dma_start3A_25 = arith.constant 0 : i32
      %dma_start3A_26 = tpu.memref_slice %arg9[%dma_start3A_24, %dma_start3A_25] : memref<40x128xi32, #tpu.memory_space<vmem>> -> memref<1x128xi32, #tpu.memory_space<vmem>>
      %dma_start3A_27 = tpu.memref_squeeze %dma_start3A_26 : memref<1x128xi32, #tpu.memory_space<vmem>> -> memref<128xi32, #tpu.memory_space<vmem>>
      %dma_start3A_28 = arith.constant 0 : i32
      %dma_start3A_29 = arith.constant 0 : i32
      %dma_start3A_30 = tpu.memref_slice %arg7[%dma_start3A_28, %dma_start3A_29] : memref<10240x64xf32, #tpu.memory_space<vmem_shared>> -> memref<10240x64xf32, #tpu.memory_space<vmem_shared>>
      tpu.enqueue_indirect_dma source(%dma_start3A_30 : memref<10240x64xf32, #tpu.memory_space<vmem_shared>>) target(%arg11 : memref<128x64xf32, #tpu.memory_space<vmem>>) offsets(%dma_start3A_27 : memref<128xi32, #tpu.memory_space<vmem>>) semaphore(%arg13 : memref<!tpu.dma_semaphore, #tpu.memory_space<semaphore_mem>>)
      %dma_start3A_31 = arith.constant 1 : i32
      %dma_start3A_32 = arith.constant 0 : i32
      %dma_start3A_33 = tpu.memref_slice %arg9[%dma_start3A_31, %dma_start3A_32] : memref<40x128xi32, #tpu.memory_space<vmem>> -> memref<1x128xi32, #tpu.memory_space<vmem>>
      %dma_start3A_34 = tpu.memref_squeeze %dma_start3A_33 : memref<1x128xi32, #tpu.memory_space<vmem>> -> memref<128xi32, #tpu.memory_space<vmem>>
      %dma_start3A_35 = arith.constant 0 : i32
      %dma_start3A_36 = arith.constant 0 : i32
      %dma_start3A_37 = tpu.memref_slice %arg7[%dma_start3A_35, %dma_start3A_36] : memref<10240x64xf32, #tpu.memory_space<vmem_shared>> -> memref<10240x64xf32, #tpu.memory_space<vmem_shared>>
      tpu.enqueue_indirect_dma source(%dma_start3A_37 : memref<10240x64xf32, #tpu.memory_space<vmem_shared>>) target(%arg12 : memref<128x64xf32, #tpu.memory_space<vmem>>) offsets(%dma_start3A_34 : memref<128xi32, #tpu.memory_space<vmem>>) semaphore(%arg14 : memref<!tpu.dma_semaphore, #tpu.memory_space<semaphore_mem>>)
      %scan3A_38 = arith.constant 0 : i32
      %scan3A_39 = arith.constant 0 : i32
      %scan3A_40 = arith.constant 20 : i32
      %scan3A_41 = arith.addi %scan3A_39, %scan3A_40 : i32
      %scan3A_42 = arith.constant 1 : i32
      scf.for %scan3A_64 = %scan3A_39 to %scan3A_41 step %scan3A_42  : i32 {
        %mul3A_65 = arith.constant 2 : i32
        %mul3A_66 = arith.muli %mul3A_65, %scan3A_64 : i32
        %mul3A_67 = arith.constant 2 : i32
        %mul3A_68 = arith.muli %mul3A_67, %scan3A_64 : i32
        %add3A_69 = arith.constant 1 : i32
        %add3A_70 = arith.addi %mul3A_68, %add3A_69 : i32
        %mul3A_71 = arith.constant 2 : i32
        %mul3A_72 = arith.muli %mul3A_71, %scan3A_64 : i32
        %add3A_73 = arith.constant 2 : i32
        %add3A_74 = arith.addi %mul3A_72, %add3A_73 : i32
        %min3A_75 = arith.constant 39 : i32
        %min3A_76 = arith.minsi %add3A_74, %min3A_75 : i32
        %mul3A_77 = arith.constant 2 : i32
        %mul3A_78 = arith.muli %mul3A_77, %scan3A_64 : i32
        %add3A_79 = arith.constant 3 : i32
        %add3A_80 = arith.addi %mul3A_78, %add3A_79 : i32
        %min3A_81 = arith.constant 39 : i32
        %min3A_82 = arith.minsi %add3A_80, %min3A_81 : i32
        %dma_wait3A_83 = arith.constant 0 : i32
        %dma_wait3A_84 = arith.constant 0 : i32
        %dma_wait3A_85 = tpu.memref_slice %arg9[%dma_wait3A_83, %dma_wait3A_84] : memref<40x128xi32, #tpu.memory_space<vmem>> -> memref<1x128xi32, #tpu.memory_space<vmem>>
        %dma_wait3A_86 = tpu.memref_squeeze %dma_wait3A_85 : memref<1x128xi32, #tpu.memory_space<vmem>> -> memref<128xi32, #tpu.memory_space<vmem>>
        %dma_wait3A_87 = arith.constant 0 : i32
        %dma_wait3A_88 = arith.constant 0 : i32
        %dma_wait3A_89 = tpu.memref_slice %arg7[%dma_wait3A_87, %dma_wait3A_88] : memref<10240x64xf32, #tpu.memory_space<vmem_shared>> -> memref<10240x64xf32, #tpu.memory_space<vmem_shared>>
        tpu.wait_indirect_dma semaphore(%arg13 : memref<!tpu.dma_semaphore, #tpu.memory_space<semaphore_mem>>) src(%dma_wait3A_89 : memref<10240x64xf32, #tpu.memory_space<vmem_shared>>) dst(%arg11 : memref<128x64xf32, #tpu.memory_space<vmem>>)
        %dma_start3A_90 = arith.constant 0 : i32
        %dma_start3A_91 = tpu.memref_slice %arg10[%mul3A_66, %dma_start3A_90] : memref<40x128xi32, #tpu.memory_space<vmem>> -> memref<1x128xi32, #tpu.memory_space<vmem>>
        %dma_start3A_92 = tpu.memref_squeeze %dma_start3A_91 : memref<1x128xi32, #tpu.memory_space<vmem>> -> memref<128xi32, #tpu.memory_space<vmem>>
        %dma_start3A_93 = arith.constant 0 : i32
        %dma_start3A_94 = arith.constant 0 : i32
        %dma_start3A_95 = tpu.memref_slice %arg8[%dma_start3A_93, %dma_start3A_94] : memref<10240x64xf32, #tpu.memory_space<vmem_shared>> -> memref<10240x64xf32, #tpu.memory_space<vmem_shared>>
        tpu.enqueue_indirect_dma source(%arg11 : memref<128x64xf32, #tpu.memory_space<vmem>>) target(%dma_start3A_95 : memref<10240x64xf32, #tpu.memory_space<vmem_shared>>) offsets(%dma_start3A_92 : memref<128xi32, #tpu.memory_space<vmem>>) semaphore(%arg15 : memref<!tpu.dma_semaphore, #tpu.memory_space<semaphore_mem>>) {add = true}
        %dma_wait3A_96 = arith.constant 0 : i32
        %dma_wait3A_97 = arith.constant 0 : i32
        %dma_wait3A_98 = tpu.memref_slice %arg9[%dma_wait3A_96, %dma_wait3A_97] : memref<40x128xi32, #tpu.memory_space<vmem>> -> memref<1x128xi32, #tpu.memory_space<vmem>>
        %dma_wait3A_99 = tpu.memref_squeeze %dma_wait3A_98 : memref<1x128xi32, #tpu.memory_space<vmem>> -> memref<128xi32, #tpu.memory_space<vmem>>
        %dma_wait3A_100 = arith.constant 0 : i32
        %dma_wait3A_101 = arith.constant 0 : i32
        %dma_wait3A_102 = tpu.memref_slice %arg7[%dma_wait3A_100, %dma_wait3A_101] : memref<10240x64xf32, #tpu.memory_space<vmem_shared>> -> memref<10240x64xf32, #tpu.memory_space<vmem_shared>>
        tpu.wait_indirect_dma semaphore(%arg14 : memref<!tpu.dma_semaphore, #tpu.memory_space<semaphore_mem>>) src(%dma_wait3A_102 : memref<10240x64xf32, #tpu.memory_space<vmem_shared>>) dst(%arg12 : memref<128x64xf32, #tpu.memory_space<vmem>>)
        %dma_start3A_103 = arith.constant 0 : i32
        %dma_start3A_104 = tpu.memref_slice %arg10[%add3A_70, %dma_start3A_103] : memref<40x128xi32, #tpu.memory_space<vmem>> -> memref<1x128xi32, #tpu.memory_space<vmem>>
        %dma_start3A_105 = tpu.memref_squeeze %dma_start3A_104 : memref<1x128xi32, #tpu.memory_space<vmem>> -> memref<128xi32, #tpu.memory_space<vmem>>
        %dma_start3A_106 = arith.constant 0 : i32
        %dma_start3A_107 = arith.constant 0 : i32
        %dma_start3A_108 = tpu.memref_slice %arg8[%dma_start3A_106, %dma_start3A_107] : memref<10240x64xf32, #tpu.memory_space<vmem_shared>> -> memref<10240x64xf32, #tpu.memory_space<vmem_shared>>
        tpu.enqueue_indirect_dma source(%arg12 : memref<128x64xf32, #tpu.memory_space<vmem>>) target(%dma_start3A_108 : memref<10240x64xf32, #tpu.memory_space<vmem_shared>>) offsets(%dma_start3A_105 : memref<128xi32, #tpu.memory_space<vmem>>) semaphore(%arg16 : memref<!tpu.dma_semaphore, #tpu.memory_space<semaphore_mem>>) {add = true}
        %dma_wait3A_109 = arith.constant 0 : i32
        %dma_wait3A_110 = arith.constant 0 : i32
        %dma_wait3A_111 = tpu.memref_slice %arg10[%dma_wait3A_109, %dma_wait3A_110] : memref<40x128xi32, #tpu.memory_space<vmem>> -> memref<1x128xi32, #tpu.memory_space<vmem>>
        %dma_wait3A_112 = tpu.memref_squeeze %dma_wait3A_111 : memref<1x128xi32, #tpu.memory_space<vmem>> -> memref<128xi32, #tpu.memory_space<vmem>>
        %dma_wait3A_113 = arith.constant 0 : i32
        %dma_wait3A_114 = arith.constant 0 : i32
        %dma_wait3A_115 = tpu.memref_slice %arg8[%dma_wait3A_113, %dma_wait3A_114] : memref<10240x64xf32, #tpu.memory_space<vmem_shared>> -> memref<10240x64xf32, #tpu.memory_space<vmem_shared>>
        tpu.wait_indirect_dma semaphore(%arg15 : memref<!tpu.dma_semaphore, #tpu.memory_space<semaphore_mem>>) src(%arg11 : memref<128x64xf32, #tpu.memory_space<vmem>>) dst(%dma_wait3A_115 : memref<10240x64xf32, #tpu.memory_space<vmem_shared>>)
        %dma_start3A_116 = arith.constant 0 : i32
        %dma_start3A_117 = tpu.memref_slice %arg9[%min3A_76, %dma_start3A_116] : memref<40x128xi32, #tpu.memory_space<vmem>> -> memref<1x128xi32, #tpu.memory_space<vmem>>
        %dma_start3A_118 = tpu.memref_squeeze %dma_start3A_117 : memref<1x128xi32, #tpu.memory_space<vmem>> -> memref<128xi32, #tpu.memory_space<vmem>>
        %dma_start3A_119 = arith.constant 0 : i32
        %dma_start3A_120 = arith.constant 0 : i32
        %dma_start3A_121 = tpu.memref_slice %arg7[%dma_start3A_119, %dma_start3A_120] : memref<10240x64xf32, #tpu.memory_space<vmem_shared>> -> memref<10240x64xf32, #tpu.memory_space<vmem_shared>>
        tpu.enqueue_indirect_dma source(%dma_start3A_121 : memref<10240x64xf32, #tpu.memory_space<vmem_shared>>) target(%arg11 : memref<128x64xf32, #tpu.memory_space<vmem>>) offsets(%dma_start3A_118 : memref<128xi32, #tpu.memory_space<vmem>>) semaphore(%arg13 : memref<!tpu.dma_semaphore, #tpu.memory_space<semaphore_mem>>)
        %dma_wait3A_122 = arith.constant 0 : i32
        %dma_wait3A_123 = arith.constant 0 : i32
        %dma_wait3A_124 = tpu.memref_slice %arg10[%dma_wait3A_122, %dma_wait3A_123] : memref<40x128xi32, #tpu.memory_space<vmem>> -> memref<1x128xi32, #tpu.memory_space<vmem>>
        %dma_wait3A_125 = tpu.memref_squeeze %dma_wait3A_124 : memref<1x128xi32, #tpu.memory_space<vmem>> -> memref<128xi32, #tpu.memory_space<vmem>>
        %dma_wait3A_126 = arith.constant 0 : i32
        %dma_wait3A_127 = arith.constant 0 : i32
        %dma_wait3A_128 = tpu.memref_slice %arg8[%dma_wait3A_126, %dma_wait3A_127] : memref<10240x64xf32, #tpu.memory_space<vmem_shared>> -> memref<10240x64xf32, #tpu.memory_space<vmem_shared>>
        tpu.wait_indirect_dma semaphore(%arg16 : memref<!tpu.dma_semaphore, #tpu.memory_space<semaphore_mem>>) src(%arg12 : memref<128x64xf32, #tpu.memory_space<vmem>>) dst(%dma_wait3A_128 : memref<10240x64xf32, #tpu.memory_space<vmem_shared>>)
        %dma_start3A_129 = arith.constant 0 : i32
        %dma_start3A_130 = tpu.memref_slice %arg9[%min3A_82, %dma_start3A_129] : memref<40x128xi32, #tpu.memory_space<vmem>> -> memref<1x128xi32, #tpu.memory_space<vmem>>
        %dma_start3A_131 = tpu.memref_squeeze %dma_start3A_130 : memref<1x128xi32, #tpu.memory_space<vmem>> -> memref<128xi32, #tpu.memory_space<vmem>>
        %dma_start3A_132 = arith.constant 0 : i32
        %dma_start3A_133 = arith.constant 0 : i32
        %dma_start3A_134 = tpu.memref_slice %arg7[%dma_start3A_132, %dma_start3A_133] : memref<10240x64xf32, #tpu.memory_space<vmem_shared>> -> memref<10240x64xf32, #tpu.memory_space<vmem_shared>>
        tpu.enqueue_indirect_dma source(%dma_start3A_134 : memref<10240x64xf32, #tpu.memory_space<vmem_shared>>) target(%arg12 : memref<128x64xf32, #tpu.memory_space<vmem>>) offsets(%dma_start3A_131 : memref<128xi32, #tpu.memory_space<vmem>>) semaphore(%arg14 : memref<!tpu.dma_semaphore, #tpu.memory_space<semaphore_mem>>)
      }
      %scan3A_43 = arith.constant 20 : i32
      %dma_wait3A_44 = arith.constant 0 : i32
      %dma_wait3A_45 = arith.constant 0 : i32
      %dma_wait3A_46 = tpu.memref_slice %arg9[%dma_wait3A_44, %dma_wait3A_45] : memref<40x128xi32, #tpu.memory_space<vmem>> -> memref<1x128xi32, #tpu.memory_space<vmem>>
      %dma_wait3A_47 = tpu.memref_squeeze %dma_wait3A_46 : memref<1x128xi32, #tpu.memory_space<vmem>> -> memref<128xi32, #tpu.memory_space<vmem>>
      %dma_wait3A_48 = arith.constant 0 : i32
      %dma_wait3A_49 = arith.constant 0 : i32
      %dma_wait3A_50 = tpu.memref_slice %arg7[%dma_wait3A_48, %dma_wait3A_49] : memref<10240x64xf32, #tpu.memory_space<vmem_shared>> -> memref<10240x64xf32, #tpu.memory_space<vmem_shared>>
      tpu.wait_indirect_dma semaphore(%arg13 : memref<!tpu.dma_semaphore, #tpu.memory_space<semaphore_mem>>) src(%dma_wait3A_50 : memref<10240x64xf32, #tpu.memory_space<vmem_shared>>) dst(%arg11 : memref<128x64xf32, #tpu.memory_space<vmem>>)
      %dma_wait3A_51 = arith.constant 0 : i32
      %dma_wait3A_52 = arith.constant 0 : i32
      %dma_wait3A_53 = tpu.memref_slice %arg9[%dma_wait3A_51, %dma_wait3A_52] : memref<40x128xi32, #tpu.memory_space<vmem>> -> memref<1x128xi32, #tpu.memory_space<vmem>>
      %dma_wait3A_54 = tpu.memref_squeeze %dma_wait3A_53 : memref<1x128xi32, #tpu.memory_space<vmem>> -> memref<128xi32, #tpu.memory_space<vmem>>
      %dma_wait3A_55 = arith.constant 0 : i32
      %dma_wait3A_56 = arith.constant 0 : i32
      %dma_wait3A_57 = tpu.memref_slice %arg7[%dma_wait3A_55, %dma_wait3A_56] : memref<10240x64xf32, #tpu.memory_space<vmem_shared>> -> memref<10240x64xf32, #tpu.memory_space<vmem_shared>>
      tpu.wait_indirect_dma semaphore(%arg14 : memref<!tpu.dma_semaphore, #tpu.memory_space<semaphore_mem>>) src(%dma_wait3A_57 : memref<10240x64xf32, #tpu.memory_space<vmem_shared>>) dst(%arg12 : memref<128x64xf32, #tpu.memory_space<vmem>>)
      %add3A = arith.constant 1 : i32
      %add3A_58 = arith.addi %scan3A_23, %add3A : i32
      %min3A = arith.constant 3 : i32
      %min3A_59 = arith.minsi %add3A_58, %min3A : i32
      %mul3A_60 = arith.constant 40 : i32
      %mul3A_61 = arith.muli %min3A_59, %mul3A_60 : i32
      "tpu.region"() ({
        %run_scoped3A = tpu.sem_alloc : memref<!tpu.dma_semaphore, #tpu.memory_space<semaphore_mem>>
        %dma_start3A_64 = arith.constant 0 : i32
        %dma_start3A_65 = tpu.memref_slice %arg3[%arg1, %mul3A_61, %dma_start3A_64] : memref<16x160x128xi32, #tpu.memory_space<hbm>> -> memref<1x40x128xi32, #tpu.memory_space<hbm>>
        %dma_start3A_66 = tpu.memref_squeeze %dma_start3A_65 : memref<1x40x128xi32, #tpu.memory_space<hbm>> -> memref<40x128xi32, #tpu.memory_space<hbm>>
        %dma_start3A_67 = arith.constant 0 : i32
        %dma_start3A_68 = tpu.memref_slice %arg3[%arg1, %mul3A_61, %dma_start3A_67] : memref<16x160x128xi32, #tpu.memory_space<hbm>> -> memref<1x40x128xi32, #tpu.memory_space<hbm>>
        %dma_start3A_69 = tpu.memref_squeeze %dma_start3A_68 : memref<1x40x128xi32, #tpu.memory_space<hbm>> -> memref<40x128xi32, #tpu.memory_space<hbm>>
        tpu.enqueue_dma source(%dma_start3A_69 : memref<40x128xi32, #tpu.memory_space<hbm>>) target(%arg9 : memref<40x128xi32, #tpu.memory_space<vmem>>) target_semaphore(%run_scoped3A : memref<!tpu.dma_semaphore, #tpu.memory_space<semaphore_mem>>)
        %dma_wait3A_70 = arith.constant 0 : i32
        %dma_wait3A_71 = tpu.memref_slice %arg3[%arg1, %mul3A_61, %dma_wait3A_70] : memref<16x160x128xi32, #tpu.memory_space<hbm>> -> memref<1x40x128xi32, #tpu.memory_space<hbm>>
        %dma_wait3A_72 = tpu.memref_squeeze %dma_wait3A_71 : memref<1x40x128xi32, #tpu.memory_space<hbm>> -> memref<40x128xi32, #tpu.memory_space<hbm>>
        %dma_wait3A_73 = arith.constant 0 : i32
        %dma_wait3A_74 = tpu.memref_slice %arg3[%arg1, %mul3A_61, %dma_wait3A_73] : memref<16x160x128xi32, #tpu.memory_space<hbm>> -> memref<1x40x128xi32, #tpu.memory_space<hbm>>
        %dma_wait3A_75 = tpu.memref_squeeze %dma_wait3A_74 : memref<1x40x128xi32, #tpu.memory_space<hbm>> -> memref<40x128xi32, #tpu.memory_space<hbm>>
        tpu.wait_dma2 semaphore(%run_scoped3A : memref<!tpu.dma_semaphore, #tpu.memory_space<semaphore_mem>>) src(%dma_wait3A_75 : memref<40x128xi32, #tpu.memory_space<hbm>>) dst(%arg9 : memref<40x128xi32, #tpu.memory_space<vmem>>)
        tpu.yield
      }) : () -> ()
      %mul3A_62 = arith.constant 40 : i32
      %mul3A_63 = arith.muli %min3A_59, %mul3A_62 : i32
      "tpu.region"() ({
        %run_scoped3A = tpu.sem_alloc : memref<!tpu.dma_semaphore, #tpu.memory_space<semaphore_mem>>
        %dma_start3A_64 = arith.constant 0 : i32
        %dma_start3A_65 = tpu.memref_slice %arg4[%arg1, %mul3A_63, %dma_start3A_64] : memref<16x160x128xi32, #tpu.memory_space<hbm>> -> memref<1x40x128xi32, #tpu.memory_space<hbm>>
        %dma_start3A_66 = tpu.memref_squeeze %dma_start3A_65 : memref<1x40x128xi32, #tpu.memory_space<hbm>> -> memref<40x128xi32, #tpu.memory_space<hbm>>
        %dma_start3A_67 = arith.constant 0 : i32
        %dma_start3A_68 = tpu.memref_slice %arg4[%arg1, %mul3A_63, %dma_start3A_67] : memref<16x160x128xi32, #tpu.memory_space<hbm>> -> memref<1x40x128xi32, #tpu.memory_space<hbm>>
        %dma_start3A_69 = tpu.memref_squeeze %dma_start3A_68 : memref<1x40x128xi32, #tpu.memory_space<hbm>> -> memref<40x128xi32, #tpu.memory_space<hbm>>
        tpu.enqueue_dma source(%dma_start3A_69 : memref<40x128xi32, #tpu.memory_space<hbm>>) target(%arg10 : memref<40x128xi32, #tpu.memory_space<vmem>>) target_semaphore(%run_scoped3A : memref<!tpu.dma_semaphore, #tpu.memory_space<semaphore_mem>>)
        %dma_wait3A_70 = arith.constant 0 : i32
        %dma_wait3A_71 = tpu.memref_slice %arg4[%arg1, %mul3A_63, %dma_wait3A_70] : memref<16x160x128xi32, #tpu.memory_space<hbm>> -> memref<1x40x128xi32, #tpu.memory_space<hbm>>
        %dma_wait3A_72 = tpu.memref_squeeze %dma_wait3A_71 : memref<1x40x128xi32, #tpu.memory_space<hbm>> -> memref<40x128xi32, #tpu.memory_space<hbm>>
        %dma_wait3A_73 = arith.constant 0 : i32
        %dma_wait3A_74 = tpu.memref_slice %arg4[%arg1, %mul3A_63, %dma_wait3A_73] : memref<16x160x128xi32, #tpu.memory_space<hbm>> -> memref<1x40x128xi32, #tpu.memory_space<hbm>>
        %dma_wait3A_75 = tpu.memref_squeeze %dma_wait3A_74 : memref<1x40x128xi32, #tpu.memory_space<hbm>> -> memref<40x128xi32, #tpu.memory_space<hbm>>
        tpu.wait_dma2 semaphore(%run_scoped3A : memref<!tpu.dma_semaphore, #tpu.memory_space<semaphore_mem>>) src(%dma_wait3A_75 : memref<40x128xi32, #tpu.memory_space<hbm>>) dst(%arg10 : memref<40x128xi32, #tpu.memory_space<vmem>>)
        tpu.yield
      }) : () -> ()
    }
    %scan3A_17 = arith.constant 4 : i32
    %barrier3A_18 = arith.constant 0 : index
    tpu.barrier barrier_id(%barrier3A_18)
    %mul3A_19 = arith.constant 640 : i32
    %mul3A_20 = arith.muli %arg1, %mul3A_19 : i32
    %mul3A_21 = arith.constant 640 : i32
    %mul3A_22 = arith.muli %arg1, %mul3A_21 : i32
    "tpu.region"() ({
      %run_scoped3A = tpu.sem_alloc : memref<!tpu.dma_semaphore, #tpu.memory_space<semaphore_mem>>
      %dma_start3A_23 = arith.constant 0 : i32
      %dma_start3A_24 = tpu.memref_slice %arg6[%arg0, %mul3A_22, %dma_start3A_23] : memref<2x10240x64xf32, #tpu.memory_space<hbm>> -> memref<1x640x64xf32, #tpu.memory_space<hbm>>
      %dma_start3A_25 = tpu.memref_squeeze %dma_start3A_24 : memref<1x640x64xf32, #tpu.memory_space<hbm>> -> memref<640x64xf32, #tpu.memory_space<hbm>>
      %dma_start3A_26 = arith.constant 0 : i32
      %dma_start3A_27 = tpu.memref_slice %arg8[%mul3A_20, %dma_start3A_26] : memref<10240x64xf32, #tpu.memory_space<vmem_shared>> -> memref<640x64xf32, #tpu.memory_space<vmem_shared>>
      tpu.enqueue_dma source(%dma_start3A_27 : memref<640x64xf32, #tpu.memory_space<vmem_shared>>) target(%dma_start3A_25 : memref<640x64xf32, #tpu.memory_space<hbm>>) target_semaphore(%run_scoped3A : memref<!tpu.dma_semaphore, #tpu.memory_space<semaphore_mem>>)
      %dma_wait3A_28 = arith.constant 0 : i32
      %dma_wait3A_29 = tpu.memref_slice %arg6[%arg0, %mul3A_22, %dma_wait3A_28] : memref<2x10240x64xf32, #tpu.memory_space<hbm>> -> memref<1x640x64xf32, #tpu.memory_space<hbm>>
      %dma_wait3A_30 = tpu.memref_squeeze %dma_wait3A_29 : memref<1x640x64xf32, #tpu.memory_space<hbm>> -> memref<640x64xf32, #tpu.memory_space<hbm>>
      %dma_wait3A_31 = arith.constant 0 : i32
      %dma_wait3A_32 = tpu.memref_slice %arg8[%mul3A_20, %dma_wait3A_31] : memref<10240x64xf32, #tpu.memory_space<vmem_shared>> -> memref<640x64xf32, #tpu.memory_space<vmem_shared>>
      tpu.wait_dma2 semaphore(%run_scoped3A : memref<!tpu.dma_semaphore, #tpu.memory_space<semaphore_mem>>) src(%dma_wait3A_32 : memref<640x64xf32, #tpu.memory_space<vmem_shared>>) dst(%dma_wait3A_30 : memref<640x64xf32, #tpu.memory_space<hbm>>)
      tpu.yield
    }) : () -> ()
    return
  }
}

#map = affine_map<(d0, d1) -> (0, 0)>
#map1 = affine_map<(d0, d1) -> (0, 0, 0)>
module attributes {stable_mosaic.version = 14 : i64} {
  func.func @_gather2_body(%arg0: i32, %arg1: i32, %arg2: memref<10240x128xf32, #tpu.memory_space<hbm>>, %arg3: memref<32x25x128xi32, #tpu.memory_space<hbm>>, %arg4: memref<32x25x128xi32, #tpu.memory_space<hbm>>, %arg5: memref<102400x128xf32, #tpu.memory_space<hbm>>, %arg6: memref<102400x128xf32, #tpu.memory_space<hbm>>, %arg7: memref<10240x128xf32, #tpu.memory_space<vmem_shared>>, %arg8: memref<25x128xi32, #tpu.memory_space<vmem>>, %arg9: memref<25x128xi32, #tpu.memory_space<vmem>>, %arg10: memref<128x128xf32, #tpu.memory_space<vmem>>, %arg11: memref<128x128xf32, #tpu.memory_space<vmem>>, %arg12: memref<!tpu.dma_semaphore, #tpu.memory_space<semaphore_mem>>, %arg13: memref<!tpu.dma_semaphore, #tpu.memory_space<semaphore_mem>>, %arg14: memref<!tpu.dma_semaphore, #tpu.memory_space<semaphore_mem>>, %arg15: memref<!tpu.dma_semaphore, #tpu.memory_space<semaphore_mem>>) attributes {dimension_semantics = [#tpu.dimension_semantics<core_parallel>, #tpu.dimension_semantics<subcore_parallel>], iteration_bounds = array<i64: 2, 16>, scalar_prefetch = 0 : i64, scratch_operands = 9 : i64, tpu.core_type = #tpu.core_type<sc_vector_subcore>, window_params = [{transform_indices = #map}, {transform_indices = #map1}, {transform_indices = #map1}, {transform_indices = #map}, {transform_indices = #map}]} {
    %mul3A = arith.constant 2 : i32
    %mul3A_0 = arith.muli %arg1, %mul3A : i32
    %add3A = arith.addi %mul3A_0, %arg0 : i32
    %mul3A_1 = arith.constant 640 : i32
    %mul3A_2 = arith.muli %arg1, %mul3A_1 : i32
    %mul3A_3 = arith.constant 640 : i32
    %mul3A_4 = arith.muli %arg1, %mul3A_3 : i32
    "tpu.region"() ({
      %run_scoped3A = tpu.sem_alloc : memref<!tpu.dma_semaphore, #tpu.memory_space<semaphore_mem>>
      %dma_start3A_36 = arith.constant 0 : i32
      %dma_start3A_37 = tpu.memref_slice %arg7[%mul3A_4, %dma_start3A_36] : memref<10240x128xf32, #tpu.memory_space<vmem_shared>> -> memref<640x128xf32, #tpu.memory_space<vmem_shared>>
      %dma_start3A_38 = arith.constant 0 : i32
      %dma_start3A_39 = tpu.memref_slice %arg2[%mul3A_2, %dma_start3A_38] : memref<10240x128xf32, #tpu.memory_space<hbm>> -> memref<640x128xf32, #tpu.memory_space<hbm>>
      tpu.enqueue_dma source(%dma_start3A_39 : memref<640x128xf32, #tpu.memory_space<hbm>>) target(%dma_start3A_37 : memref<640x128xf32, #tpu.memory_space<vmem_shared>>) target_semaphore(%run_scoped3A : memref<!tpu.dma_semaphore, #tpu.memory_space<semaphore_mem>>)
      %dma_wait3A_40 = arith.constant 0 : i32
      %dma_wait3A_41 = tpu.memref_slice %arg7[%mul3A_4, %dma_wait3A_40] : memref<10240x128xf32, #tpu.memory_space<vmem_shared>> -> memref<640x128xf32, #tpu.memory_space<vmem_shared>>
      %dma_wait3A_42 = arith.constant 0 : i32
      %dma_wait3A_43 = tpu.memref_slice %arg2[%mul3A_2, %dma_wait3A_42] : memref<10240x128xf32, #tpu.memory_space<hbm>> -> memref<640x128xf32, #tpu.memory_space<hbm>>
      tpu.wait_dma2 semaphore(%run_scoped3A : memref<!tpu.dma_semaphore, #tpu.memory_space<semaphore_mem>>) src(%dma_wait3A_43 : memref<640x128xf32, #tpu.memory_space<hbm>>) dst(%dma_wait3A_41 : memref<640x128xf32, #tpu.memory_space<vmem_shared>>)
      tpu.yield
    }) : () -> ()
    "tpu.region"() ({
      %run_scoped3A = tpu.sem_alloc : memref<!tpu.dma_semaphore, #tpu.memory_space<semaphore_mem>>
      %dma_start3A_36 = arith.constant 0 : i32
      %dma_start3A_37 = arith.constant 0 : i32
      %dma_start3A_38 = tpu.memref_slice %arg3[%add3A, %dma_start3A_36, %dma_start3A_37] : memref<32x25x128xi32, #tpu.memory_space<hbm>> -> memref<1x25x128xi32, #tpu.memory_space<hbm>>
      %dma_start3A_39 = tpu.memref_squeeze %dma_start3A_38 : memref<1x25x128xi32, #tpu.memory_space<hbm>> -> memref<25x128xi32, #tpu.memory_space<hbm>>
      %dma_start3A_40 = arith.constant 0 : i32
      %dma_start3A_41 = arith.constant 0 : i32
      %dma_start3A_42 = tpu.memref_slice %arg3[%add3A, %dma_start3A_40, %dma_start3A_41] : memref<32x25x128xi32, #tpu.memory_space<hbm>> -> memref<1x25x128xi32, #tpu.memory_space<hbm>>
      %dma_start3A_43 = tpu.memref_squeeze %dma_start3A_42 : memref<1x25x128xi32, #tpu.memory_space<hbm>> -> memref<25x128xi32, #tpu.memory_space<hbm>>
      tpu.enqueue_dma source(%dma_start3A_43 : memref<25x128xi32, #tpu.memory_space<hbm>>) target(%arg8 : memref<25x128xi32, #tpu.memory_space<vmem>>) target_semaphore(%run_scoped3A : memref<!tpu.dma_semaphore, #tpu.memory_space<semaphore_mem>>)
      %dma_wait3A_44 = arith.constant 0 : i32
      %dma_wait3A_45 = arith.constant 0 : i32
      %dma_wait3A_46 = tpu.memref_slice %arg3[%add3A, %dma_wait3A_44, %dma_wait3A_45] : memref<32x25x128xi32, #tpu.memory_space<hbm>> -> memref<1x25x128xi32, #tpu.memory_space<hbm>>
      %dma_wait3A_47 = tpu.memref_squeeze %dma_wait3A_46 : memref<1x25x128xi32, #tpu.memory_space<hbm>> -> memref<25x128xi32, #tpu.memory_space<hbm>>
      %dma_wait3A_48 = arith.constant 0 : i32
      %dma_wait3A_49 = arith.constant 0 : i32
      %dma_wait3A_50 = tpu.memref_slice %arg3[%add3A, %dma_wait3A_48, %dma_wait3A_49] : memref<32x25x128xi32, #tpu.memory_space<hbm>> -> memref<1x25x128xi32, #tpu.memory_space<hbm>>
      %dma_wait3A_51 = tpu.memref_squeeze %dma_wait3A_50 : memref<1x25x128xi32, #tpu.memory_space<hbm>> -> memref<25x128xi32, #tpu.memory_space<hbm>>
      tpu.wait_dma2 semaphore(%run_scoped3A : memref<!tpu.dma_semaphore, #tpu.memory_space<semaphore_mem>>) src(%dma_wait3A_51 : memref<25x128xi32, #tpu.memory_space<hbm>>) dst(%arg8 : memref<25x128xi32, #tpu.memory_space<vmem>>)
      tpu.yield
    }) : () -> ()
    "tpu.region"() ({
      %run_scoped3A = tpu.sem_alloc : memref<!tpu.dma_semaphore, #tpu.memory_space<semaphore_mem>>
      %dma_start3A_36 = arith.constant 0 : i32
      %dma_start3A_37 = arith.constant 0 : i32
      %dma_start3A_38 = tpu.memref_slice %arg4[%add3A, %dma_start3A_36, %dma_start3A_37] : memref<32x25x128xi32, #tpu.memory_space<hbm>> -> memref<1x25x128xi32, #tpu.memory_space<hbm>>
      %dma_start3A_39 = tpu.memref_squeeze %dma_start3A_38 : memref<1x25x128xi32, #tpu.memory_space<hbm>> -> memref<25x128xi32, #tpu.memory_space<hbm>>
      %dma_start3A_40 = arith.constant 0 : i32
      %dma_start3A_41 = arith.constant 0 : i32
      %dma_start3A_42 = tpu.memref_slice %arg4[%add3A, %dma_start3A_40, %dma_start3A_41] : memref<32x25x128xi32, #tpu.memory_space<hbm>> -> memref<1x25x128xi32, #tpu.memory_space<hbm>>
      %dma_start3A_43 = tpu.memref_squeeze %dma_start3A_42 : memref<1x25x128xi32, #tpu.memory_space<hbm>> -> memref<25x128xi32, #tpu.memory_space<hbm>>
      tpu.enqueue_dma source(%dma_start3A_43 : memref<25x128xi32, #tpu.memory_space<hbm>>) target(%arg9 : memref<25x128xi32, #tpu.memory_space<vmem>>) target_semaphore(%run_scoped3A : memref<!tpu.dma_semaphore, #tpu.memory_space<semaphore_mem>>)
      %dma_wait3A_44 = arith.constant 0 : i32
      %dma_wait3A_45 = arith.constant 0 : i32
      %dma_wait3A_46 = tpu.memref_slice %arg4[%add3A, %dma_wait3A_44, %dma_wait3A_45] : memref<32x25x128xi32, #tpu.memory_space<hbm>> -> memref<1x25x128xi32, #tpu.memory_space<hbm>>
      %dma_wait3A_47 = tpu.memref_squeeze %dma_wait3A_46 : memref<1x25x128xi32, #tpu.memory_space<hbm>> -> memref<25x128xi32, #tpu.memory_space<hbm>>
      %dma_wait3A_48 = arith.constant 0 : i32
      %dma_wait3A_49 = arith.constant 0 : i32
      %dma_wait3A_50 = tpu.memref_slice %arg4[%add3A, %dma_wait3A_48, %dma_wait3A_49] : memref<32x25x128xi32, #tpu.memory_space<hbm>> -> memref<1x25x128xi32, #tpu.memory_space<hbm>>
      %dma_wait3A_51 = tpu.memref_squeeze %dma_wait3A_50 : memref<1x25x128xi32, #tpu.memory_space<hbm>> -> memref<25x128xi32, #tpu.memory_space<hbm>>
      tpu.wait_dma2 semaphore(%run_scoped3A : memref<!tpu.dma_semaphore, #tpu.memory_space<semaphore_mem>>) src(%dma_wait3A_51 : memref<25x128xi32, #tpu.memory_space<hbm>>) dst(%arg9 : memref<25x128xi32, #tpu.memory_space<vmem>>)
      tpu.yield
    }) : () -> ()
    %barrier3A = arith.constant 0 : index
    tpu.barrier barrier_id(%barrier3A)
    %dma_start3A = arith.constant 0 : i32
    %dma_start3A_5 = arith.constant 0 : i32
    %dma_start3A_6 = tpu.memref_slice %arg8[%dma_start3A, %dma_start3A_5] : memref<25x128xi32, #tpu.memory_space<vmem>> -> memref<1x128xi32, #tpu.memory_space<vmem>>
    %dma_start3A_7 = tpu.memref_squeeze %dma_start3A_6 : memref<1x128xi32, #tpu.memory_space<vmem>> -> memref<128xi32, #tpu.memory_space<vmem>>
    %dma_start3A_8 = arith.constant 0 : i32
    %dma_start3A_9 = arith.constant 0 : i32
    %dma_start3A_10 = tpu.memref_slice %arg7[%dma_start3A_8, %dma_start3A_9] : memref<10240x128xf32, #tpu.memory_space<vmem_shared>> -> memref<10240x128xf32, #tpu.memory_space<vmem_shared>>
    tpu.enqueue_indirect_dma source(%dma_start3A_10 : memref<10240x128xf32, #tpu.memory_space<vmem_shared>>) target(%arg10 : memref<128x128xf32, #tpu.memory_space<vmem>>) offsets(%dma_start3A_7 : memref<128xi32, #tpu.memory_space<vmem>>) semaphore(%arg12 : memref<!tpu.dma_semaphore, #tpu.memory_space<semaphore_mem>>)
    %dma_start3A_11 = arith.constant 0 : i32
    %dma_start3A_12 = arith.constant 0 : i32
    %dma_start3A_13 = tpu.memref_slice %arg9[%dma_start3A_11, %dma_start3A_12] : memref<25x128xi32, #tpu.memory_space<vmem>> -> memref<1x128xi32, #tpu.memory_space<vmem>>
    %dma_start3A_14 = tpu.memref_squeeze %dma_start3A_13 : memref<1x128xi32, #tpu.memory_space<vmem>> -> memref<128xi32, #tpu.memory_space<vmem>>
    %dma_start3A_15 = arith.constant 0 : i32
    %dma_start3A_16 = arith.constant 0 : i32
    %dma_start3A_17 = tpu.memref_slice %arg7[%dma_start3A_15, %dma_start3A_16] : memref<10240x128xf32, #tpu.memory_space<vmem_shared>> -> memref<10240x128xf32, #tpu.memory_space<vmem_shared>>
    tpu.enqueue_indirect_dma source(%dma_start3A_17 : memref<10240x128xf32, #tpu.memory_space<vmem_shared>>) target(%arg11 : memref<128x128xf32, #tpu.memory_space<vmem>>) offsets(%dma_start3A_14 : memref<128xi32, #tpu.memory_space<vmem>>) semaphore(%arg13 : memref<!tpu.dma_semaphore, #tpu.memory_space<semaphore_mem>>)
    %scan3A = arith.constant 0 : i32
    %scan3A_18 = arith.constant 0 : i32
    %scan3A_19 = arith.constant 25 : i32
    %scan3A_20 = arith.addi %scan3A_18, %scan3A_19 : i32
    %scan3A_21 = arith.constant 1 : i32
    scf.for %scan3A_36 = %scan3A_18 to %scan3A_20 step %scan3A_21  : i32 {
      %mul3A_37 = arith.constant 25 : i32
      %mul3A_38 = arith.muli %add3A, %mul3A_37 : i32
      %add3A_39 = arith.addi %mul3A_38, %scan3A_36 : i32
      %add3A_40 = arith.constant 1 : i32
      %add3A_41 = arith.addi %scan3A_36, %add3A_40 : i32
      %min3A = arith.constant 24 : i32
      %min3A_42 = arith.minsi %add3A_41, %min3A : i32
      %dma_wait3A_43 = arith.constant 0 : i32
      %dma_wait3A_44 = arith.constant 0 : i32
      %dma_wait3A_45 = tpu.memref_slice %arg8[%dma_wait3A_43, %dma_wait3A_44] : memref<25x128xi32, #tpu.memory_space<vmem>> -> memref<1x128xi32, #tpu.memory_space<vmem>>
      %dma_wait3A_46 = tpu.memref_squeeze %dma_wait3A_45 : memref<1x128xi32, #tpu.memory_space<vmem>> -> memref<128xi32, #tpu.memory_space<vmem>>
      %dma_wait3A_47 = arith.constant 0 : i32
      %dma_wait3A_48 = arith.constant 0 : i32
      %dma_wait3A_49 = tpu.memref_slice %arg7[%dma_wait3A_47, %dma_wait3A_48] : memref<10240x128xf32, #tpu.memory_space<vmem_shared>> -> memref<10240x128xf32, #tpu.memory_space<vmem_shared>>
      tpu.wait_indirect_dma semaphore(%arg12 : memref<!tpu.dma_semaphore, #tpu.memory_space<semaphore_mem>>) src(%dma_wait3A_49 : memref<10240x128xf32, #tpu.memory_space<vmem_shared>>) dst(%arg10 : memref<128x128xf32, #tpu.memory_space<vmem>>)
      %mul3A_50 = arith.constant 128 : i32
      %mul3A_51 = arith.muli %add3A_39, %mul3A_50 : i32
      %dma_start3A_52 = arith.constant 0 : i32
      %dma_start3A_53 = tpu.memref_slice %arg5[%mul3A_51, %dma_start3A_52] : memref<102400x128xf32, #tpu.memory_space<hbm>> -> memref<128x128xf32, #tpu.memory_space<hbm>>
      %dma_start3A_54 = arith.constant 0 : i32
      %dma_start3A_55 = tpu.memref_slice %arg5[%mul3A_51, %dma_start3A_54] : memref<102400x128xf32, #tpu.memory_space<hbm>> -> memref<128x128xf32, #tpu.memory_space<hbm>>
      tpu.enqueue_dma source(%arg10 : memref<128x128xf32, #tpu.memory_space<vmem>>) target(%dma_start3A_55 : memref<128x128xf32, #tpu.memory_space<hbm>>) target_semaphore(%arg14 : memref<!tpu.dma_semaphore, #tpu.memory_space<semaphore_mem>>)
      %dma_wait3A_56 = arith.constant 0 : i32
      %dma_wait3A_57 = arith.constant 0 : i32
      %dma_wait3A_58 = tpu.memref_slice %arg9[%dma_wait3A_56, %dma_wait3A_57] : memref<25x128xi32, #tpu.memory_space<vmem>> -> memref<1x128xi32, #tpu.memory_space<vmem>>
      %dma_wait3A_59 = tpu.memref_squeeze %dma_wait3A_58 : memref<1x128xi32, #tpu.memory_space<vmem>> -> memref<128xi32, #tpu.memory_space<vmem>>
      %dma_wait3A_60 = arith.constant 0 : i32
      %dma_wait3A_61 = arith.constant 0 : i32
      %dma_wait3A_62 = tpu.memref_slice %arg7[%dma_wait3A_60, %dma_wait3A_61] : memref<10240x128xf32, #tpu.memory_space<vmem_shared>> -> memref<10240x128xf32, #tpu.memory_space<vmem_shared>>
      tpu.wait_indirect_dma semaphore(%arg13 : memref<!tpu.dma_semaphore, #tpu.memory_space<semaphore_mem>>) src(%dma_wait3A_62 : memref<10240x128xf32, #tpu.memory_space<vmem_shared>>) dst(%arg11 : memref<128x128xf32, #tpu.memory_space<vmem>>)
      %mul3A_63 = arith.constant 128 : i32
      %mul3A_64 = arith.muli %add3A_39, %mul3A_63 : i32
      %dma_start3A_65 = arith.constant 0 : i32
      %dma_start3A_66 = tpu.memref_slice %arg6[%mul3A_64, %dma_start3A_65] : memref<102400x128xf32, #tpu.memory_space<hbm>> -> memref<128x128xf32, #tpu.memory_space<hbm>>
      %dma_start3A_67 = arith.constant 0 : i32
      %dma_start3A_68 = tpu.memref_slice %arg6[%mul3A_64, %dma_start3A_67] : memref<102400x128xf32, #tpu.memory_space<hbm>> -> memref<128x128xf32, #tpu.memory_space<hbm>>
      tpu.enqueue_dma source(%arg11 : memref<128x128xf32, #tpu.memory_space<vmem>>) target(%dma_start3A_68 : memref<128x128xf32, #tpu.memory_space<hbm>>) target_semaphore(%arg15 : memref<!tpu.dma_semaphore, #tpu.memory_space<semaphore_mem>>)
      %dma_wait3A_69 = arith.constant 0 : i32
      %dma_wait3A_70 = arith.constant 0 : i32
      %dma_wait3A_71 = tpu.memref_slice %arg5[%dma_wait3A_69, %dma_wait3A_70] : memref<102400x128xf32, #tpu.memory_space<hbm>> -> memref<128x128xf32, #tpu.memory_space<hbm>>
      %dma_wait3A_72 = arith.constant 0 : i32
      %dma_wait3A_73 = arith.constant 0 : i32
      %dma_wait3A_74 = tpu.memref_slice %arg5[%dma_wait3A_72, %dma_wait3A_73] : memref<102400x128xf32, #tpu.memory_space<hbm>> -> memref<128x128xf32, #tpu.memory_space<hbm>>
      tpu.wait_dma2 semaphore(%arg14 : memref<!tpu.dma_semaphore, #tpu.memory_space<semaphore_mem>>) src(%arg10 : memref<128x128xf32, #tpu.memory_space<vmem>>) dst(%dma_wait3A_74 : memref<128x128xf32, #tpu.memory_space<hbm>>)
      %dma_start3A_75 = arith.constant 0 : i32
      %dma_start3A_76 = tpu.memref_slice %arg8[%min3A_42, %dma_start3A_75] : memref<25x128xi32, #tpu.memory_space<vmem>> -> memref<1x128xi32, #tpu.memory_space<vmem>>
      %dma_start3A_77 = tpu.memref_squeeze %dma_start3A_76 : memref<1x128xi32, #tpu.memory_space<vmem>> -> memref<128xi32, #tpu.memory_space<vmem>>
      %dma_start3A_78 = arith.constant 0 : i32
      %dma_start3A_79 = arith.constant 0 : i32
      %dma_start3A_80 = tpu.memref_slice %arg7[%dma_start3A_78, %dma_start3A_79] : memref<10240x128xf32, #tpu.memory_space<vmem_shared>> -> memref<10240x128xf32, #tpu.memory_space<vmem_shared>>
      tpu.enqueue_indirect_dma source(%dma_start3A_80 : memref<10240x128xf32, #tpu.memory_space<vmem_shared>>) target(%arg10 : memref<128x128xf32, #tpu.memory_space<vmem>>) offsets(%dma_start3A_77 : memref<128xi32, #tpu.memory_space<vmem>>) semaphore(%arg12 : memref<!tpu.dma_semaphore, #tpu.memory_space<semaphore_mem>>)
      %dma_wait3A_81 = arith.constant 0 : i32
      %dma_wait3A_82 = arith.constant 0 : i32
      %dma_wait3A_83 = tpu.memref_slice %arg6[%dma_wait3A_81, %dma_wait3A_82] : memref<102400x128xf32, #tpu.memory_space<hbm>> -> memref<128x128xf32, #tpu.memory_space<hbm>>
      %dma_wait3A_84 = arith.constant 0 : i32
      %dma_wait3A_85 = arith.constant 0 : i32
      %dma_wait3A_86 = tpu.memref_slice %arg6[%dma_wait3A_84, %dma_wait3A_85] : memref<102400x128xf32, #tpu.memory_space<hbm>> -> memref<128x128xf32, #tpu.memory_space<hbm>>
      tpu.wait_dma2 semaphore(%arg15 : memref<!tpu.dma_semaphore, #tpu.memory_space<semaphore_mem>>) src(%arg11 : memref<128x128xf32, #tpu.memory_space<vmem>>) dst(%dma_wait3A_86 : memref<128x128xf32, #tpu.memory_space<hbm>>)
      %dma_start3A_87 = arith.constant 0 : i32
      %dma_start3A_88 = tpu.memref_slice %arg9[%min3A_42, %dma_start3A_87] : memref<25x128xi32, #tpu.memory_space<vmem>> -> memref<1x128xi32, #tpu.memory_space<vmem>>
      %dma_start3A_89 = tpu.memref_squeeze %dma_start3A_88 : memref<1x128xi32, #tpu.memory_space<vmem>> -> memref<128xi32, #tpu.memory_space<vmem>>
      %dma_start3A_90 = arith.constant 0 : i32
      %dma_start3A_91 = arith.constant 0 : i32
      %dma_start3A_92 = tpu.memref_slice %arg7[%dma_start3A_90, %dma_start3A_91] : memref<10240x128xf32, #tpu.memory_space<vmem_shared>> -> memref<10240x128xf32, #tpu.memory_space<vmem_shared>>
      tpu.enqueue_indirect_dma source(%dma_start3A_92 : memref<10240x128xf32, #tpu.memory_space<vmem_shared>>) target(%arg11 : memref<128x128xf32, #tpu.memory_space<vmem>>) offsets(%dma_start3A_89 : memref<128xi32, #tpu.memory_space<vmem>>) semaphore(%arg13 : memref<!tpu.dma_semaphore, #tpu.memory_space<semaphore_mem>>)
    }
    %scan3A_22 = arith.constant 25 : i32
    %dma_wait3A = arith.constant 0 : i32
    %dma_wait3A_23 = arith.constant 0 : i32
    %dma_wait3A_24 = tpu.memref_slice %arg8[%dma_wait3A, %dma_wait3A_23] : memref<25x128xi32, #tpu.memory_space<vmem>> -> memref<1x128xi32, #tpu.memory_space<vmem>>
    %dma_wait3A_25 = tpu.memref_squeeze %dma_wait3A_24 : memref<1x128xi32, #tpu.memory_space<vmem>> -> memref<128xi32, #tpu.memory_space<vmem>>
    %dma_wait3A_26 = arith.constant 0 : i32
    %dma_wait3A_27 = arith.constant 0 : i32
    %dma_wait3A_28 = tpu.memref_slice %arg7[%dma_wait3A_26, %dma_wait3A_27] : memref<10240x128xf32, #tpu.memory_space<vmem_shared>> -> memref<10240x128xf32, #tpu.memory_space<vmem_shared>>
    tpu.wait_indirect_dma semaphore(%arg12 : memref<!tpu.dma_semaphore, #tpu.memory_space<semaphore_mem>>) src(%dma_wait3A_28 : memref<10240x128xf32, #tpu.memory_space<vmem_shared>>) dst(%arg10 : memref<128x128xf32, #tpu.memory_space<vmem>>)
    %dma_wait3A_29 = arith.constant 0 : i32
    %dma_wait3A_30 = arith.constant 0 : i32
    %dma_wait3A_31 = tpu.memref_slice %arg9[%dma_wait3A_29, %dma_wait3A_30] : memref<25x128xi32, #tpu.memory_space<vmem>> -> memref<1x128xi32, #tpu.memory_space<vmem>>
    %dma_wait3A_32 = tpu.memref_squeeze %dma_wait3A_31 : memref<1x128xi32, #tpu.memory_space<vmem>> -> memref<128xi32, #tpu.memory_space<vmem>>
    %dma_wait3A_33 = arith.constant 0 : i32
    %dma_wait3A_34 = arith.constant 0 : i32
    %dma_wait3A_35 = tpu.memref_slice %arg7[%dma_wait3A_33, %dma_wait3A_34] : memref<10240x128xf32, #tpu.memory_space<vmem_shared>> -> memref<10240x128xf32, #tpu.memory_space<vmem_shared>>
    tpu.wait_indirect_dma semaphore(%arg13 : memref<!tpu.dma_semaphore, #tpu.memory_space<semaphore_mem>>) src(%dma_wait3A_35 : memref<10240x128xf32, #tpu.memory_space<vmem_shared>>) dst(%arg11 : memref<128x128xf32, #tpu.memory_space<vmem>>)
    return
  }
}

#map = affine_map<(d0, d1) -> (0, 0, 0)>
#map1 = affine_map<(d0, d1) -> (0, 0)>
module attributes {stable_mosaic.version = 14 : i64} {
  func.func @_segsum_body(%arg0: i32, %arg1: i32, %arg2: memref<2x10240x64xf32, #tpu.memory_space<hbm>>, %arg3: memref<16x160x128xi32, #tpu.memory_space<hbm>>, %arg4: memref<16x160x128xi32, #tpu.memory_space<hbm>>, %arg5: memref<10240x64xf32, #tpu.memory_space<hbm>>, %arg6: memref<2x10240x64xf32, #tpu.memory_space<hbm>>, %arg7: memref<10240x64xf32, #tpu.memory_space<vmem_shared>>, %arg8: memref<10240x64xf32, #tpu.memory_space<vmem_shared>>, %arg9: memref<40x128xi32, #tpu.memory_space<vmem>>, %arg10: memref<40x128xi32, #tpu.memory_space<vmem>>, %arg11: memref<128x64xf32, #tpu.memory_space<vmem>>, %arg12: memref<128x64xf32, #tpu.memory_space<vmem>>, %arg13: memref<!tpu.dma_semaphore, #tpu.memory_space<semaphore_mem>>, %arg14: memref<!tpu.dma_semaphore, #tpu.memory_space<semaphore_mem>>, %arg15: memref<!tpu.dma_semaphore, #tpu.memory_space<semaphore_mem>>, %arg16: memref<!tpu.dma_semaphore, #tpu.memory_space<semaphore_mem>>, %arg17: memref<!tpu.dma_semaphore, #tpu.memory_space<semaphore_mem>>) attributes {dimension_semantics = [#tpu.dimension_semantics<core_parallel>, #tpu.dimension_semantics<subcore_parallel>], iteration_bounds = array<i64: 2, 16>, scalar_prefetch = 0 : i64, scratch_operands = 11 : i64, tpu.core_type = #tpu.core_type<sc_vector_subcore>, window_params = [{transform_indices = #map}, {transform_indices = #map}, {transform_indices = #map}, {transform_indices = #map1}, {transform_indices = #map}]} {
    %mul3A = arith.constant 640 : i32
    %mul3A_0 = arith.muli %arg1, %mul3A : i32
    %mul3A_1 = arith.constant 640 : i32
    %mul3A_2 = arith.muli %arg1, %mul3A_1 : i32
    %dma_start3A = arith.constant 0 : i32
    %dma_start3A_3 = tpu.memref_slice %arg8[%mul3A_2, %dma_start3A] : memref<10240x64xf32, #tpu.memory_space<vmem_shared>> -> memref<640x64xf32, #tpu.memory_space<vmem_shared>>
    %dma_start3A_4 = arith.constant 0 : i32
    %dma_start3A_5 = tpu.memref_slice %arg5[%mul3A_0, %dma_start3A_4] : memref<10240x64xf32, #tpu.memory_space<hbm>> -> memref<640x64xf32, #tpu.memory_space<hbm>>
    tpu.enqueue_dma source(%dma_start3A_5 : memref<640x64xf32, #tpu.memory_space<hbm>>) target(%dma_start3A_3 : memref<640x64xf32, #tpu.memory_space<vmem_shared>>) target_semaphore(%arg17 : memref<!tpu.dma_semaphore, #tpu.memory_space<semaphore_mem>>)
    %mul3A_6 = arith.constant 640 : i32
    %mul3A_7 = arith.muli %arg1, %mul3A_6 : i32
    %mul3A_8 = arith.constant 640 : i32
    %mul3A_9 = arith.muli %arg1, %mul3A_8 : i32
    "tpu.region"() ({
      %run_scoped3A = tpu.sem_alloc : memref<!tpu.dma_semaphore, #tpu.memory_space<semaphore_mem>>
      %dma_start3A_23 = arith.constant 0 : i32
      %dma_start3A_24 = tpu.memref_slice %arg7[%mul3A_9, %dma_start3A_23] : memref<10240x64xf32, #tpu.memory_space<vmem_shared>> -> memref<640x64xf32, #tpu.memory_space<vmem_shared>>
      %dma_start3A_25 = arith.constant 0 : i32
      %dma_start3A_26 = tpu.memref_slice %arg2[%arg0, %mul3A_7, %dma_start3A_25] : memref<2x10240x64xf32, #tpu.memory_space<hbm>> -> memref<1x640x64xf32, #tpu.memory_space<hbm>>
      %dma_start3A_27 = tpu.memref_squeeze %dma_start3A_26 : memref<1x640x64xf32, #tpu.memory_space<hbm>> -> memref<640x64xf32, #tpu.memory_space<hbm>>
      tpu.enqueue_dma source(%dma_start3A_27 : memref<640x64xf32, #tpu.memory_space<hbm>>) target(%dma_start3A_24 : memref<640x64xf32, #tpu.memory_space<vmem_shared>>) target_semaphore(%run_scoped3A : memref<!tpu.dma_semaphore, #tpu.memory_space<semaphore_mem>>)
      %dma_wait3A_28 = arith.constant 0 : i32
      %dma_wait3A_29 = tpu.memref_slice %arg7[%mul3A_9, %dma_wait3A_28] : memref<10240x64xf32, #tpu.memory_space<vmem_shared>> -> memref<640x64xf32, #tpu.memory_space<vmem_shared>>
      %dma_wait3A_30 = arith.constant 0 : i32
      %dma_wait3A_31 = tpu.memref_slice %arg2[%arg0, %mul3A_7, %dma_wait3A_30] : memref<2x10240x64xf32, #tpu.memory_space<hbm>> -> memref<1x640x64xf32, #tpu.memory_space<hbm>>
      %dma_wait3A_32 = tpu.memref_squeeze %dma_wait3A_31 : memref<1x640x64xf32, #tpu.memory_space<hbm>> -> memref<640x64xf32, #tpu.memory_space<hbm>>
      tpu.wait_dma2 semaphore(%run_scoped3A : memref<!tpu.dma_semaphore, #tpu.memory_space<semaphore_mem>>) src(%dma_wait3A_32 : memref<640x64xf32, #tpu.memory_space<hbm>>) dst(%dma_wait3A_29 : memref<640x64xf32, #tpu.memory_space<vmem_shared>>)
      tpu.yield
    }) : () -> ()
    "tpu.region"() ({
      %run_scoped3A = tpu.sem_alloc : memref<!tpu.dma_semaphore, #tpu.memory_space<semaphore_mem>>
      %dma_start3A_23 = arith.constant 0 : i32
      %dma_start3A_24 = arith.constant 0 : i32
      %dma_start3A_25 = tpu.memref_slice %arg3[%arg1, %dma_start3A_23, %dma_start3A_24] : memref<16x160x128xi32, #tpu.memory_space<hbm>> -> memref<1x40x128xi32, #tpu.memory_space<hbm>>
      %dma_start3A_26 = tpu.memref_squeeze %dma_start3A_25 : memref<1x40x128xi32, #tpu.memory_space<hbm>> -> memref<40x128xi32, #tpu.memory_space<hbm>>
      %dma_start3A_27 = arith.constant 0 : i32
      %dma_start3A_28 = arith.constant 0 : i32
      %dma_start3A_29 = tpu.memref_slice %arg3[%arg1, %dma_start3A_27, %dma_start3A_28] : memref<16x160x128xi32, #tpu.memory_space<hbm>> -> memref<1x40x128xi32, #tpu.memory_space<hbm>>
      %dma_start3A_30 = tpu.memref_squeeze %dma_start3A_29 : memref<1x40x128xi32, #tpu.memory_space<hbm>> -> memref<40x128xi32, #tpu.memory_space<hbm>>
      tpu.enqueue_dma source(%dma_start3A_30 : memref<40x128xi32, #tpu.memory_space<hbm>>) target(%arg9 : memref<40x128xi32, #tpu.memory_space<vmem>>) target_semaphore(%run_scoped3A : memref<!tpu.dma_semaphore, #tpu.memory_space<semaphore_mem>>)
      %dma_wait3A_31 = arith.constant 0 : i32
      %dma_wait3A_32 = arith.constant 0 : i32
      %dma_wait3A_33 = tpu.memref_slice %arg3[%arg1, %dma_wait3A_31, %dma_wait3A_32] : memref<16x160x128xi32, #tpu.memory_space<hbm>> -> memref<1x40x128xi32, #tpu.memory_space<hbm>>
      %dma_wait3A_34 = tpu.memref_squeeze %dma_wait3A_33 : memref<1x40x128xi32, #tpu.memory_space<hbm>> -> memref<40x128xi32, #tpu.memory_space<hbm>>
      %dma_wait3A_35 = arith.constant 0 : i32
      %dma_wait3A_36 = arith.constant 0 : i32
      %dma_wait3A_37 = tpu.memref_slice %arg3[%arg1, %dma_wait3A_35, %dma_wait3A_36] : memref<16x160x128xi32, #tpu.memory_space<hbm>> -> memref<1x40x128xi32, #tpu.memory_space<hbm>>
      %dma_wait3A_38 = tpu.memref_squeeze %dma_wait3A_37 : memref<1x40x128xi32, #tpu.memory_space<hbm>> -> memref<40x128xi32, #tpu.memory_space<hbm>>
      tpu.wait_dma2 semaphore(%run_scoped3A : memref<!tpu.dma_semaphore, #tpu.memory_space<semaphore_mem>>) src(%dma_wait3A_38 : memref<40x128xi32, #tpu.memory_space<hbm>>) dst(%arg9 : memref<40x128xi32, #tpu.memory_space<vmem>>)
      tpu.yield
    }) : () -> ()
    "tpu.region"() ({
      %run_scoped3A = tpu.sem_alloc : memref<!tpu.dma_semaphore, #tpu.memory_space<semaphore_mem>>
      %dma_start3A_23 = arith.constant 0 : i32
      %dma_start3A_24 = arith.constant 0 : i32
      %dma_start3A_25 = tpu.memref_slice %arg4[%arg1, %dma_start3A_23, %dma_start3A_24] : memref<16x160x128xi32, #tpu.memory_space<hbm>> -> memref<1x40x128xi32, #tpu.memory_space<hbm>>
      %dma_start3A_26 = tpu.memref_squeeze %dma_start3A_25 : memref<1x40x128xi32, #tpu.memory_space<hbm>> -> memref<40x128xi32, #tpu.memory_space<hbm>>
      %dma_start3A_27 = arith.constant 0 : i32
      %dma_start3A_28 = arith.constant 0 : i32
      %dma_start3A_29 = tpu.memref_slice %arg4[%arg1, %dma_start3A_27, %dma_start3A_28] : memref<16x160x128xi32, #tpu.memory_space<hbm>> -> memref<1x40x128xi32, #tpu.memory_space<hbm>>
      %dma_start3A_30 = tpu.memref_squeeze %dma_start3A_29 : memref<1x40x128xi32, #tpu.memory_space<hbm>> -> memref<40x128xi32, #tpu.memory_space<hbm>>
      tpu.enqueue_dma source(%dma_start3A_30 : memref<40x128xi32, #tpu.memory_space<hbm>>) target(%arg10 : memref<40x128xi32, #tpu.memory_space<vmem>>) target_semaphore(%run_scoped3A : memref<!tpu.dma_semaphore, #tpu.memory_space<semaphore_mem>>)
      %dma_wait3A_31 = arith.constant 0 : i32
      %dma_wait3A_32 = arith.constant 0 : i32
      %dma_wait3A_33 = tpu.memref_slice %arg4[%arg1, %dma_wait3A_31, %dma_wait3A_32] : memref<16x160x128xi32, #tpu.memory_space<hbm>> -> memref<1x40x128xi32, #tpu.memory_space<hbm>>
      %dma_wait3A_34 = tpu.memref_squeeze %dma_wait3A_33 : memref<1x40x128xi32, #tpu.memory_space<hbm>> -> memref<40x128xi32, #tpu.memory_space<hbm>>
      %dma_wait3A_35 = arith.constant 0 : i32
      %dma_wait3A_36 = arith.constant 0 : i32
      %dma_wait3A_37 = tpu.memref_slice %arg4[%arg1, %dma_wait3A_35, %dma_wait3A_36] : memref<16x160x128xi32, #tpu.memory_space<hbm>> -> memref<1x40x128xi32, #tpu.memory_space<hbm>>
      %dma_wait3A_38 = tpu.memref_squeeze %dma_wait3A_37 : memref<1x40x128xi32, #tpu.memory_space<hbm>> -> memref<40x128xi32, #tpu.memory_space<hbm>>
      tpu.wait_dma2 semaphore(%run_scoped3A : memref<!tpu.dma_semaphore, #tpu.memory_space<semaphore_mem>>) src(%dma_wait3A_38 : memref<40x128xi32, #tpu.memory_space<hbm>>) dst(%arg10 : memref<40x128xi32, #tpu.memory_space<vmem>>)
      tpu.yield
    }) : () -> ()
    %dma_wait3A = arith.constant 0 : i32
    %dma_wait3A_10 = tpu.memref_slice %arg8[%mul3A_2, %dma_wait3A] : memref<10240x64xf32, #tpu.memory_space<vmem_shared>> -> memref<640x64xf32, #tpu.memory_space<vmem_shared>>
    %dma_wait3A_11 = arith.constant 0 : i32
    %dma_wait3A_12 = tpu.memref_slice %arg5[%mul3A_0, %dma_wait3A_11] : memref<10240x64xf32, #tpu.memory_space<hbm>> -> memref<640x64xf32, #tpu.memory_space<hbm>>
    tpu.wait_dma2 semaphore(%arg17 : memref<!tpu.dma_semaphore, #tpu.memory_space<semaphore_mem>>) src(%dma_wait3A_12 : memref<640x64xf32, #tpu.memory_space<hbm>>) dst(%dma_wait3A_10 : memref<640x64xf32, #tpu.memory_space<vmem_shared>>)
    %barrier3A = arith.constant 0 : index
    tpu.barrier barrier_id(%barrier3A)
    %scan3A = arith.constant 0 : i32
    %scan3A_13 = arith.constant 0 : i32
    %scan3A_14 = arith.constant 4 : i32
    %scan3A_15 = arith.addi %scan3A_13, %scan3A_14 : i32
    %scan3A_16 = arith.constant 1 : i32
    scf.for %scan3A_23 = %scan3A_13 to %scan3A_15 step %scan3A_16  : i32 {
      %dma_start3A_24 = arith.constant 0 : i32
      %dma_start3A_25 = arith.constant 0 : i32
      %dma_start3A_26 = tpu.memref_slice %arg9[%dma_start3A_24, %dma_start3A_25] : memref<40x128xi32, #tpu.memory_space<vmem>> -> memref<1x128xi32, #tpu.memory_space<vmem>>
      %dma_start3A_27 = tpu.memref_squeeze %dma_start3A_26 : memref<1x128xi32, #tpu.memory_space<vmem>> -> memref<128xi32, #tpu.memory_space<vmem>>
      %dma_start3A_28 = arith.constant 0 : i32
      %dma_start3A_29 = arith.constant 0 : i32
      %dma_start3A_30 = tpu.memref_slice %arg7[%dma_start3A_28, %dma_start3A_29] : memref<10240x64xf32, #tpu.memory_space<vmem_shared>> -> memref<10240x64xf32, #tpu.memory_space<vmem_shared>>
      tpu.enqueue_indirect_dma source(%dma_start3A_30 : memref<10240x64xf32, #tpu.memory_space<vmem_shared>>) target(%arg11 : memref<128x64xf32, #tpu.memory_space<vmem>>) offsets(%dma_start3A_27 : memref<128xi32, #tpu.memory_space<vmem>>) semaphore(%arg13 : memref<!tpu.dma_semaphore, #tpu.memory_space<semaphore_mem>>)
      %dma_start3A_31 = arith.constant 1 : i32
      %dma_start3A_32 = arith.constant 0 : i32
      %dma_start3A_33 = tpu.memref_slice %arg9[%dma_start3A_31, %dma_start3A_32] : memref<40x128xi32, #tpu.memory_space<vmem>> -> memref<1x128xi32, #tpu.memory_space<vmem>>
      %dma_start3A_34 = tpu.memref_squeeze %dma_start3A_33 : memref<1x128xi32, #tpu.memory_space<vmem>> -> memref<128xi32, #tpu.memory_space<vmem>>
      %dma_start3A_35 = arith.constant 0 : i32
      %dma_start3A_36 = arith.constant 0 : i32
      %dma_start3A_37 = tpu.memref_slice %arg7[%dma_start3A_35, %dma_start3A_36] : memref<10240x64xf32, #tpu.memory_space<vmem_shared>> -> memref<10240x64xf32, #tpu.memory_space<vmem_shared>>
      tpu.enqueue_indirect_dma source(%dma_start3A_37 : memref<10240x64xf32, #tpu.memory_space<vmem_shared>>) target(%arg12 : memref<128x64xf32, #tpu.memory_space<vmem>>) offsets(%dma_start3A_34 : memref<128xi32, #tpu.memory_space<vmem>>) semaphore(%arg14 : memref<!tpu.dma_semaphore, #tpu.memory_space<semaphore_mem>>)
      %scan3A_38 = arith.constant 0 : i32
      %scan3A_39 = arith.constant 0 : i32
      %scan3A_40 = arith.constant 20 : i32
      %scan3A_41 = arith.addi %scan3A_39, %scan3A_40 : i32
      %scan3A_42 = arith.constant 1 : i32
      scf.for %scan3A_64 = %scan3A_39 to %scan3A_41 step %scan3A_42  : i32 {
        %mul3A_65 = arith.constant 2 : i32
        %mul3A_66 = arith.muli %mul3A_65, %scan3A_64 : i32
        %mul3A_67 = arith.constant 2 : i32
        %mul3A_68 = arith.muli %mul3A_67, %scan3A_64 : i32
        %add3A_69 = arith.constant 1 : i32
        %add3A_70 = arith.addi %mul3A_68, %add3A_69 : i32
        %mul3A_71 = arith.constant 2 : i32
        %mul3A_72 = arith.muli %mul3A_71, %scan3A_64 : i32
        %add3A_73 = arith.constant 2 : i32
        %add3A_74 = arith.addi %mul3A_72, %add3A_73 : i32
        %min3A_75 = arith.constant 39 : i32
        %min3A_76 = arith.minsi %add3A_74, %min3A_75 : i32
        %mul3A_77 = arith.constant 2 : i32
        %mul3A_78 = arith.muli %mul3A_77, %scan3A_64 : i32
        %add3A_79 = arith.constant 3 : i32
        %add3A_80 = arith.addi %mul3A_78, %add3A_79 : i32
        %min3A_81 = arith.constant 39 : i32
        %min3A_82 = arith.minsi %add3A_80, %min3A_81 : i32
        %dma_wait3A_83 = arith.constant 0 : i32
        %dma_wait3A_84 = arith.constant 0 : i32
        %dma_wait3A_85 = tpu.memref_slice %arg9[%dma_wait3A_83, %dma_wait3A_84] : memref<40x128xi32, #tpu.memory_space<vmem>> -> memref<1x128xi32, #tpu.memory_space<vmem>>
        %dma_wait3A_86 = tpu.memref_squeeze %dma_wait3A_85 : memref<1x128xi32, #tpu.memory_space<vmem>> -> memref<128xi32, #tpu.memory_space<vmem>>
        %dma_wait3A_87 = arith.constant 0 : i32
        %dma_wait3A_88 = arith.constant 0 : i32
        %dma_wait3A_89 = tpu.memref_slice %arg7[%dma_wait3A_87, %dma_wait3A_88] : memref<10240x64xf32, #tpu.memory_space<vmem_shared>> -> memref<10240x64xf32, #tpu.memory_space<vmem_shared>>
        tpu.wait_indirect_dma semaphore(%arg13 : memref<!tpu.dma_semaphore, #tpu.memory_space<semaphore_mem>>) src(%dma_wait3A_89 : memref<10240x64xf32, #tpu.memory_space<vmem_shared>>) dst(%arg11 : memref<128x64xf32, #tpu.memory_space<vmem>>)
        %dma_start3A_90 = arith.constant 0 : i32
        %dma_start3A_91 = tpu.memref_slice %arg10[%mul3A_66, %dma_start3A_90] : memref<40x128xi32, #tpu.memory_space<vmem>> -> memref<1x128xi32, #tpu.memory_space<vmem>>
        %dma_start3A_92 = tpu.memref_squeeze %dma_start3A_91 : memref<1x128xi32, #tpu.memory_space<vmem>> -> memref<128xi32, #tpu.memory_space<vmem>>
        %dma_start3A_93 = arith.constant 0 : i32
        %dma_start3A_94 = arith.constant 0 : i32
        %dma_start3A_95 = tpu.memref_slice %arg8[%dma_start3A_93, %dma_start3A_94] : memref<10240x64xf32, #tpu.memory_space<vmem_shared>> -> memref<10240x64xf32, #tpu.memory_space<vmem_shared>>
        tpu.enqueue_indirect_dma source(%arg11 : memref<128x64xf32, #tpu.memory_space<vmem>>) target(%dma_start3A_95 : memref<10240x64xf32, #tpu.memory_space<vmem_shared>>) offsets(%dma_start3A_92 : memref<128xi32, #tpu.memory_space<vmem>>) semaphore(%arg15 : memref<!tpu.dma_semaphore, #tpu.memory_space<semaphore_mem>>) {add = true}
        %dma_wait3A_96 = arith.constant 0 : i32
        %dma_wait3A_97 = arith.constant 0 : i32
        %dma_wait3A_98 = tpu.memref_slice %arg9[%dma_wait3A_96, %dma_wait3A_97] : memref<40x128xi32, #tpu.memory_space<vmem>> -> memref<1x128xi32, #tpu.memory_space<vmem>>
        %dma_wait3A_99 = tpu.memref_squeeze %dma_wait3A_98 : memref<1x128xi32, #tpu.memory_space<vmem>> -> memref<128xi32, #tpu.memory_space<vmem>>
        %dma_wait3A_100 = arith.constant 0 : i32
        %dma_wait3A_101 = arith.constant 0 : i32
        %dma_wait3A_102 = tpu.memref_slice %arg7[%dma_wait3A_100, %dma_wait3A_101] : memref<10240x64xf32, #tpu.memory_space<vmem_shared>> -> memref<10240x64xf32, #tpu.memory_space<vmem_shared>>
        tpu.wait_indirect_dma semaphore(%arg14 : memref<!tpu.dma_semaphore, #tpu.memory_space<semaphore_mem>>) src(%dma_wait3A_102 : memref<10240x64xf32, #tpu.memory_space<vmem_shared>>) dst(%arg12 : memref<128x64xf32, #tpu.memory_space<vmem>>)
        %dma_start3A_103 = arith.constant 0 : i32
        %dma_start3A_104 = tpu.memref_slice %arg10[%add3A_70, %dma_start3A_103] : memref<40x128xi32, #tpu.memory_space<vmem>> -> memref<1x128xi32, #tpu.memory_space<vmem>>
        %dma_start3A_105 = tpu.memref_squeeze %dma_start3A_104 : memref<1x128xi32, #tpu.memory_space<vmem>> -> memref<128xi32, #tpu.memory_space<vmem>>
        %dma_start3A_106 = arith.constant 0 : i32
        %dma_start3A_107 = arith.constant 0 : i32
        %dma_start3A_108 = tpu.memref_slice %arg8[%dma_start3A_106, %dma_start3A_107] : memref<10240x64xf32, #tpu.memory_space<vmem_shared>> -> memref<10240x64xf32, #tpu.memory_space<vmem_shared>>
        tpu.enqueue_indirect_dma source(%arg12 : memref<128x64xf32, #tpu.memory_space<vmem>>) target(%dma_start3A_108 : memref<10240x64xf32, #tpu.memory_space<vmem_shared>>) offsets(%dma_start3A_105 : memref<128xi32, #tpu.memory_space<vmem>>) semaphore(%arg16 : memref<!tpu.dma_semaphore, #tpu.memory_space<semaphore_mem>>) {add = true}
        %dma_wait3A_109 = arith.constant 0 : i32
        %dma_wait3A_110 = arith.constant 0 : i32
        %dma_wait3A_111 = tpu.memref_slice %arg10[%dma_wait3A_109, %dma_wait3A_110] : memref<40x128xi32, #tpu.memory_space<vmem>> -> memref<1x128xi32, #tpu.memory_space<vmem>>
        %dma_wait3A_112 = tpu.memref_squeeze %dma_wait3A_111 : memref<1x128xi32, #tpu.memory_space<vmem>> -> memref<128xi32, #tpu.memory_space<vmem>>
        %dma_wait3A_113 = arith.constant 0 : i32
        %dma_wait3A_114 = arith.constant 0 : i32
        %dma_wait3A_115 = tpu.memref_slice %arg8[%dma_wait3A_113, %dma_wait3A_114] : memref<10240x64xf32, #tpu.memory_space<vmem_shared>> -> memref<10240x64xf32, #tpu.memory_space<vmem_shared>>
        tpu.wait_indirect_dma semaphore(%arg15 : memref<!tpu.dma_semaphore, #tpu.memory_space<semaphore_mem>>) src(%arg11 : memref<128x64xf32, #tpu.memory_space<vmem>>) dst(%dma_wait3A_115 : memref<10240x64xf32, #tpu.memory_space<vmem_shared>>)
        %dma_start3A_116 = arith.constant 0 : i32
        %dma_start3A_117 = tpu.memref_slice %arg9[%min3A_76, %dma_start3A_116] : memref<40x128xi32, #tpu.memory_space<vmem>> -> memref<1x128xi32, #tpu.memory_space<vmem>>
        %dma_start3A_118 = tpu.memref_squeeze %dma_start3A_117 : memref<1x128xi32, #tpu.memory_space<vmem>> -> memref<128xi32, #tpu.memory_space<vmem>>
        %dma_start3A_119 = arith.constant 0 : i32
        %dma_start3A_120 = arith.constant 0 : i32
        %dma_start3A_121 = tpu.memref_slice %arg7[%dma_start3A_119, %dma_start3A_120] : memref<10240x64xf32, #tpu.memory_space<vmem_shared>> -> memref<10240x64xf32, #tpu.memory_space<vmem_shared>>
        tpu.enqueue_indirect_dma source(%dma_start3A_121 : memref<10240x64xf32, #tpu.memory_space<vmem_shared>>) target(%arg11 : memref<128x64xf32, #tpu.memory_space<vmem>>) offsets(%dma_start3A_118 : memref<128xi32, #tpu.memory_space<vmem>>) semaphore(%arg13 : memref<!tpu.dma_semaphore, #tpu.memory_space<semaphore_mem>>)
        %dma_wait3A_122 = arith.constant 0 : i32
        %dma_wait3A_123 = arith.constant 0 : i32
        %dma_wait3A_124 = tpu.memref_slice %arg10[%dma_wait3A_122, %dma_wait3A_123] : memref<40x128xi32, #tpu.memory_space<vmem>> -> memref<1x128xi32, #tpu.memory_space<vmem>>
        %dma_wait3A_125 = tpu.memref_squeeze %dma_wait3A_124 : memref<1x128xi32, #tpu.memory_space<vmem>> -> memref<128xi32, #tpu.memory_space<vmem>>
        %dma_wait3A_126 = arith.constant 0 : i32
        %dma_wait3A_127 = arith.constant 0 : i32
        %dma_wait3A_128 = tpu.memref_slice %arg8[%dma_wait3A_126, %dma_wait3A_127] : memref<10240x64xf32, #tpu.memory_space<vmem_shared>> -> memref<10240x64xf32, #tpu.memory_space<vmem_shared>>
        tpu.wait_indirect_dma semaphore(%arg16 : memref<!tpu.dma_semaphore, #tpu.memory_space<semaphore_mem>>) src(%arg12 : memref<128x64xf32, #tpu.memory_space<vmem>>) dst(%dma_wait3A_128 : memref<10240x64xf32, #tpu.memory_space<vmem_shared>>)
        %dma_start3A_129 = arith.constant 0 : i32
        %dma_start3A_130 = tpu.memref_slice %arg9[%min3A_82, %dma_start3A_129] : memref<40x128xi32, #tpu.memory_space<vmem>> -> memref<1x128xi32, #tpu.memory_space<vmem>>
        %dma_start3A_131 = tpu.memref_squeeze %dma_start3A_130 : memref<1x128xi32, #tpu.memory_space<vmem>> -> memref<128xi32, #tpu.memory_space<vmem>>
        %dma_start3A_132 = arith.constant 0 : i32
        %dma_start3A_133 = arith.constant 0 : i32
        %dma_start3A_134 = tpu.memref_slice %arg7[%dma_start3A_132, %dma_start3A_133] : memref<10240x64xf32, #tpu.memory_space<vmem_shared>> -> memref<10240x64xf32, #tpu.memory_space<vmem_shared>>
        tpu.enqueue_indirect_dma source(%dma_start3A_134 : memref<10240x64xf32, #tpu.memory_space<vmem_shared>>) target(%arg12 : memref<128x64xf32, #tpu.memory_space<vmem>>) offsets(%dma_start3A_131 : memref<128xi32, #tpu.memory_space<vmem>>) semaphore(%arg14 : memref<!tpu.dma_semaphore, #tpu.memory_space<semaphore_mem>>)
      }
      %scan3A_43 = arith.constant 20 : i32
      %dma_wait3A_44 = arith.constant 0 : i32
      %dma_wait3A_45 = arith.constant 0 : i32
      %dma_wait3A_46 = tpu.memref_slice %arg9[%dma_wait3A_44, %dma_wait3A_45] : memref<40x128xi32, #tpu.memory_space<vmem>> -> memref<1x128xi32, #tpu.memory_space<vmem>>
      %dma_wait3A_47 = tpu.memref_squeeze %dma_wait3A_46 : memref<1x128xi32, #tpu.memory_space<vmem>> -> memref<128xi32, #tpu.memory_space<vmem>>
      %dma_wait3A_48 = arith.constant 0 : i32
      %dma_wait3A_49 = arith.constant 0 : i32
      %dma_wait3A_50 = tpu.memref_slice %arg7[%dma_wait3A_48, %dma_wait3A_49] : memref<10240x64xf32, #tpu.memory_space<vmem_shared>> -> memref<10240x64xf32, #tpu.memory_space<vmem_shared>>
      tpu.wait_indirect_dma semaphore(%arg13 : memref<!tpu.dma_semaphore, #tpu.memory_space<semaphore_mem>>) src(%dma_wait3A_50 : memref<10240x64xf32, #tpu.memory_space<vmem_shared>>) dst(%arg11 : memref<128x64xf32, #tpu.memory_space<vmem>>)
      %dma_wait3A_51 = arith.constant 0 : i32
      %dma_wait3A_52 = arith.constant 0 : i32
      %dma_wait3A_53 = tpu.memref_slice %arg9[%dma_wait3A_51, %dma_wait3A_52] : memref<40x128xi32, #tpu.memory_space<vmem>> -> memref<1x128xi32, #tpu.memory_space<vmem>>
      %dma_wait3A_54 = tpu.memref_squeeze %dma_wait3A_53 : memref<1x128xi32, #tpu.memory_space<vmem>> -> memref<128xi32, #tpu.memory_space<vmem>>
      %dma_wait3A_55 = arith.constant 0 : i32
      %dma_wait3A_56 = arith.constant 0 : i32
      %dma_wait3A_57 = tpu.memref_slice %arg7[%dma_wait3A_55, %dma_wait3A_56] : memref<10240x64xf32, #tpu.memory_space<vmem_shared>> -> memref<10240x64xf32, #tpu.memory_space<vmem_shared>>
      tpu.wait_indirect_dma semaphore(%arg14 : memref<!tpu.dma_semaphore, #tpu.memory_space<semaphore_mem>>) src(%dma_wait3A_57 : memref<10240x64xf32, #tpu.memory_space<vmem_shared>>) dst(%arg12 : memref<128x64xf32, #tpu.memory_space<vmem>>)
      %add3A = arith.constant 1 : i32
      %add3A_58 = arith.addi %scan3A_23, %add3A : i32
      %min3A = arith.constant 3 : i32
      %min3A_59 = arith.minsi %add3A_58, %min3A : i32
      %mul3A_60 = arith.constant 40 : i32
      %mul3A_61 = arith.muli %min3A_59, %mul3A_60 : i32
      "tpu.region"() ({
        %run_scoped3A = tpu.sem_alloc : memref<!tpu.dma_semaphore, #tpu.memory_space<semaphore_mem>>
        %dma_start3A_64 = arith.constant 0 : i32
        %dma_start3A_65 = tpu.memref_slice %arg3[%arg1, %mul3A_61, %dma_start3A_64] : memref<16x160x128xi32, #tpu.memory_space<hbm>> -> memref<1x40x128xi32, #tpu.memory_space<hbm>>
        %dma_start3A_66 = tpu.memref_squeeze %dma_start3A_65 : memref<1x40x128xi32, #tpu.memory_space<hbm>> -> memref<40x128xi32, #tpu.memory_space<hbm>>
        %dma_start3A_67 = arith.constant 0 : i32
        %dma_start3A_68 = tpu.memref_slice %arg3[%arg1, %mul3A_61, %dma_start3A_67] : memref<16x160x128xi32, #tpu.memory_space<hbm>> -> memref<1x40x128xi32, #tpu.memory_space<hbm>>
        %dma_start3A_69 = tpu.memref_squeeze %dma_start3A_68 : memref<1x40x128xi32, #tpu.memory_space<hbm>> -> memref<40x128xi32, #tpu.memory_space<hbm>>
        tpu.enqueue_dma source(%dma_start3A_69 : memref<40x128xi32, #tpu.memory_space<hbm>>) target(%arg9 : memref<40x128xi32, #tpu.memory_space<vmem>>) target_semaphore(%run_scoped3A : memref<!tpu.dma_semaphore, #tpu.memory_space<semaphore_mem>>)
        %dma_wait3A_70 = arith.constant 0 : i32
        %dma_wait3A_71 = tpu.memref_slice %arg3[%arg1, %mul3A_61, %dma_wait3A_70] : memref<16x160x128xi32, #tpu.memory_space<hbm>> -> memref<1x40x128xi32, #tpu.memory_space<hbm>>
        %dma_wait3A_72 = tpu.memref_squeeze %dma_wait3A_71 : memref<1x40x128xi32, #tpu.memory_space<hbm>> -> memref<40x128xi32, #tpu.memory_space<hbm>>
        %dma_wait3A_73 = arith.constant 0 : i32
        %dma_wait3A_74 = tpu.memref_slice %arg3[%arg1, %mul3A_61, %dma_wait3A_73] : memref<16x160x128xi32, #tpu.memory_space<hbm>> -> memref<1x40x128xi32, #tpu.memory_space<hbm>>
        %dma_wait3A_75 = tpu.memref_squeeze %dma_wait3A_74 : memref<1x40x128xi32, #tpu.memory_space<hbm>> -> memref<40x128xi32, #tpu.memory_space<hbm>>
        tpu.wait_dma2 semaphore(%run_scoped3A : memref<!tpu.dma_semaphore, #tpu.memory_space<semaphore_mem>>) src(%dma_wait3A_75 : memref<40x128xi32, #tpu.memory_space<hbm>>) dst(%arg9 : memref<40x128xi32, #tpu.memory_space<vmem>>)
        tpu.yield
      }) : () -> ()
      %mul3A_62 = arith.constant 40 : i32
      %mul3A_63 = arith.muli %min3A_59, %mul3A_62 : i32
      "tpu.region"() ({
        %run_scoped3A = tpu.sem_alloc : memref<!tpu.dma_semaphore, #tpu.memory_space<semaphore_mem>>
        %dma_start3A_64 = arith.constant 0 : i32
        %dma_start3A_65 = tpu.memref_slice %arg4[%arg1, %mul3A_63, %dma_start3A_64] : memref<16x160x128xi32, #tpu.memory_space<hbm>> -> memref<1x40x128xi32, #tpu.memory_space<hbm>>
        %dma_start3A_66 = tpu.memref_squeeze %dma_start3A_65 : memref<1x40x128xi32, #tpu.memory_space<hbm>> -> memref<40x128xi32, #tpu.memory_space<hbm>>
        %dma_start3A_67 = arith.constant 0 : i32
        %dma_start3A_68 = tpu.memref_slice %arg4[%arg1, %mul3A_63, %dma_start3A_67] : memref<16x160x128xi32, #tpu.memory_space<hbm>> -> memref<1x40x128xi32, #tpu.memory_space<hbm>>
        %dma_start3A_69 = tpu.memref_squeeze %dma_start3A_68 : memref<1x40x128xi32, #tpu.memory_space<hbm>> -> memref<40x128xi32, #tpu.memory_space<hbm>>
        tpu.enqueue_dma source(%dma_start3A_69 : memref<40x128xi32, #tpu.memory_space<hbm>>) target(%arg10 : memref<40x128xi32, #tpu.memory_space<vmem>>) target_semaphore(%run_scoped3A : memref<!tpu.dma_semaphore, #tpu.memory_space<semaphore_mem>>)
        %dma_wait3A_70 = arith.constant 0 : i32
        %dma_wait3A_71 = tpu.memref_slice %arg4[%arg1, %mul3A_63, %dma_wait3A_70] : memref<16x160x128xi32, #tpu.memory_space<hbm>> -> memref<1x40x128xi32, #tpu.memory_space<hbm>>
        %dma_wait3A_72 = tpu.memref_squeeze %dma_wait3A_71 : memref<1x40x128xi32, #tpu.memory_space<hbm>> -> memref<40x128xi32, #tpu.memory_space<hbm>>
        %dma_wait3A_73 = arith.constant 0 : i32
        %dma_wait3A_74 = tpu.memref_slice %arg4[%arg1, %mul3A_63, %dma_wait3A_73] : memref<16x160x128xi32, #tpu.memory_space<hbm>> -> memref<1x40x128xi32, #tpu.memory_space<hbm>>
        %dma_wait3A_75 = tpu.memref_squeeze %dma_wait3A_74 : memref<1x40x128xi32, #tpu.memory_space<hbm>> -> memref<40x128xi32, #tpu.memory_space<hbm>>
        tpu.wait_dma2 semaphore(%run_scoped3A : memref<!tpu.dma_semaphore, #tpu.memory_space<semaphore_mem>>) src(%dma_wait3A_75 : memref<40x128xi32, #tpu.memory_space<hbm>>) dst(%arg10 : memref<40x128xi32, #tpu.memory_space<vmem>>)
        tpu.yield
      }) : () -> ()
    }
    %scan3A_17 = arith.constant 4 : i32
    %barrier3A_18 = arith.constant 0 : index
    tpu.barrier barrier_id(%barrier3A_18)
    %mul3A_19 = arith.constant 640 : i32
    %mul3A_20 = arith.muli %arg1, %mul3A_19 : i32
    %mul3A_21 = arith.constant 640 : i32
    %mul3A_22 = arith.muli %arg1, %mul3A_21 : i32
    "tpu.region"() ({
      %run_scoped3A = tpu.sem_alloc : memref<!tpu.dma_semaphore, #tpu.memory_space<semaphore_mem>>
      %dma_start3A_23 = arith.constant 0 : i32
      %dma_start3A_24 = tpu.memref_slice %arg6[%arg0, %mul3A_22, %dma_start3A_23] : memref<2x10240x64xf32, #tpu.memory_space<hbm>> -> memref<1x640x64xf32, #tpu.memory_space<hbm>>
      %dma_start3A_25 = tpu.memref_squeeze %dma_start3A_24 : memref<1x640x64xf32, #tpu.memory_space<hbm>> -> memref<640x64xf32, #tpu.memory_space<hbm>>
      %dma_start3A_26 = arith.constant 0 : i32
      %dma_start3A_27 = tpu.memref_slice %arg8[%mul3A_20, %dma_start3A_26] : memref<10240x64xf32, #tpu.memory_space<vmem_shared>> -> memref<640x64xf32, #tpu.memory_space<vmem_shared>>
      tpu.enqueue_dma source(%dma_start3A_27 : memref<640x64xf32, #tpu.memory_space<vmem_shared>>) target(%dma_start3A_25 : memref<640x64xf32, #tpu.memory_space<hbm>>) target_semaphore(%run_scoped3A : memref<!tpu.dma_semaphore, #tpu.memory_space<semaphore_mem>>)
      %dma_wait3A_28 = arith.constant 0 : i32
      %dma_wait3A_29 = tpu.memref_slice %arg6[%arg0, %mul3A_22, %dma_wait3A_28] : memref<2x10240x64xf32, #tpu.memory_space<hbm>> -> memref<1x640x64xf32, #tpu.memory_space<hbm>>
      %dma_wait3A_30 = tpu.memref_squeeze %dma_wait3A_29 : memref<1x640x64xf32, #tpu.memory_space<hbm>> -> memref<640x64xf32, #tpu.memory_space<hbm>>
      %dma_wait3A_31 = arith.constant 0 : i32
      %dma_wait3A_32 = tpu.memref_slice %arg8[%mul3A_20, %dma_wait3A_31] : memref<10240x64xf32, #tpu.memory_space<vmem_shared>> -> memref<640x64xf32, #tpu.memory_space<vmem_shared>>
      tpu.wait_dma2 semaphore(%run_scoped3A : memref<!tpu.dma_semaphore, #tpu.memory_space<semaphore_mem>>) src(%dma_wait3A_32 : memref<640x64xf32, #tpu.memory_space<vmem_shared>>) dst(%dma_wait3A_30 : memref<640x64xf32, #tpu.memory_space<hbm>>)
      tpu.yield
    }) : () -> ()
    return
  }
}

module attributes {stable_mosaic.version = 14 : i64} {
  func.func @_gin_mlp_kernel(%arg0: i32, %arg1: memref<2x1024x64xf32, #tpu.memory_space<vmem>>, %arg2: memref<2x1024x64xf32, #tpu.memory_space<vmem>>, %arg3: memref<1x64xf32, #tpu.memory_space<vmem>>, %arg4: memref<64x128xf32, #tpu.memory_space<vmem>>, %arg5: memref<64x128xf32, #tpu.memory_space<vmem>>, %arg6: memref<1x128xf32, #tpu.memory_space<vmem>>, %arg7: memref<128x128xf32, #tpu.memory_space<vmem>>, %arg8: memref<1x128xf32, #tpu.memory_space<vmem>>, %arg9: memref<2x1024x64xf32, #tpu.memory_space<vmem>>) attributes {dimension_semantics = [#tpu.dimension_semantics<arbitrary>], iteration_bounds = array<i64: 10>, scalar_prefetch = 0 : i64, scratch_operands = 0 : i64, tpu.core_type = #tpu.core_type<tc>, window_params = [{transform_indices = @transform_0, window_bounds = array<i64: 2, 1024, 64>}, {transform_indices = @transform_1, window_bounds = array<i64: 2, 1024, 64>}, {pipeline_mode = #tpu.pipeline_mode<synchronous>, transform_indices = @transform_2, window_bounds = array<i64: 1, 64>}, {pipeline_mode = #tpu.pipeline_mode<synchronous>, transform_indices = @transform_3, window_bounds = array<i64: 64, 128>}, {pipeline_mode = #tpu.pipeline_mode<synchronous>, transform_indices = @transform_4, window_bounds = array<i64: 64, 128>}, {pipeline_mode = #tpu.pipeline_mode<synchronous>, transform_indices = @transform_5, window_bounds = array<i64: 1, 128>}, {pipeline_mode = #tpu.pipeline_mode<synchronous>, transform_indices = @transform_6, window_bounds = array<i64: 128, 128>}, {pipeline_mode = #tpu.pipeline_mode<synchronous>, transform_indices = @transform_7, window_bounds = array<i64: 1, 128>}, {transform_indices = @transform_8, window_bounds = array<i64: 2, 1024, 64>}]} {
    %get3A = arith.constant 0 : index
    %get3A_0 = arith.constant 0 : index
    %get3A_1 = arith.constant 0 : index
    %get3A_2 = vector.load %arg1[%get3A, %get3A_0, %get3A_1] : memref<2x1024x64xf32, #tpu.memory_space<vmem>>, vector<1x1024x64xf32>
    %get3A_3 = vector.shape_cast %get3A_2 : vector<1x1024x64xf32> to vector<1024x64xf32>
    %get3A_4 = arith.constant 0 : index
    %get3A_5 = arith.constant 0 : index
    %get3A_6 = vector.load %arg3[%get3A_4, %get3A_5] : memref<1x64xf32, #tpu.memory_space<vmem>>, vector<1x64xf32>
    %add3A = arith.constant 1.000000e+00 : f32
    %add3A_7 = vector.broadcast %add3A : f32 to vector<1x64xf32>
    %add3A_8 = arith.addf %add3A_7, %get3A_6 : vector<1x64xf32>
    %mul3A = vector.broadcast %add3A_8 : vector<1x64xf32> to vector<1024x64xf32>
    %mul3A_9 = arith.mulf %get3A_3, %mul3A : vector<1024x64xf32>
    %get3A_10 = arith.constant 0 : index
    %get3A_11 = arith.constant 0 : index
    %get3A_12 = arith.constant 0 : index
    %get3A_13 = vector.load %arg2[%get3A_10, %get3A_11, %get3A_12] : memref<2x1024x64xf32, #tpu.memory_space<vmem>>, vector<1x1024x64xf32>
    %get3A_14 = vector.shape_cast %get3A_13 : vector<1x1024x64xf32> to vector<1024x64xf32>
    %add3A_15 = arith.addf %mul3A_9, %get3A_14 : vector<1024x64xf32>
    %get3A_16 = arith.constant 1 : index
    %get3A_17 = arith.constant 0 : index
    %get3A_18 = arith.constant 0 : index
    %get3A_19 = vector.load %arg1[%get3A_16, %get3A_17, %get3A_18] : memref<2x1024x64xf32, #tpu.memory_space<vmem>>, vector<1x1024x64xf32>
    %get3A_20 = vector.shape_cast %get3A_19 : vector<1x1024x64xf32> to vector<1024x64xf32>
    %get3A_21 = arith.constant 0 : index
    %get3A_22 = arith.constant 0 : index
    %get3A_23 = vector.load %arg3[%get3A_21, %get3A_22] : memref<1x64xf32, #tpu.memory_space<vmem>>, vector<1x64xf32>
    %add3A_24 = arith.constant 1.000000e+00 : f32
    %add3A_25 = vector.broadcast %add3A_24 : f32 to vector<1x64xf32>
    %add3A_26 = arith.addf %add3A_25, %get3A_23 : vector<1x64xf32>
    %mul3A_27 = vector.broadcast %add3A_26 : vector<1x64xf32> to vector<1024x64xf32>
    %mul3A_28 = arith.mulf %get3A_20, %mul3A_27 : vector<1024x64xf32>
    %get3A_29 = arith.constant 1 : index
    %get3A_30 = arith.constant 0 : index
    %get3A_31 = arith.constant 0 : index
    %get3A_32 = vector.load %arg2[%get3A_29, %get3A_30, %get3A_31] : memref<2x1024x64xf32, #tpu.memory_space<vmem>>, vector<1x1024x64xf32>
    %get3A_33 = vector.shape_cast %get3A_32 : vector<1x1024x64xf32> to vector<1024x64xf32>
    %add3A_34 = arith.addf %mul3A_28, %get3A_33 : vector<1024x64xf32>
    %get3A_35 = arith.constant 0 : index
    %get3A_36 = arith.constant 0 : index
    %get3A_37 = vector.load %arg4[%get3A_35, %get3A_36] : memref<64x128xf32, #tpu.memory_space<vmem>>, vector<64x128xf32>
    %dot_general3A = arith.constant dense<0.000000e+00> : vector<1024x128xf32>
    %dot_general3A_38 = tpu.matmul %add3A_15, %get3A_37, %dot_general3A {dimension_numbers = #tpu.dot_dimension_numbers<[1], [0], [0], [1], [0, 0, 1, 1], [], []>, transpose_lhs_hint = false} : vector<1024x64xf32>, vector<64x128xf32>, vector<1024x128xf32> -> vector<1024x128xf32>
    %get3A_39 = arith.constant 0 : index
    %get3A_40 = arith.constant 0 : index
    %get3A_41 = vector.load %arg5[%get3A_39, %get3A_40] : memref<64x128xf32, #tpu.memory_space<vmem>>, vector<64x128xf32>
    %dot_general3A_42 = arith.constant dense<0.000000e+00> : vector<1024x128xf32>
    %dot_general3A_43 = tpu.matmul %add3A_34, %get3A_41, %dot_general3A_42 {dimension_numbers = #tpu.dot_dimension_numbers<[1], [0], [0], [1], [0, 0, 1, 1], [], []>, transpose_lhs_hint = false} : vector<1024x64xf32>, vector<64x128xf32>, vector<1024x128xf32> -> vector<1024x128xf32>
    %add3A_44 = arith.addf %dot_general3A_38, %dot_general3A_43 : vector<1024x128xf32>
    %get3A_45 = arith.constant 0 : index
    %get3A_46 = arith.constant 0 : index
    %get3A_47 = vector.load %arg6[%get3A_45, %get3A_46] : memref<1x128xf32, #tpu.memory_space<vmem>>, vector<1x128xf32>
    %add3A_48 = vector.broadcast %get3A_47 : vector<1x128xf32> to vector<1024x128xf32>
    %add3A_49 = arith.addf %add3A_44, %add3A_48 : vector<1024x128xf32>
    %max3A = arith.constant 0.000000e+00 : f32
    %max3A_50 = vector.broadcast %max3A : f32 to vector<1024x128xf32>
    %max3A_51 = arith.maximumf %add3A_49, %max3A_50 : vector<1024x128xf32>
    %get3A_52 = arith.constant 0 : index
    %get3A_53 = arith.constant 0 : index
    %get3A_54 = vector.load %arg7[%get3A_52, %get3A_53] : memref<128x128xf32, #tpu.memory_space<vmem>>, vector<128x128xf32>
    %dot_general3A_55 = arith.constant dense<0.000000e+00> : vector<1024x128xf32>
    %dot_general3A_56 = tpu.matmul %max3A_51, %get3A_54, %dot_general3A_55 {dimension_numbers = #tpu.dot_dimension_numbers<[1], [0], [0], [1], [0, 0, 1, 1], [], []>, transpose_lhs_hint = false} : vector<1024x128xf32>, vector<128x128xf32>, vector<1024x128xf32> -> vector<1024x128xf32>
    %get3A_57 = arith.constant 0 : index
    %get3A_58 = arith.constant 0 : index
    %get3A_59 = vector.load %arg8[%get3A_57, %get3A_58] : memref<1x128xf32, #tpu.memory_space<vmem>>, vector<1x128xf32>
    %add3A_60 = vector.broadcast %get3A_59 : vector<1x128xf32> to vector<1024x128xf32>
    %add3A_61 = arith.addf %dot_general3A_56, %add3A_60 : vector<1024x128xf32>
    %slice3A = vector.extract_strided_slice %add3A_61 {offsets = [0, 0], sizes = [1024, 64], strides = [1, 1]} : vector<1024x128xf32> to vector<1024x64xf32>
    %swap3A = arith.constant 0 : index
    %swap3A_62 = arith.constant 0 : index
    %swap3A_63 = arith.constant 0 : index
    %swap3A_64 = vector.load %arg9[%swap3A, %swap3A_62, %swap3A_63] : memref<2x1024x64xf32, #tpu.memory_space<vmem>>, vector<1x1024x64xf32>
    %swap3A_65 = vector.shape_cast %swap3A_64 : vector<1x1024x64xf32> to vector<1024x64xf32>
    %swap3A_66 = vector.shape_cast %slice3A : vector<1024x64xf32> to vector<1x1024x64xf32>
    tpu.vector_store %arg9[%swap3A, %swap3A_62, %swap3A_63], %swap3A_66 {strides = array<i32>} : memref<2x1024x64xf32, #tpu.memory_space<vmem>>, vector<1x1024x64xf32>,
    %slice3A_67 = vector.extract_strided_slice %add3A_61 {offsets = [0, 64], sizes = [1024, 64], strides = [1, 1]} : vector<1024x128xf32> to vector<1024x64xf32>
    %swap3A_68 = arith.constant 1 : index
    %swap3A_69 = arith.constant 0 : index
    %swap3A_70 = arith.constant 0 : index
    %swap3A_71 = vector.load %arg9[%swap3A_68, %swap3A_69, %swap3A_70] : memref<2x1024x64xf32, #tpu.memory_space<vmem>>, vector<1x1024x64xf32>
    %swap3A_72 = vector.shape_cast %swap3A_71 : vector<1x1024x64xf32> to vector<1024x64xf32>
    %swap3A_73 = vector.shape_cast %slice3A_67 : vector<1024x64xf32> to vector<1x1024x64xf32>
    tpu.vector_store %arg9[%swap3A_68, %swap3A_69, %swap3A_70], %swap3A_73 {strides = array<i32>} : memref<2x1024x64xf32, #tpu.memory_space<vmem>>, vector<1x1024x64xf32>,
    return
  }
  func.func @transform_0(%arg0: i32) -> (i32, i32, i32) {
    %c0_i32 = arith.constant 0 : i32
    %c0_i32_0 = arith.constant 0 : i32
    %c0_i32_1 = arith.constant 0 : i32
    return %c0_i32, %arg0, %c0_i32_0 : i32, i32, i32
  }
  func.func @transform_1(%arg0: i32) -> (i32, i32, i32) {
    %c0_i32 = arith.constant 0 : i32
    %c0_i32_0 = arith.constant 0 : i32
    %c0_i32_1 = arith.constant 0 : i32
    return %c0_i32, %arg0, %c0_i32_0 : i32, i32, i32
  }
  func.func @transform_2(%arg0: i32) -> (i32, i32) {
    %c0_i32 = arith.constant 0 : i32
    %c0_i32_0 = arith.constant 0 : i32
    %c0_i32_1 = arith.constant 0 : i32
    return %c0_i32, %c0_i32_0 : i32, i32
  }
  func.func @transform_3(%arg0: i32) -> (i32, i32) {
    %c0_i32 = arith.constant 0 : i32
    %c0_i32_0 = arith.constant 0 : i32
    %c0_i32_1 = arith.constant 0 : i32
    return %c0_i32, %c0_i32_0 : i32, i32
  }
  func.func @transform_4(%arg0: i32) -> (i32, i32) {
    %c0_i32 = arith.constant 0 : i32
    %c0_i32_0 = arith.constant 0 : i32
    %c0_i32_1 = arith.constant 0 : i32
    return %c0_i32, %c0_i32_0 : i32, i32
  }
  func.func @transform_5(%arg0: i32) -> (i32, i32) {
    %c0_i32 = arith.constant 0 : i32
    %c0_i32_0 = arith.constant 0 : i32
    %c0_i32_1 = arith.constant 0 : i32
    return %c0_i32, %c0_i32_0 : i32, i32
  }
  func.func @transform_6(%arg0: i32) -> (i32, i32) {
    %c0_i32 = arith.constant 0 : i32
    %c0_i32_0 = arith.constant 0 : i32
    %c0_i32_1 = arith.constant 0 : i32
    return %c0_i32, %c0_i32_0 : i32, i32
  }
  func.func @transform_7(%arg0: i32) -> (i32, i32) {
    %c0_i32 = arith.constant 0 : i32
    %c0_i32_0 = arith.constant 0 : i32
    %c0_i32_1 = arith.constant 0 : i32
    return %c0_i32, %c0_i32_0 : i32, i32
  }
  func.func @transform_8(%arg0: i32) -> (i32, i32, i32) {
    %c0_i32 = arith.constant 0 : i32
    %c0_i32_0 = arith.constant 0 : i32
    %c0_i32_1 = arith.constant 0 : i32
    return %c0_i32, %arg0, %c0_i32_0 : i32, i32, i32
  }
}

module attributes {stable_mosaic.version = 14 : i64} {
  func.func @_gin_mlp2_kernel(%arg0: i32, %arg1: memref<2x1024x64xf32, #tpu.memory_space<vmem>>, %arg2: memref<2x1024x64xf32, #tpu.memory_space<vmem>>, %arg3: memref<1x64xf32, #tpu.memory_space<vmem>>, %arg4: memref<64x128xf32, #tpu.memory_space<vmem>>, %arg5: memref<64x128xf32, #tpu.memory_space<vmem>>, %arg6: memref<1x128xf32, #tpu.memory_space<vmem>>, %arg7: memref<128x128xf32, #tpu.memory_space<vmem>>, %arg8: memref<1x128xf32, #tpu.memory_space<vmem>>, %arg9: memref<128x128xf32, #tpu.memory_space<vmem>>, %arg10: memref<1x128xf32, #tpu.memory_space<vmem>>, %arg11: memref<128x128xf32, #tpu.memory_space<vmem>>, %arg12: memref<1x128xf32, #tpu.memory_space<vmem>>, %arg13: memref<128x128xf32, #tpu.memory_space<vmem>>, %arg14: memref<1x128xf32, #tpu.memory_space<vmem>>, %arg15: memref<1024x128xf32, #tpu.memory_space<vmem>>, %arg16: memref<1024x128xf32, #tpu.memory_space<vmem>>, %arg17: memref<1024x128xf32, #tpu.memory_space<vmem>>) attributes {dimension_semantics = [#tpu.dimension_semantics<arbitrary>], iteration_bounds = array<i64: 10>, scalar_prefetch = 0 : i64, scratch_operands = 0 : i64, tpu.core_type = #tpu.core_type<tc>, window_params = [{transform_indices = @transform_0, window_bounds = array<i64: 2, 1024, 64>}, {transform_indices = @transform_1, window_bounds = array<i64: 2, 1024, 64>}, {pipeline_mode = #tpu.pipeline_mode<synchronous>, transform_indices = @transform_2, window_bounds = array<i64: 1, 64>}, {pipeline_mode = #tpu.pipeline_mode<synchronous>, transform_indices = @transform_3, window_bounds = array<i64: 64, 128>}, {pipeline_mode = #tpu.pipeline_mode<synchronous>, transform_indices = @transform_4, window_bounds = array<i64: 64, 128>}, {pipeline_mode = #tpu.pipeline_mode<synchronous>, transform_indices = @transform_5, window_bounds = array<i64: 1, 128>}, {pipeline_mode = #tpu.pipeline_mode<synchronous>, transform_indices = @transform_6, window_bounds = array<i64: 128, 128>}, {pipeline_mode = #tpu.pipeline_mode<synchronous>, transform_indices = @transform_7, window_bounds = array<i64: 1, 128>}, {pipeline_mode = #tpu.pipeline_mode<synchronous>, transform_indices = @transform_8, window_bounds = array<i64: 128, 128>}, {pipeline_mode = #tpu.pipeline_mode<synchronous>, transform_indices = @transform_9, window_bounds = array<i64: 1, 128>}, {pipeline_mode = #tpu.pipeline_mode<synchronous>, transform_indices = @transform_10, window_bounds = array<i64: 128, 128>}, {pipeline_mode = #tpu.pipeline_mode<synchronous>, transform_indices = @transform_11, window_bounds = array<i64: 1, 128>}, {pipeline_mode = #tpu.pipeline_mode<synchronous>, transform_indices = @transform_12, window_bounds = array<i64: 128, 128>}, {pipeline_mode = #tpu.pipeline_mode<synchronous>, transform_indices = @transform_13, window_bounds = array<i64: 1, 128>}, {transform_indices = @transform_14, window_bounds = array<i64: 1024, 128>}, {transform_indices = @transform_15, window_bounds = array<i64: 1024, 128>}, {transform_indices = @transform_16, window_bounds = array<i64: 1024, 128>}]} {
    %get3A = arith.constant 0 : index
    %get3A_0 = arith.constant 0 : index
    %get3A_1 = arith.constant 0 : index
    %get3A_2 = vector.load %arg1[%get3A, %get3A_0, %get3A_1] : memref<2x1024x64xf32, #tpu.memory_space<vmem>>, vector<1x1024x64xf32>
    %get3A_3 = vector.shape_cast %get3A_2 : vector<1x1024x64xf32> to vector<1024x64xf32>
    %get3A_4 = arith.constant 0 : index
    %get3A_5 = arith.constant 0 : index
    %get3A_6 = vector.load %arg3[%get3A_4, %get3A_5] : memref<1x64xf32, #tpu.memory_space<vmem>>, vector<1x64xf32>
    %add3A = arith.constant 1.000000e+00 : f32
    %add3A_7 = vector.broadcast %add3A : f32 to vector<1x64xf32>
    %add3A_8 = arith.addf %add3A_7, %get3A_6 : vector<1x64xf32>
    %mul3A = vector.broadcast %add3A_8 : vector<1x64xf32> to vector<1024x64xf32>
    %mul3A_9 = arith.mulf %get3A_3, %mul3A : vector<1024x64xf32>
    %get3A_10 = arith.constant 0 : index
    %get3A_11 = arith.constant 0 : index
    %get3A_12 = arith.constant 0 : index
    %get3A_13 = vector.load %arg2[%get3A_10, %get3A_11, %get3A_12] : memref<2x1024x64xf32, #tpu.memory_space<vmem>>, vector<1x1024x64xf32>
    %get3A_14 = vector.shape_cast %get3A_13 : vector<1x1024x64xf32> to vector<1024x64xf32>
    %add3A_15 = arith.addf %mul3A_9, %get3A_14 : vector<1024x64xf32>
    %get3A_16 = arith.constant 1 : index
    %get3A_17 = arith.constant 0 : index
    %get3A_18 = arith.constant 0 : index
    %get3A_19 = vector.load %arg1[%get3A_16, %get3A_17, %get3A_18] : memref<2x1024x64xf32, #tpu.memory_space<vmem>>, vector<1x1024x64xf32>
    %get3A_20 = vector.shape_cast %get3A_19 : vector<1x1024x64xf32> to vector<1024x64xf32>
    %get3A_21 = arith.constant 0 : index
    %get3A_22 = arith.constant 0 : index
    %get3A_23 = vector.load %arg3[%get3A_21, %get3A_22] : memref<1x64xf32, #tpu.memory_space<vmem>>, vector<1x64xf32>
    %add3A_24 = arith.constant 1.000000e+00 : f32
    %add3A_25 = vector.broadcast %add3A_24 : f32 to vector<1x64xf32>
    %add3A_26 = arith.addf %add3A_25, %get3A_23 : vector<1x64xf32>
    %mul3A_27 = vector.broadcast %add3A_26 : vector<1x64xf32> to vector<1024x64xf32>
    %mul3A_28 = arith.mulf %get3A_20, %mul3A_27 : vector<1024x64xf32>
    %get3A_29 = arith.constant 1 : index
    %get3A_30 = arith.constant 0 : index
    %get3A_31 = arith.constant 0 : index
    %get3A_32 = vector.load %arg2[%get3A_29, %get3A_30, %get3A_31] : memref<2x1024x64xf32, #tpu.memory_space<vmem>>, vector<1x1024x64xf32>
    %get3A_33 = vector.shape_cast %get3A_32 : vector<1x1024x64xf32> to vector<1024x64xf32>
    %add3A_34 = arith.addf %mul3A_28, %get3A_33 : vector<1024x64xf32>
    %get3A_35 = arith.constant 0 : index
    %get3A_36 = arith.constant 0 : index
    %get3A_37 = vector.load %arg4[%get3A_35, %get3A_36] : memref<64x128xf32, #tpu.memory_space<vmem>>, vector<64x128xf32>
    %dot_general3A = arith.constant dense<0.000000e+00> : vector<1024x128xf32>
    %dot_general3A_38 = tpu.matmul %add3A_15, %get3A_37, %dot_general3A {dimension_numbers = #tpu.dot_dimension_numbers<[1], [0], [0], [1], [0, 0, 1, 1], [], []>, transpose_lhs_hint = false} : vector<1024x64xf32>, vector<64x128xf32>, vector<1024x128xf32> -> vector<1024x128xf32>
    %get3A_39 = arith.constant 0 : index
    %get3A_40 = arith.constant 0 : index
    %get3A_41 = vector.load %arg5[%get3A_39, %get3A_40] : memref<64x128xf32, #tpu.memory_space<vmem>>, vector<64x128xf32>
    %dot_general3A_42 = arith.constant dense<0.000000e+00> : vector<1024x128xf32>
    %dot_general3A_43 = tpu.matmul %add3A_34, %get3A_41, %dot_general3A_42 {dimension_numbers = #tpu.dot_dimension_numbers<[1], [0], [0], [1], [0, 0, 1, 1], [], []>, transpose_lhs_hint = false} : vector<1024x64xf32>, vector<64x128xf32>, vector<1024x128xf32> -> vector<1024x128xf32>
    %add3A_44 = arith.addf %dot_general3A_38, %dot_general3A_43 : vector<1024x128xf32>
    %get3A_45 = arith.constant 0 : index
    %get3A_46 = arith.constant 0 : index
    %get3A_47 = vector.load %arg6[%get3A_45, %get3A_46] : memref<1x128xf32, #tpu.memory_space<vmem>>, vector<1x128xf32>
    %add3A_48 = vector.broadcast %get3A_47 : vector<1x128xf32> to vector<1024x128xf32>
    %add3A_49 = arith.addf %add3A_44, %add3A_48 : vector<1024x128xf32>
    %max3A = arith.constant 0.000000e+00 : f32
    %max3A_50 = vector.broadcast %max3A : f32 to vector<1024x128xf32>
    %max3A_51 = arith.maximumf %add3A_49, %max3A_50 : vector<1024x128xf32>
    %get3A_52 = arith.constant 0 : index
    %get3A_53 = arith.constant 0 : index
    %get3A_54 = vector.load %arg7[%get3A_52, %get3A_53] : memref<128x128xf32, #tpu.memory_space<vmem>>, vector<128x128xf32>
    %dot_general3A_55 = arith.constant dense<0.000000e+00> : vector<1024x128xf32>
    %dot_general3A_56 = tpu.matmul %max3A_51, %get3A_54, %dot_general3A_55 {dimension_numbers = #tpu.dot_dimension_numbers<[1], [0], [0], [1], [0, 0, 1, 1], [], []>, transpose_lhs_hint = false} : vector<1024x128xf32>, vector<128x128xf32>, vector<1024x128xf32> -> vector<1024x128xf32>
    %get3A_57 = arith.constant 0 : index
    %get3A_58 = arith.constant 0 : index
    %get3A_59 = vector.load %arg8[%get3A_57, %get3A_58] : memref<1x128xf32, #tpu.memory_space<vmem>>, vector<1x128xf32>
    %add3A_60 = vector.broadcast %get3A_59 : vector<1x128xf32> to vector<1024x128xf32>
    %add3A_61 = arith.addf %dot_general3A_56, %add3A_60 : vector<1024x128xf32>
    %swap3A = arith.constant 0 : index
    %swap3A_62 = arith.constant 0 : index
    %swap3A_63 = vector.load %arg15[%swap3A, %swap3A_62] : memref<1024x128xf32, #tpu.memory_space<vmem>>, vector<1024x128xf32>
    tpu.vector_store %arg15[%swap3A, %swap3A_62], %add3A_61 {strides = array<i32>} : memref<1024x128xf32, #tpu.memory_space<vmem>>, vector<1024x128xf32>,
    %mul3A_64 = arith.mulf %add3A_61, %add3A_61 : vector<1024x128xf32>
    %reduce_sum3A = arith.constant dense<0.000000e+00> : vector<1024xf32>
    %reduce_sum3A_65 = vector.multi_reduction <add>, %mul3A_64, %reduce_sum3A [1] : vector<1024x128xf32> to vector<1024xf32>
    %broadcast_in_dim3A = vector.shape_cast %reduce_sum3A_65 : vector<1024xf32> to vector<1024x1xf32>
    %sqrt3A = math.sqrt %broadcast_in_dim3A : vector<1024x1xf32>
    %max3A_66 = arith.constant 9.99999996E-13 : f32
    %max3A_67 = vector.broadcast %max3A_66 : f32 to vector<1024x1xf32>
    %max3A_68 = arith.maximumf %sqrt3A, %max3A_67 : vector<1024x1xf32>
    %div3A = vector.broadcast %max3A_68 : vector<1024x1xf32> to vector<1024x128xf32>
    %div3A_69 = arith.divf %add3A_61, %div3A : vector<1024x128xf32>
    %swap3A_70 = arith.constant 0 : index
    %swap3A_71 = arith.constant 0 : index
    %swap3A_72 = vector.load %arg16[%swap3A_70, %swap3A_71] : memref<1024x128xf32, #tpu.memory_space<vmem>>, vector<1024x128xf32>
    tpu.vector_store %arg16[%swap3A_70, %swap3A_71], %div3A_69 {strides = array<i32>} : memref<1024x128xf32, #tpu.memory_space<vmem>>, vector<1024x128xf32>,
    %get3A_73 = arith.constant 0 : index
    %get3A_74 = arith.constant 0 : index
    %get3A_75 = vector.load %arg9[%get3A_73, %get3A_74] : memref<128x128xf32, #tpu.memory_space<vmem>>, vector<128x128xf32>
    %dot_general3A_76 = arith.constant dense<0.000000e+00> : vector<1024x128xf32>
    %dot_general3A_77 = tpu.matmul %add3A_61, %get3A_75, %dot_general3A_76 {dimension_numbers = #tpu.dot_dimension_numbers<[1], [0], [0], [1], [0, 0, 1, 1], [], []>, transpose_lhs_hint = false} : vector<1024x128xf32>, vector<128x128xf32>, vector<1024x128xf32> -> vector<1024x128xf32>
    %get3A_78 = arith.constant 0 : index
    %get3A_79 = arith.constant 0 : index
    %get3A_80 = vector.load %arg10[%get3A_78, %get3A_79] : memref<1x128xf32, #tpu.memory_space<vmem>>, vector<1x128xf32>
    %add3A_81 = vector.broadcast %get3A_80 : vector<1x128xf32> to vector<1024x128xf32>
    %add3A_82 = arith.addf %dot_general3A_77, %add3A_81 : vector<1024x128xf32>
    %max3A_83 = arith.constant 0.000000e+00 : f32
    %max3A_84 = vector.broadcast %max3A_83 : f32 to vector<1024x128xf32>
    %max3A_85 = arith.maximumf %add3A_82, %max3A_84 : vector<1024x128xf32>
    %get3A_86 = arith.constant 0 : index
    %get3A_87 = arith.constant 0 : index
    %get3A_88 = vector.load %arg11[%get3A_86, %get3A_87] : memref<128x128xf32, #tpu.memory_space<vmem>>, vector<128x128xf32>
    %dot_general3A_89 = arith.constant dense<0.000000e+00> : vector<1024x128xf32>
    %dot_general3A_90 = tpu.matmul %max3A_85, %get3A_88, %dot_general3A_89 {dimension_numbers = #tpu.dot_dimension_numbers<[1], [0], [0], [1], [0, 0, 1, 1], [], []>, transpose_lhs_hint = false} : vector<1024x128xf32>, vector<128x128xf32>, vector<1024x128xf32> -> vector<1024x128xf32>
    %get3A_91 = arith.constant 0 : index
    %get3A_92 = arith.constant 0 : index
    %get3A_93 = vector.load %arg12[%get3A_91, %get3A_92] : memref<1x128xf32, #tpu.memory_space<vmem>>, vector<1x128xf32>
    %add3A_94 = vector.broadcast %get3A_93 : vector<1x128xf32> to vector<1024x128xf32>
    %add3A_95 = arith.addf %dot_general3A_90, %add3A_94 : vector<1024x128xf32>
    %max3A_96 = arith.constant 0.000000e+00 : f32
    %max3A_97 = vector.broadcast %max3A_96 : f32 to vector<1024x128xf32>
    %max3A_98 = arith.maximumf %add3A_95, %max3A_97 : vector<1024x128xf32>
    %get3A_99 = arith.constant 0 : index
    %get3A_100 = arith.constant 0 : index
    %get3A_101 = vector.load %arg13[%get3A_99, %get3A_100] : memref<128x128xf32, #tpu.memory_space<vmem>>, vector<128x128xf32>
    %dot_general3A_102 = arith.constant dense<0.000000e+00> : vector<1024x128xf32>
    %dot_general3A_103 = tpu.matmul %max3A_98, %get3A_101, %dot_general3A_102 {dimension_numbers = #tpu.dot_dimension_numbers<[1], [0], [0], [1], [0, 0, 1, 1], [], []>, transpose_lhs_hint = false} : vector<1024x128xf32>, vector<128x128xf32>, vector<1024x128xf32> -> vector<1024x128xf32>
    %get3A_104 = arith.constant 0 : index
    %get3A_105 = arith.constant 0 : index
    %get3A_106 = vector.load %arg14[%get3A_104, %get3A_105] : memref<1x128xf32, #tpu.memory_space<vmem>>, vector<1x128xf32>
    %add3A_107 = vector.broadcast %get3A_106 : vector<1x128xf32> to vector<1024x128xf32>
    %add3A_108 = arith.addf %dot_general3A_103, %add3A_107 : vector<1024x128xf32>
    %mul3A_109 = arith.mulf %add3A_108, %add3A_108 : vector<1024x128xf32>
    %reduce_sum3A_110 = arith.constant dense<0.000000e+00> : vector<1024xf32>
    %reduce_sum3A_111 = vector.multi_reduction <add>, %mul3A_109, %reduce_sum3A_110 [1] : vector<1024x128xf32> to vector<1024xf32>
    %broadcast_in_dim3A_112 = vector.shape_cast %reduce_sum3A_111 : vector<1024xf32> to vector<1024x1xf32>
    %sqrt3A_113 = math.sqrt %broadcast_in_dim3A_112 : vector<1024x1xf32>
    %max3A_114 = arith.constant 9.99999996E-13 : f32
    %max3A_115 = vector.broadcast %max3A_114 : f32 to vector<1024x1xf32>
    %max3A_116 = arith.maximumf %sqrt3A_113, %max3A_115 : vector<1024x1xf32>
    %div3A_117 = vector.broadcast %max3A_116 : vector<1024x1xf32> to vector<1024x128xf32>
    %div3A_118 = arith.divf %add3A_108, %div3A_117 : vector<1024x128xf32>
    %swap3A_119 = arith.constant 0 : index
    %swap3A_120 = arith.constant 0 : index
    %swap3A_121 = vector.load %arg17[%swap3A_119, %swap3A_120] : memref<1024x128xf32, #tpu.memory_space<vmem>>, vector<1024x128xf32>
    tpu.vector_store %arg17[%swap3A_119, %swap3A_120], %div3A_118 {strides = array<i32>} : memref<1024x128xf32, #tpu.memory_space<vmem>>, vector<1024x128xf32>,
    return
  }
  func.func @transform_0(%arg0: i32) -> (i32, i32, i32) {
    %c0_i32 = arith.constant 0 : i32
    %c0_i32_0 = arith.constant 0 : i32
    %c0_i32_1 = arith.constant 0 : i32
    return %c0_i32, %arg0, %c0_i32_0 : i32, i32, i32
  }
  func.func @transform_1(%arg0: i32) -> (i32, i32, i32) {
    %c0_i32 = arith.constant 0 : i32
    %c0_i32_0 = arith.constant 0 : i32
    %c0_i32_1 = arith.constant 0 : i32
    return %c0_i32, %arg0, %c0_i32_0 : i32, i32, i32
  }
  func.func @transform_2(%arg0: i32) -> (i32, i32) {
    %c0_i32 = arith.constant 0 : i32
    %c0_i32_0 = arith.constant 0 : i32
    %c0_i32_1 = arith.constant 0 : i32
    return %c0_i32, %c0_i32_0 : i32, i32
  }
  func.func @transform_3(%arg0: i32) -> (i32, i32) {
    %c0_i32 = arith.constant 0 : i32
    %c0_i32_0 = arith.constant 0 : i32
    %c0_i32_1 = arith.constant 0 : i32
    return %c0_i32, %c0_i32_0 : i32, i32
  }
  func.func @transform_4(%arg0: i32) -> (i32, i32) {
    %c0_i32 = arith.constant 0 : i32
    %c0_i32_0 = arith.constant 0 : i32
    %c0_i32_1 = arith.constant 0 : i32
    return %c0_i32, %c0_i32_0 : i32, i32
  }
  func.func @transform_5(%arg0: i32) -> (i32, i32) {
    %c0_i32 = arith.constant 0 : i32
    %c0_i32_0 = arith.constant 0 : i32
    %c0_i32_1 = arith.constant 0 : i32
    return %c0_i32, %c0_i32_0 : i32, i32
  }
  func.func @transform_6(%arg0: i32) -> (i32, i32) {
    %c0_i32 = arith.constant 0 : i32
    %c0_i32_0 = arith.constant 0 : i32
    %c0_i32_1 = arith.constant 0 : i32
    return %c0_i32, %c0_i32_0 : i32, i32
  }
  func.func @transform_7(%arg0: i32) -> (i32, i32) {
    %c0_i32 = arith.constant 0 : i32
    %c0_i32_0 = arith.constant 0 : i32
    %c0_i32_1 = arith.constant 0 : i32
    return %c0_i32, %c0_i32_0 : i32, i32
  }
  func.func @transform_8(%arg0: i32) -> (i32, i32) {
    %c0_i32 = arith.constant 0 : i32
    %c0_i32_0 = arith.constant 0 : i32
    %c0_i32_1 = arith.constant 0 : i32
    return %c0_i32, %c0_i32_0 : i32, i32
  }
  func.func @transform_9(%arg0: i32) -> (i32, i32) {
    %c0_i32 = arith.constant 0 : i32
    %c0_i32_0 = arith.constant 0 : i32
    %c0_i32_1 = arith.constant 0 : i32
    return %c0_i32, %c0_i32_0 : i32, i32
  }
  func.func @transform_10(%arg0: i32) -> (i32, i32) {
    %c0_i32 = arith.constant 0 : i32
    %c0_i32_0 = arith.constant 0 : i32
    %c0_i32_1 = arith.constant 0 : i32
    return %c0_i32, %c0_i32_0 : i32, i32
  }
  func.func @transform_11(%arg0: i32) -> (i32, i32) {
    %c0_i32 = arith.constant 0 : i32
    %c0_i32_0 = arith.constant 0 : i32
    %c0_i32_1 = arith.constant 0 : i32
    return %c0_i32, %c0_i32_0 : i32, i32
  }
  func.func @transform_12(%arg0: i32) -> (i32, i32) {
    %c0_i32 = arith.constant 0 : i32
    %c0_i32_0 = arith.constant 0 : i32
    %c0_i32_1 = arith.constant 0 : i32
    return %c0_i32, %c0_i32_0 : i32, i32
  }
  func.func @transform_13(%arg0: i32) -> (i32, i32) {
    %c0_i32 = arith.constant 0 : i32
    %c0_i32_0 = arith.constant 0 : i32
    %c0_i32_1 = arith.constant 0 : i32
    return %c0_i32, %c0_i32_0 : i32, i32
  }
  func.func @transform_14(%arg0: i32) -> (i32, i32) {
    %c0_i32 = arith.constant 0 : i32
    %c0_i32_0 = arith.constant 0 : i32
    return %arg0, %c0_i32 : i32, i32
  }
  func.func @transform_15(%arg0: i32) -> (i32, i32) {
    %c0_i32 = arith.constant 0 : i32
    %c0_i32_0 = arith.constant 0 : i32
    return %arg0, %c0_i32 : i32, i32
  }
  func.func @transform_16(%arg0: i32) -> (i32, i32) {
    %c0_i32 = arith.constant 0 : i32
    %c0_i32_0 = arith.constant 0 : i32
    return %arg0, %c0_i32 : i32, i32
  }
}

module attributes {stable_mosaic.version = 14 : i64} {
  func.func @_loss_kernel(%arg0: i32, %arg1: memref<400x128xf32, #tpu.memory_space<vmem>>, %arg2: memref<400x128xf32, #tpu.memory_space<vmem>>, %arg3: memref<1x400x128xf32, #tpu.memory_space<vmem>>, %arg4: memref<1x400x128xf32, #tpu.memory_space<vmem>>, %arg5: memref<1x400x128xf32, #tpu.memory_space<vmem>>, %arg6: memref<1x400x128xf32, #tpu.memory_space<vmem>>, %arg7: memref<1x400x128xf32, #tpu.memory_space<vmem>>, %arg8: memref<1x400x128xf32, #tpu.memory_space<vmem>>, %arg9: memref<1x400x128xf32, #tpu.memory_space<vmem>>, %arg10: memref<1x400x128xf32, #tpu.memory_space<vmem>>, %arg11: memref<1x400x128xf32, #tpu.memory_space<vmem>>, %arg12: memref<1x400x128xf32, #tpu.memory_space<vmem>>, %arg13: memref<1x400x128xf32, #tpu.memory_space<vmem>>, %arg14: memref<1x400x128xf32, #tpu.memory_space<vmem>>, %arg15: memref<1x400x128xf32, #tpu.memory_space<vmem>>, %arg16: memref<1x400x128xf32, #tpu.memory_space<vmem>>, %arg17: memref<1x400x128xf32, #tpu.memory_space<vmem>>, %arg18: memref<1x400x128xf32, #tpu.memory_space<vmem>>, %arg19: memref<1x400x128xf32, #tpu.memory_space<vmem>>, %arg20: memref<1x400x128xf32, #tpu.memory_space<vmem>>, %arg21: memref<1x400x128xf32, #tpu.memory_space<vmem>>, %arg22: memref<1x400x128xf32, #tpu.memory_space<vmem>>, %arg23: memref<1x1xf32, #tpu.memory_space<smem>>) attributes {dimension_semantics = [#tpu.dimension_semantics<arbitrary>], iteration_bounds = array<i64: 25>, scalar_prefetch = 0 : i64, scratch_operands = 0 : i64, tpu.core_type = #tpu.core_type<tc>, window_params = [{transform_indices = @transform_0, window_bounds = array<i64: 400, 128>}, {transform_indices = @transform_1, window_bounds = array<i64: 400, 128>}, {transform_indices = @transform_2, window_bounds = array<i64: 1, 400, 128>}, {transform_indices = @transform_3, window_bounds = array<i64: 1, 400, 128>}, {transform_indices = @transform_4, window_bounds = array<i64: 1, 400, 128>}, {transform_indices = @transform_5, window_bounds = array<i64: 1, 400, 128>}, {transform_indices = @transform_6, window_bounds = array<i64: 1, 400, 128>}, {transform_indices = @transform_7, window_bounds = array<i64: 1, 400, 128>}, {transform_indices = @transform_8, window_bounds = array<i64: 1, 400, 128>}, {transform_indices = @transform_9, window_bounds = array<i64: 1, 400, 128>}, {transform_indices = @transform_10, window_bounds = array<i64: 1, 400, 128>}, {transform_indices = @transform_11, window_bounds = array<i64: 1, 400, 128>}, {transform_indices = @transform_12, window_bounds = array<i64: 1, 400, 128>}, {transform_indices = @transform_13, window_bounds = array<i64: 1, 400, 128>}, {transform_indices = @transform_14, window_bounds = array<i64: 1, 400, 128>}, {transform_indices = @transform_15, window_bounds = array<i64: 1, 400, 128>}, {transform_indices = @transform_16, window_bounds = array<i64: 1, 400, 128>}, {transform_indices = @transform_17, window_bounds = array<i64: 1, 400, 128>}, {transform_indices = @transform_18, window_bounds = array<i64: 1, 400, 128>}, {transform_indices = @transform_19, window_bounds = array<i64: 1, 400, 128>}, {transform_indices = @transform_20, window_bounds = array<i64: 1, 400, 128>}, {transform_indices = @transform_21, window_bounds = array<i64: 1, 400, 128>}, {transform_indices = @transform_22, window_bounds = array<i64: 1, 1>}]} {
    %get3A = arith.constant 0 : index
    %get3A_0 = arith.constant 0 : index
    %get3A_1 = vector.load %arg1[%get3A, %get3A_0] : memref<400x128xf32, #tpu.memory_space<vmem>>, vector<400x128xf32>
    %get3A_2 = arith.constant 0 : index
    %get3A_3 = arith.constant 0 : index
    %get3A_4 = vector.load %arg2[%get3A_2, %get3A_3] : memref<400x128xf32, #tpu.memory_space<vmem>>, vector<400x128xf32>
    %broadcast_in_dim3A = arith.constant 0.000000e+00 : f32
    %broadcast_in_dim3A_5 = vector.broadcast %broadcast_in_dim3A : f32 to vector<400x1xf32>
    %broadcast_in_dim3A_6 = arith.constant 0.000000e+00 : f32
    %broadcast_in_dim3A_7 = vector.broadcast %broadcast_in_dim3A_6 : f32 to vector<400x1xf32>
    %get3A_8 = arith.constant 0 : index
    %get3A_9 = arith.constant 0 : index
    %get3A_10 = arith.constant 0 : index
    %get3A_11 = vector.load %arg3[%get3A_8, %get3A_9, %get3A_10] : memref<1x400x128xf32, #tpu.memory_space<vmem>>, vector<1x400x128xf32>
    %get3A_12 = vector.shape_cast %get3A_11 : vector<1x400x128xf32> to vector<400x128xf32>
    %mul3A = arith.mulf %get3A_1, %get3A_12 : vector<400x128xf32>
    %reduce_sum3A = arith.constant dense<0.000000e+00> : vector<400xf32>
    %reduce_sum3A_13 = vector.multi_reduction <add>, %mul3A, %reduce_sum3A [1] : vector<400x128xf32> to vector<400xf32>
    %broadcast_in_dim3A_14 = vector.shape_cast %reduce_sum3A_13 : vector<400xf32> to vector<400x1xf32>
    %get3A_15 = arith.constant 0 : index
    %get3A_16 = arith.constant 0 : index
    %get3A_17 = arith.constant 0 : index
    %get3A_18 = vector.load %arg13[%get3A_15, %get3A_16, %get3A_17] : memref<1x400x128xf32, #tpu.memory_space<vmem>>, vector<1x400x128xf32>
    %get3A_19 = vector.shape_cast %get3A_18 : vector<1x400x128xf32> to vector<400x128xf32>
    %mul3A_20 = arith.mulf %get3A_4, %get3A_19 : vector<400x128xf32>
    %reduce_sum3A_21 = arith.constant dense<0.000000e+00> : vector<400xf32>
    %reduce_sum3A_22 = vector.multi_reduction <add>, %mul3A_20, %reduce_sum3A_21 [1] : vector<400x128xf32> to vector<400xf32>
    %broadcast_in_dim3A_23 = vector.shape_cast %reduce_sum3A_22 : vector<400xf32> to vector<400x1xf32>
    %div3A = arith.constant 5.000000e-01 : f32
    %div3A_24 = vector.broadcast %div3A : f32 to vector<400x1xf32>
    %div3A_25 = arith.divf %broadcast_in_dim3A_14, %div3A_24 : vector<400x1xf32>
    %exp3A = math.exp %div3A_25 : vector<400x1xf32>
    %add3A = arith.addf %broadcast_in_dim3A_5, %exp3A : vector<400x1xf32>
    %div3A_26 = arith.constant 5.000000e-01 : f32
    %div3A_27 = vector.broadcast %div3A_26 : f32 to vector<400x1xf32>
    %div3A_28 = arith.divf %broadcast_in_dim3A_23, %div3A_27 : vector<400x1xf32>
    %exp3A_29 = math.exp %div3A_28 : vector<400x1xf32>
    %add3A_30 = arith.addf %broadcast_in_dim3A_7, %exp3A_29 : vector<400x1xf32>
    %get3A_31 = arith.constant 0 : index
    %get3A_32 = arith.constant 0 : index
    %get3A_33 = arith.constant 0 : index
    %get3A_34 = vector.load %arg4[%get3A_31, %get3A_32, %get3A_33] : memref<1x400x128xf32, #tpu.memory_space<vmem>>, vector<1x400x128xf32>
    %get3A_35 = vector.shape_cast %get3A_34 : vector<1x400x128xf32> to vector<400x128xf32>
    %mul3A_36 = arith.mulf %get3A_1, %get3A_35 : vector<400x128xf32>
    %reduce_sum3A_37 = arith.constant dense<0.000000e+00> : vector<400xf32>
    %reduce_sum3A_38 = vector.multi_reduction <add>, %mul3A_36, %reduce_sum3A_37 [1] : vector<400x128xf32> to vector<400xf32>
    %broadcast_in_dim3A_39 = vector.shape_cast %reduce_sum3A_38 : vector<400xf32> to vector<400x1xf32>
    %get3A_40 = arith.constant 0 : index
    %get3A_41 = arith.constant 0 : index
    %get3A_42 = arith.constant 0 : index
    %get3A_43 = vector.load %arg14[%get3A_40, %get3A_41, %get3A_42] : memref<1x400x128xf32, #tpu.memory_space<vmem>>, vector<1x400x128xf32>
    %get3A_44 = vector.shape_cast %get3A_43 : vector<1x400x128xf32> to vector<400x128xf32>
    %mul3A_45 = arith.mulf %get3A_4, %get3A_44 : vector<400x128xf32>
    %reduce_sum3A_46 = arith.constant dense<0.000000e+00> : vector<400xf32>
    %reduce_sum3A_47 = vector.multi_reduction <add>, %mul3A_45, %reduce_sum3A_46 [1] : vector<400x128xf32> to vector<400xf32>
    %broadcast_in_dim3A_48 = vector.shape_cast %reduce_sum3A_47 : vector<400xf32> to vector<400x1xf32>
    %div3A_49 = arith.constant 5.000000e-01 : f32
    %div3A_50 = vector.broadcast %div3A_49 : f32 to vector<400x1xf32>
    %div3A_51 = arith.divf %broadcast_in_dim3A_39, %div3A_50 : vector<400x1xf32>
    %exp3A_52 = math.exp %div3A_51 : vector<400x1xf32>
    %add3A_53 = arith.addf %add3A, %exp3A_52 : vector<400x1xf32>
    %div3A_54 = arith.constant 5.000000e-01 : f32
    %div3A_55 = vector.broadcast %div3A_54 : f32 to vector<400x1xf32>
    %div3A_56 = arith.divf %broadcast_in_dim3A_48, %div3A_55 : vector<400x1xf32>
    %exp3A_57 = math.exp %div3A_56 : vector<400x1xf32>
    %add3A_58 = arith.addf %add3A_30, %exp3A_57 : vector<400x1xf32>
    %get3A_59 = arith.constant 0 : index
    %get3A_60 = arith.constant 0 : index
    %get3A_61 = arith.constant 0 : index
    %get3A_62 = vector.load %arg5[%get3A_59, %get3A_60, %get3A_61] : memref<1x400x128xf32, #tpu.memory_space<vmem>>, vector<1x400x128xf32>
    %get3A_63 = vector.shape_cast %get3A_62 : vector<1x400x128xf32> to vector<400x128xf32>
    %mul3A_64 = arith.mulf %get3A_1, %get3A_63 : vector<400x128xf32>
    %reduce_sum3A_65 = arith.constant dense<0.000000e+00> : vector<400xf32>
    %reduce_sum3A_66 = vector.multi_reduction <add>, %mul3A_64, %reduce_sum3A_65 [1] : vector<400x128xf32> to vector<400xf32>
    %broadcast_in_dim3A_67 = vector.shape_cast %reduce_sum3A_66 : vector<400xf32> to vector<400x1xf32>
    %get3A_68 = arith.constant 0 : index
    %get3A_69 = arith.constant 0 : index
    %get3A_70 = arith.constant 0 : index
    %get3A_71 = vector.load %arg15[%get3A_68, %get3A_69, %get3A_70] : memref<1x400x128xf32, #tpu.memory_space<vmem>>, vector<1x400x128xf32>
    %get3A_72 = vector.shape_cast %get3A_71 : vector<1x400x128xf32> to vector<400x128xf32>
    %mul3A_73 = arith.mulf %get3A_4, %get3A_72 : vector<400x128xf32>
    %reduce_sum3A_74 = arith.constant dense<0.000000e+00> : vector<400xf32>
    %reduce_sum3A_75 = vector.multi_reduction <add>, %mul3A_73, %reduce_sum3A_74 [1] : vector<400x128xf32> to vector<400xf32>
    %broadcast_in_dim3A_76 = vector.shape_cast %reduce_sum3A_75 : vector<400xf32> to vector<400x1xf32>
    %div3A_77 = arith.constant 5.000000e-01 : f32
    %div3A_78 = vector.broadcast %div3A_77 : f32 to vector<400x1xf32>
    %div3A_79 = arith.divf %broadcast_in_dim3A_67, %div3A_78 : vector<400x1xf32>
    %exp3A_80 = math.exp %div3A_79 : vector<400x1xf32>
    %add3A_81 = arith.addf %add3A_53, %exp3A_80 : vector<400x1xf32>
    %div3A_82 = arith.constant 5.000000e-01 : f32
    %div3A_83 = vector.broadcast %div3A_82 : f32 to vector<400x1xf32>
    %div3A_84 = arith.divf %broadcast_in_dim3A_76, %div3A_83 : vector<400x1xf32>
    %exp3A_85 = math.exp %div3A_84 : vector<400x1xf32>
    %add3A_86 = arith.addf %add3A_58, %exp3A_85 : vector<400x1xf32>
    %get3A_87 = arith.constant 0 : index
    %get3A_88 = arith.constant 0 : index
    %get3A_89 = arith.constant 0 : index
    %get3A_90 = vector.load %arg6[%get3A_87, %get3A_88, %get3A_89] : memref<1x400x128xf32, #tpu.memory_space<vmem>>, vector<1x400x128xf32>
    %get3A_91 = vector.shape_cast %get3A_90 : vector<1x400x128xf32> to vector<400x128xf32>
    %mul3A_92 = arith.mulf %get3A_1, %get3A_91 : vector<400x128xf32>
    %reduce_sum3A_93 = arith.constant dense<0.000000e+00> : vector<400xf32>
    %reduce_sum3A_94 = vector.multi_reduction <add>, %mul3A_92, %reduce_sum3A_93 [1] : vector<400x128xf32> to vector<400xf32>
    %broadcast_in_dim3A_95 = vector.shape_cast %reduce_sum3A_94 : vector<400xf32> to vector<400x1xf32>
    %get3A_96 = arith.constant 0 : index
    %get3A_97 = arith.constant 0 : index
    %get3A_98 = arith.constant 0 : index
    %get3A_99 = vector.load %arg16[%get3A_96, %get3A_97, %get3A_98] : memref<1x400x128xf32, #tpu.memory_space<vmem>>, vector<1x400x128xf32>
    %get3A_100 = vector.shape_cast %get3A_99 : vector<1x400x128xf32> to vector<400x128xf32>
    %mul3A_101 = arith.mulf %get3A_4, %get3A_100 : vector<400x128xf32>
    %reduce_sum3A_102 = arith.constant dense<0.000000e+00> : vector<400xf32>
    %reduce_sum3A_103 = vector.multi_reduction <add>, %mul3A_101, %reduce_sum3A_102 [1] : vector<400x128xf32> to vector<400xf32>
    %broadcast_in_dim3A_104 = vector.shape_cast %reduce_sum3A_103 : vector<400xf32> to vector<400x1xf32>
    %div3A_105 = arith.constant 5.000000e-01 : f32
    %div3A_106 = vector.broadcast %div3A_105 : f32 to vector<400x1xf32>
    %div3A_107 = arith.divf %broadcast_in_dim3A_95, %div3A_106 : vector<400x1xf32>
    %exp3A_108 = math.exp %div3A_107 : vector<400x1xf32>
    %add3A_109 = arith.addf %add3A_81, %exp3A_108 : vector<400x1xf32>
    %div3A_110 = arith.constant 5.000000e-01 : f32
    %div3A_111 = vector.broadcast %div3A_110 : f32 to vector<400x1xf32>
    %div3A_112 = arith.divf %broadcast_in_dim3A_104, %div3A_111 : vector<400x1xf32>
    %exp3A_113 = math.exp %div3A_112 : vector<400x1xf32>
    %add3A_114 = arith.addf %add3A_86, %exp3A_113 : vector<400x1xf32>
    %get3A_115 = arith.constant 0 : index
    %get3A_116 = arith.constant 0 : index
    %get3A_117 = arith.constant 0 : index
    %get3A_118 = vector.load %arg7[%get3A_115, %get3A_116, %get3A_117] : memref<1x400x128xf32, #tpu.memory_space<vmem>>, vector<1x400x128xf32>
    %get3A_119 = vector.shape_cast %get3A_118 : vector<1x400x128xf32> to vector<400x128xf32>
    %mul3A_120 = arith.mulf %get3A_1, %get3A_119 : vector<400x128xf32>
    %reduce_sum3A_121 = arith.constant dense<0.000000e+00> : vector<400xf32>
    %reduce_sum3A_122 = vector.multi_reduction <add>, %mul3A_120, %reduce_sum3A_121 [1] : vector<400x128xf32> to vector<400xf32>
    %broadcast_in_dim3A_123 = vector.shape_cast %reduce_sum3A_122 : vector<400xf32> to vector<400x1xf32>
    %get3A_124 = arith.constant 0 : index
    %get3A_125 = arith.constant 0 : index
    %get3A_126 = arith.constant 0 : index
    %get3A_127 = vector.load %arg17[%get3A_124, %get3A_125, %get3A_126] : memref<1x400x128xf32, #tpu.memory_space<vmem>>, vector<1x400x128xf32>
    %get3A_128 = vector.shape_cast %get3A_127 : vector<1x400x128xf32> to vector<400x128xf32>
    %mul3A_129 = arith.mulf %get3A_4, %get3A_128 : vector<400x128xf32>
    %reduce_sum3A_130 = arith.constant dense<0.000000e+00> : vector<400xf32>
    %reduce_sum3A_131 = vector.multi_reduction <add>, %mul3A_129, %reduce_sum3A_130 [1] : vector<400x128xf32> to vector<400xf32>
    %broadcast_in_dim3A_132 = vector.shape_cast %reduce_sum3A_131 : vector<400xf32> to vector<400x1xf32>
    %div3A_133 = arith.constant 5.000000e-01 : f32
    %div3A_134 = vector.broadcast %div3A_133 : f32 to vector<400x1xf32>
    %div3A_135 = arith.divf %broadcast_in_dim3A_123, %div3A_134 : vector<400x1xf32>
    %exp3A_136 = math.exp %div3A_135 : vector<400x1xf32>
    %add3A_137 = arith.addf %add3A_109, %exp3A_136 : vector<400x1xf32>
    %div3A_138 = arith.constant 5.000000e-01 : f32
    %div3A_139 = vector.broadcast %div3A_138 : f32 to vector<400x1xf32>
    %div3A_140 = arith.divf %broadcast_in_dim3A_132, %div3A_139 : vector<400x1xf32>
    %exp3A_141 = math.exp %div3A_140 : vector<400x1xf32>
    %add3A_142 = arith.addf %add3A_114, %exp3A_141 : vector<400x1xf32>
    %get3A_143 = arith.constant 0 : index
    %get3A_144 = arith.constant 0 : index
    %get3A_145 = arith.constant 0 : index
    %get3A_146 = vector.load %arg8[%get3A_143, %get3A_144, %get3A_145] : memref<1x400x128xf32, #tpu.memory_space<vmem>>, vector<1x400x128xf32>
    %get3A_147 = vector.shape_cast %get3A_146 : vector<1x400x128xf32> to vector<400x128xf32>
    %mul3A_148 = arith.mulf %get3A_1, %get3A_147 : vector<400x128xf32>
    %reduce_sum3A_149 = arith.constant dense<0.000000e+00> : vector<400xf32>
    %reduce_sum3A_150 = vector.multi_reduction <add>, %mul3A_148, %reduce_sum3A_149 [1] : vector<400x128xf32> to vector<400xf32>
    %broadcast_in_dim3A_151 = vector.shape_cast %reduce_sum3A_150 : vector<400xf32> to vector<400x1xf32>
    %get3A_152 = arith.constant 0 : index
    %get3A_153 = arith.constant 0 : index
    %get3A_154 = arith.constant 0 : index
    %get3A_155 = vector.load %arg18[%get3A_152, %get3A_153, %get3A_154] : memref<1x400x128xf32, #tpu.memory_space<vmem>>, vector<1x400x128xf32>
    %get3A_156 = vector.shape_cast %get3A_155 : vector<1x400x128xf32> to vector<400x128xf32>
    %mul3A_157 = arith.mulf %get3A_4, %get3A_156 : vector<400x128xf32>
    %reduce_sum3A_158 = arith.constant dense<0.000000e+00> : vector<400xf32>
    %reduce_sum3A_159 = vector.multi_reduction <add>, %mul3A_157, %reduce_sum3A_158 [1] : vector<400x128xf32> to vector<400xf32>
    %broadcast_in_dim3A_160 = vector.shape_cast %reduce_sum3A_159 : vector<400xf32> to vector<400x1xf32>
    %div3A_161 = arith.constant 5.000000e-01 : f32
    %div3A_162 = vector.broadcast %div3A_161 : f32 to vector<400x1xf32>
    %div3A_163 = arith.divf %broadcast_in_dim3A_151, %div3A_162 : vector<400x1xf32>
    %exp3A_164 = math.exp %div3A_163 : vector<400x1xf32>
    %add3A_165 = arith.addf %add3A_137, %exp3A_164 : vector<400x1xf32>
    %div3A_166 = arith.constant 5.000000e-01 : f32
    %div3A_167 = vector.broadcast %div3A_166 : f32 to vector<400x1xf32>
    %div3A_168 = arith.divf %broadcast_in_dim3A_160, %div3A_167 : vector<400x1xf32>
    %exp3A_169 = math.exp %div3A_168 : vector<400x1xf32>
    %add3A_170 = arith.addf %add3A_142, %exp3A_169 : vector<400x1xf32>
    %get3A_171 = arith.constant 0 : index
    %get3A_172 = arith.constant 0 : index
    %get3A_173 = arith.constant 0 : index
    %get3A_174 = vector.load %arg9[%get3A_171, %get3A_172, %get3A_173] : memref<1x400x128xf32, #tpu.memory_space<vmem>>, vector<1x400x128xf32>
    %get3A_175 = vector.shape_cast %get3A_174 : vector<1x400x128xf32> to vector<400x128xf32>
    %mul3A_176 = arith.mulf %get3A_1, %get3A_175 : vector<400x128xf32>
    %reduce_sum3A_177 = arith.constant dense<0.000000e+00> : vector<400xf32>
    %reduce_sum3A_178 = vector.multi_reduction <add>, %mul3A_176, %reduce_sum3A_177 [1] : vector<400x128xf32> to vector<400xf32>
    %broadcast_in_dim3A_179 = vector.shape_cast %reduce_sum3A_178 : vector<400xf32> to vector<400x1xf32>
    %get3A_180 = arith.constant 0 : index
    %get3A_181 = arith.constant 0 : index
    %get3A_182 = arith.constant 0 : index
    %get3A_183 = vector.load %arg19[%get3A_180, %get3A_181, %get3A_182] : memref<1x400x128xf32, #tpu.memory_space<vmem>>, vector<1x400x128xf32>
    %get3A_184 = vector.shape_cast %get3A_183 : vector<1x400x128xf32> to vector<400x128xf32>
    %mul3A_185 = arith.mulf %get3A_4, %get3A_184 : vector<400x128xf32>
    %reduce_sum3A_186 = arith.constant dense<0.000000e+00> : vector<400xf32>
    %reduce_sum3A_187 = vector.multi_reduction <add>, %mul3A_185, %reduce_sum3A_186 [1] : vector<400x128xf32> to vector<400xf32>
    %broadcast_in_dim3A_188 = vector.shape_cast %reduce_sum3A_187 : vector<400xf32> to vector<400x1xf32>
    %div3A_189 = arith.constant 5.000000e-01 : f32
    %div3A_190 = vector.broadcast %div3A_189 : f32 to vector<400x1xf32>
    %div3A_191 = arith.divf %broadcast_in_dim3A_179, %div3A_190 : vector<400x1xf32>
    %exp3A_192 = math.exp %div3A_191 : vector<400x1xf32>
    %add3A_193 = arith.addf %add3A_165, %exp3A_192 : vector<400x1xf32>
    %div3A_194 = arith.constant 5.000000e-01 : f32
    %div3A_195 = vector.broadcast %div3A_194 : f32 to vector<400x1xf32>
    %div3A_196 = arith.divf %broadcast_in_dim3A_188, %div3A_195 : vector<400x1xf32>
    %exp3A_197 = math.exp %div3A_196 : vector<400x1xf32>
    %add3A_198 = arith.addf %add3A_170, %exp3A_197 : vector<400x1xf32>
    %get3A_199 = arith.constant 0 : index
    %get3A_200 = arith.constant 0 : index
    %get3A_201 = arith.constant 0 : index
    %get3A_202 = vector.load %arg10[%get3A_199, %get3A_200, %get3A_201] : memref<1x400x128xf32, #tpu.memory_space<vmem>>, vector<1x400x128xf32>
    %get3A_203 = vector.shape_cast %get3A_202 : vector<1x400x128xf32> to vector<400x128xf32>
    %mul3A_204 = arith.mulf %get3A_1, %get3A_203 : vector<400x128xf32>
    %reduce_sum3A_205 = arith.constant dense<0.000000e+00> : vector<400xf32>
    %reduce_sum3A_206 = vector.multi_reduction <add>, %mul3A_204, %reduce_sum3A_205 [1] : vector<400x128xf32> to vector<400xf32>
    %broadcast_in_dim3A_207 = vector.shape_cast %reduce_sum3A_206 : vector<400xf32> to vector<400x1xf32>
    %get3A_208 = arith.constant 0 : index
    %get3A_209 = arith.constant 0 : index
    %get3A_210 = arith.constant 0 : index
    %get3A_211 = vector.load %arg20[%get3A_208, %get3A_209, %get3A_210] : memref<1x400x128xf32, #tpu.memory_space<vmem>>, vector<1x400x128xf32>
    %get3A_212 = vector.shape_cast %get3A_211 : vector<1x400x128xf32> to vector<400x128xf32>
    %mul3A_213 = arith.mulf %get3A_4, %get3A_212 : vector<400x128xf32>
    %reduce_sum3A_214 = arith.constant dense<0.000000e+00> : vector<400xf32>
    %reduce_sum3A_215 = vector.multi_reduction <add>, %mul3A_213, %reduce_sum3A_214 [1] : vector<400x128xf32> to vector<400xf32>
    %broadcast_in_dim3A_216 = vector.shape_cast %reduce_sum3A_215 : vector<400xf32> to vector<400x1xf32>
    %div3A_217 = arith.constant 5.000000e-01 : f32
    %div3A_218 = vector.broadcast %div3A_217 : f32 to vector<400x1xf32>
    %div3A_219 = arith.divf %broadcast_in_dim3A_207, %div3A_218 : vector<400x1xf32>
    %exp3A_220 = math.exp %div3A_219 : vector<400x1xf32>
    %add3A_221 = arith.addf %add3A_193, %exp3A_220 : vector<400x1xf32>
    %div3A_222 = arith.constant 5.000000e-01 : f32
    %div3A_223 = vector.broadcast %div3A_222 : f32 to vector<400x1xf32>
    %div3A_224 = arith.divf %broadcast_in_dim3A_216, %div3A_223 : vector<400x1xf32>
    %exp3A_225 = math.exp %div3A_224 : vector<400x1xf32>
    %add3A_226 = arith.addf %add3A_198, %exp3A_225 : vector<400x1xf32>
    %get3A_227 = arith.constant 0 : index
    %get3A_228 = arith.constant 0 : index
    %get3A_229 = arith.constant 0 : index
    %get3A_230 = vector.load %arg11[%get3A_227, %get3A_228, %get3A_229] : memref<1x400x128xf32, #tpu.memory_space<vmem>>, vector<1x400x128xf32>
    %get3A_231 = vector.shape_cast %get3A_230 : vector<1x400x128xf32> to vector<400x128xf32>
    %mul3A_232 = arith.mulf %get3A_1, %get3A_231 : vector<400x128xf32>
    %reduce_sum3A_233 = arith.constant dense<0.000000e+00> : vector<400xf32>
    %reduce_sum3A_234 = vector.multi_reduction <add>, %mul3A_232, %reduce_sum3A_233 [1] : vector<400x128xf32> to vector<400xf32>
    %broadcast_in_dim3A_235 = vector.shape_cast %reduce_sum3A_234 : vector<400xf32> to vector<400x1xf32>
    %get3A_236 = arith.constant 0 : index
    %get3A_237 = arith.constant 0 : index
    %get3A_238 = arith.constant 0 : index
    %get3A_239 = vector.load %arg21[%get3A_236, %get3A_237, %get3A_238] : memref<1x400x128xf32, #tpu.memory_space<vmem>>, vector<1x400x128xf32>
    %get3A_240 = vector.shape_cast %get3A_239 : vector<1x400x128xf32> to vector<400x128xf32>
    %mul3A_241 = arith.mulf %get3A_4, %get3A_240 : vector<400x128xf32>
    %reduce_sum3A_242 = arith.constant dense<0.000000e+00> : vector<400xf32>
    %reduce_sum3A_243 = vector.multi_reduction <add>, %mul3A_241, %reduce_sum3A_242 [1] : vector<400x128xf32> to vector<400xf32>
    %broadcast_in_dim3A_244 = vector.shape_cast %reduce_sum3A_243 : vector<400xf32> to vector<400x1xf32>
    %div3A_245 = arith.constant 5.000000e-01 : f32
    %div3A_246 = vector.broadcast %div3A_245 : f32 to vector<400x1xf32>
    %div3A_247 = arith.divf %broadcast_in_dim3A_235, %div3A_246 : vector<400x1xf32>
    %exp3A_248 = math.exp %div3A_247 : vector<400x1xf32>
    %add3A_249 = arith.addf %add3A_221, %exp3A_248 : vector<400x1xf32>
    %div3A_250 = arith.constant 5.000000e-01 : f32
    %div3A_251 = vector.broadcast %div3A_250 : f32 to vector<400x1xf32>
    %div3A_252 = arith.divf %broadcast_in_dim3A_244, %div3A_251 : vector<400x1xf32>
    %exp3A_253 = math.exp %div3A_252 : vector<400x1xf32>
    %add3A_254 = arith.addf %add3A_226, %exp3A_253 : vector<400x1xf32>
    %get3A_255 = arith.constant 0 : index
    %get3A_256 = arith.constant 0 : index
    %get3A_257 = arith.constant 0 : index
    %get3A_258 = vector.load %arg12[%get3A_255, %get3A_256, %get3A_257] : memref<1x400x128xf32, #tpu.memory_space<vmem>>, vector<1x400x128xf32>
    %get3A_259 = vector.shape_cast %get3A_258 : vector<1x400x128xf32> to vector<400x128xf32>
    %mul3A_260 = arith.mulf %get3A_1, %get3A_259 : vector<400x128xf32>
    %reduce_sum3A_261 = arith.constant dense<0.000000e+00> : vector<400xf32>
    %reduce_sum3A_262 = vector.multi_reduction <add>, %mul3A_260, %reduce_sum3A_261 [1] : vector<400x128xf32> to vector<400xf32>
    %broadcast_in_dim3A_263 = vector.shape_cast %reduce_sum3A_262 : vector<400xf32> to vector<400x1xf32>
    %get3A_264 = arith.constant 0 : index
    %get3A_265 = arith.constant 0 : index
    %get3A_266 = arith.constant 0 : index
    %get3A_267 = vector.load %arg22[%get3A_264, %get3A_265, %get3A_266] : memref<1x400x128xf32, #tpu.memory_space<vmem>>, vector<1x400x128xf32>
    %get3A_268 = vector.shape_cast %get3A_267 : vector<1x400x128xf32> to vector<400x128xf32>
    %mul3A_269 = arith.mulf %get3A_4, %get3A_268 : vector<400x128xf32>
    %reduce_sum3A_270 = arith.constant dense<0.000000e+00> : vector<400xf32>
    %reduce_sum3A_271 = vector.multi_reduction <add>, %mul3A_269, %reduce_sum3A_270 [1] : vector<400x128xf32> to vector<400xf32>
    %broadcast_in_dim3A_272 = vector.shape_cast %reduce_sum3A_271 : vector<400xf32> to vector<400x1xf32>
    %div3A_273 = arith.constant 5.000000e-01 : f32
    %div3A_274 = vector.broadcast %div3A_273 : f32 to vector<400x1xf32>
    %div3A_275 = arith.divf %broadcast_in_dim3A_263, %div3A_274 : vector<400x1xf32>
    %exp3A_276 = math.exp %div3A_275 : vector<400x1xf32>
    %add3A_277 = arith.addf %add3A_249, %exp3A_276 : vector<400x1xf32>
    %div3A_278 = arith.constant 5.000000e-01 : f32
    %div3A_279 = vector.broadcast %div3A_278 : f32 to vector<400x1xf32>
    %div3A_280 = arith.divf %broadcast_in_dim3A_272, %div3A_279 : vector<400x1xf32>
    %exp3A_281 = math.exp %div3A_280 : vector<400x1xf32>
    %add3A_282 = arith.addf %add3A_254, %exp3A_281 : vector<400x1xf32>
    %mul3A_283 = arith.constant 1.000000e+00 : f32
    %mul3A_284 = vector.broadcast %mul3A_283 : f32 to vector<400x1xf32>
    %mul3A_285 = arith.mulf %mul3A_284, %add3A_282 : vector<400x1xf32>
    %add3A_286 = arith.addf %add3A_277, %mul3A_285 : vector<400x1xf32>
    %div3A_287 = arith.divf %add3A_277, %add3A_286 : vector<400x1xf32>
    %log3A = math.log %div3A_287 : vector<400x1xf32>
    %reduce_sum3A_288 = vector.shape_cast %log3A : vector<400x1xf32> to vector<1x400x1xf32>
    %reduce_sum3A_289 = arith.constant dense<0.000000e+00> : vector<1xf32>
    %reduce_sum3A_290 = vector.multi_reduction <add>, %reduce_sum3A_288, %reduce_sum3A_289 [1, 2] : vector<1x400x1xf32> to vector<1xf32>
    %reduce_sum3A_291 = vector.shape_cast %reduce_sum3A_290 : vector<1xf32> to vector<1x1x1xf32>
    %reduce_sum3A_292 = vector.extract %reduce_sum3A_291[0, 0, 0] : f32 from vector<1x1x1xf32>
    %neg3A = arith.constant 0.000000e+00 : f32
    %neg3A_293 = arith.subf %neg3A, %reduce_sum3A_292 : f32
    %div3A_294 = arith.constant 1.000000e+04 : f32
    %div3A_295 = arith.divf %neg3A_293, %div3A_294 : f32
    %eq3A = arith.constant 0 : i32
    %eq3A_296 = arith.cmpi eq, %arg0, %eq3A : i32
    %convert_element_type3A = arith.extui %eq3A_296 : i1 to i32
    %cond3A = arith.constant 0 : i32
    %cond3A_297 = arith.cmpi ne, %convert_element_type3A, %cond3A : i32
    scf.if %cond3A_297 {
      %swap3A_304 = arith.constant 0.000000e+00 : f32
      %swap3A_305 = arith.constant 0 : index
      %swap3A_306 = arith.constant 0 : index
      %swap3A_307 = memref.load %arg23[%swap3A_305, %swap3A_306] : memref<1x1xf32, #tpu.memory_space<smem>>
      memref.store %swap3A_304, %arg23[%swap3A_305, %swap3A_306] : memref<1x1xf32, #tpu.memory_space<smem>>
    } else {
    }
    %get3A_298 = arith.constant 0 : index
    %get3A_299 = arith.constant 0 : index
    %get3A_300 = memref.load %arg23[%get3A_298, %get3A_299] : memref<1x1xf32, #tpu.memory_space<smem>>
    %add3A_301 = arith.addf %get3A_300, %div3A_295 : f32
    %swap3A = arith.constant 0 : index
    %swap3A_302 = arith.constant 0 : index
    %swap3A_303 = memref.load %arg23[%swap3A, %swap3A_302] : memref<1x1xf32, #tpu.memory_space<smem>>
    memref.store %add3A_301, %arg23[%swap3A, %swap3A_302] : memref<1x1xf32, #tpu.memory_space<smem>>
    return
  }
  func.func @transform_0(%arg0: i32) -> (i32, i32) {
    %c0_i32 = arith.constant 0 : i32
    %c0_i32_0 = arith.constant 0 : i32
    return %arg0, %c0_i32 : i32, i32
  }
  func.func @transform_1(%arg0: i32) -> (i32, i32) {
    %c0_i32 = arith.constant 0 : i32
    %c0_i32_0 = arith.constant 0 : i32
    return %arg0, %c0_i32 : i32, i32
  }
  func.func @transform_2(%arg0: i32) -> (i32, i32, i32) {
    %c0_i32 = arith.constant 0 : i32
    %c0_i32_0 = arith.constant 0 : i32
    %c0_i32_1 = arith.constant 0 : i32
    return %c0_i32, %arg0, %c0_i32_0 : i32, i32, i32
  }
  func.func @transform_3(%arg0: i32) -> (i32, i32, i32) {
    %c1_i32 = arith.constant 1 : i32
    %c0_i32 = arith.constant 0 : i32
    %c0_i32_0 = arith.constant 0 : i32
    return %c1_i32, %arg0, %c0_i32 : i32, i32, i32
  }
  func.func @transform_4(%arg0: i32) -> (i32, i32, i32) {
    %c2_i32 = arith.constant 2 : i32
    %c0_i32 = arith.constant 0 : i32
    %c0_i32_0 = arith.constant 0 : i32
    return %c2_i32, %arg0, %c0_i32 : i32, i32, i32
  }
  func.func @transform_5(%arg0: i32) -> (i32, i32, i32) {
    %c3_i32 = arith.constant 3 : i32
    %c0_i32 = arith.constant 0 : i32
    %c0_i32_0 = arith.constant 0 : i32
    return %c3_i32, %arg0, %c0_i32 : i32, i32, i32
  }
  func.func @transform_6(%arg0: i32) -> (i32, i32, i32) {
    %c4_i32 = arith.constant 4 : i32
    %c0_i32 = arith.constant 0 : i32
    %c0_i32_0 = arith.constant 0 : i32
    return %c4_i32, %arg0, %c0_i32 : i32, i32, i32
  }
  func.func @transform_7(%arg0: i32) -> (i32, i32, i32) {
    %c5_i32 = arith.constant 5 : i32
    %c0_i32 = arith.constant 0 : i32
    %c0_i32_0 = arith.constant 0 : i32
    return %c5_i32, %arg0, %c0_i32 : i32, i32, i32
  }
  func.func @transform_8(%arg0: i32) -> (i32, i32, i32) {
    %c6_i32 = arith.constant 6 : i32
    %c0_i32 = arith.constant 0 : i32
    %c0_i32_0 = arith.constant 0 : i32
    return %c6_i32, %arg0, %c0_i32 : i32, i32, i32
  }
  func.func @transform_9(%arg0: i32) -> (i32, i32, i32) {
    %c7_i32 = arith.constant 7 : i32
    %c0_i32 = arith.constant 0 : i32
    %c0_i32_0 = arith.constant 0 : i32
    return %c7_i32, %arg0, %c0_i32 : i32, i32, i32
  }
  func.func @transform_10(%arg0: i32) -> (i32, i32, i32) {
    %c8_i32 = arith.constant 8 : i32
    %c0_i32 = arith.constant 0 : i32
    %c0_i32_0 = arith.constant 0 : i32
    return %c8_i32, %arg0, %c0_i32 : i32, i32, i32
  }
  func.func @transform_11(%arg0: i32) -> (i32, i32, i32) {
    %c9_i32 = arith.constant 9 : i32
    %c0_i32 = arith.constant 0 : i32
    %c0_i32_0 = arith.constant 0 : i32
    return %c9_i32, %arg0, %c0_i32 : i32, i32, i32
  }
  func.func @transform_12(%arg0: i32) -> (i32, i32, i32) {
    %c0_i32 = arith.constant 0 : i32
    %c0_i32_0 = arith.constant 0 : i32
    %c0_i32_1 = arith.constant 0 : i32
    return %c0_i32, %arg0, %c0_i32_0 : i32, i32, i32
  }
  func.func @transform_13(%arg0: i32) -> (i32, i32, i32) {
    %c1_i32 = arith.constant 1 : i32
    %c0_i32 = arith.constant 0 : i32
    %c0_i32_0 = arith.constant 0 : i32
    return %c1_i32, %arg0, %c0_i32 : i32, i32, i32
  }
  func.func @transform_14(%arg0: i32) -> (i32, i32, i32) {
    %c2_i32 = arith.constant 2 : i32
    %c0_i32 = arith.constant 0 : i32
    %c0_i32_0 = arith.constant 0 : i32
    return %c2_i32, %arg0, %c0_i32 : i32, i32, i32
  }
  func.func @transform_15(%arg0: i32) -> (i32, i32, i32) {
    %c3_i32 = arith.constant 3 : i32
    %c0_i32 = arith.constant 0 : i32
    %c0_i32_0 = arith.constant 0 : i32
    return %c3_i32, %arg0, %c0_i32 : i32, i32, i32
  }
  func.func @transform_16(%arg0: i32) -> (i32, i32, i32) {
    %c4_i32 = arith.constant 4 : i32
    %c0_i32 = arith.constant 0 : i32
    %c0_i32_0 = arith.constant 0 : i32
    return %c4_i32, %arg0, %c0_i32 : i32, i32, i32
  }
  func.func @transform_17(%arg0: i32) -> (i32, i32, i32) {
    %c5_i32 = arith.constant 5 : i32
    %c0_i32 = arith.constant 0 : i32
    %c0_i32_0 = arith.constant 0 : i32
    return %c5_i32, %arg0, %c0_i32 : i32, i32, i32
  }
  func.func @transform_18(%arg0: i32) -> (i32, i32, i32) {
    %c6_i32 = arith.constant 6 : i32
    %c0_i32 = arith.constant 0 : i32
    %c0_i32_0 = arith.constant 0 : i32
    return %c6_i32, %arg0, %c0_i32 : i32, i32, i32
  }
  func.func @transform_19(%arg0: i32) -> (i32, i32, i32) {
    %c7_i32 = arith.constant 7 : i32
    %c0_i32 = arith.constant 0 : i32
    %c0_i32_0 = arith.constant 0 : i32
    return %c7_i32, %arg0, %c0_i32 : i32, i32, i32
  }
  func.func @transform_20(%arg0: i32) -> (i32, i32, i32) {
    %c8_i32 = arith.constant 8 : i32
    %c0_i32 = arith.constant 0 : i32
    %c0_i32_0 = arith.constant 0 : i32
    return %c8_i32, %arg0, %c0_i32 : i32, i32, i32
  }
  func.func @transform_21(%arg0: i32) -> (i32, i32, i32) {
    %c9_i32 = arith.constant 9 : i32
    %c0_i32 = arith.constant 0 : i32
    %c0_i32_0 = arith.constant 0 : i32
    return %c9_i32, %arg0, %c0_i32 : i32, i32, i32
  }
  func.func @transform_22(%arg0: i32) -> (i32, i32) {
    %c0_i32 = arith.constant 0 : i32
    %c0_i32_0 = arith.constant 0 : i32
    %c0_i32_1 = arith.constant 0 : i32
    return %c0_i32, %c0_i32_0 : i32, i32
  }
}

</mosaic_0001>

<sc_bundles>
// kernel: kernel.11.cloned.1.call-start
scs
__scs_entry_jumppad:
0x0: {  	(pc) =	sbr.rel $0x88, $3  }
0x1: {  	(tag) =	ssettag $0x0;
	lr =	simm.s32 $0x1  }
0x2: {  	[smem:$0x3F8D] =	sst lr;
	_ =	strace $0xD0000000  }
0x3: {  	_ = 	snop  }
0x4: {  	_ = 	snop  }
0x5: {  	_ = 	snop  }
0x6: {  	_ = 	snop  }
0x7: {  	_ = 	snop  }
__scs_overlays_trampoline_lowered:
0x8: {  	[smem:$0x3F9C] =	sst s0  }
0x9: {  	[smem:$0x3F9D] =	sst s1  }
0xa: {  	[smem:$0x3F9E] =	sst s2  }
0xb: {  	[smem:$0x3F9F] =	sst s3  }
0xc: {  	[smem:$0x3FA0] =	sst s4  }
0xd: {  	[smem:$0x3FA1] =	sst s5  }
0xe: {  	[smem:$0x3FA2] =	sst s6  }
0xf: {  	[smem:$0x3FA3] =	sst s7  }
0x10: {  	[smem:$0x3FA4] =	sst s8  }
0x11: {  	[smem:$0x3FA5] =	sst s9;
	s0 =	simm.s32 @!p0 $0x0  }
0x12: {  	s1 =	sld [smem:$0x3F8B];
	s0 =	simm.s32 @p0 $0x1  }
0x13: {  	[smem:$0x3FA6] =	sst s0;
	s0 =	simm.s32 @!p1 $0x0  }
0x14: {  	s2 =	sld [smem:$0x3F8A];
	s0 =	simm.s32 @p1 $0x1  }
0x15: {  	[smem:$0x3FA7] =	sst s0;
	s0 =	simm.s32 @!p2 $0x0  }
0x16: {  	s3 =	sld [smem:$0x3FDB];
	s0 =	simm.s32 @p2 $0x1  }
0x17: {  	s4 =	simm.s32 $0x1BF5;
	[smem:$0x3FA9] =	sst s0  }
0x18: {  	s0 =	sld [smem:$0x3F8C];
	_ =	swait.ge [sflag:s4], $0x0  }
0x19: {  	s7 =	sld [smem:$0x3F8D]  }
0x1a: {  	s8 =	sadd.s32 $0xFFFFE003, lr  }
0x1b: {  	s9 =	sadd.s32 $0xFFFFFEF7, lr;
	s5 =	simm.s32 $0xFFFFFFFF;
	p2 =	slt.u32 s8, $0xFFFFF086  }
0x1c: {  	p1 =	slt.u32 s9, $0xF7A;
	s5 =	simm.s32 @!p2 $0x0  }
0x1d: {  	s5 =	simm.s32 @p1 $0x1;
	p0 =	seq.s32 s7, s2  }
0x1e: {  	s7 =	smul.u32 @!p0 $0xF7A, s2;
	p2 =	seq.s32 @!p0 s5, $0x0  }
0x1f: {  	s9 =	smul.u32 $0xF7A, s1;
	s8 =	simm.s32 @!p0 $0x1BF5;
	p2 =	por !p2, p0  }
0x20: {  	[sflag:s8] =	ssyncset.s32 @!p0 $0xFFFFF086;
	s6 =	sadd.s32 @!p0 s3, s7;
	s7 =	simm.s32 @!p0 $0x108  }
0x21: {  	s3 =	sadd.s32 s3, s9;
	s6 =	sadd.s32 @!p0 $0x88, s6;
	s7 =	simm.s32 @p2 $0x1082  }
0x22: {  	[simem:s7], [sflag:s8] =	dma.local @!p0 [hbm:s6], $0xF7A  }
0x23: {  	s9 =	sor.u32 $0xD0000000, s2;
	s6 =	simm.s32 $0x108;
	_ =	swait.ge @!p0 [sflag:s8], $0x0  }
0x24: {  	s3 =	sadd.s32 $0x88, s3;
	s6 =	simm.s32 @!p1 $0x1082;
	[sflag:s4] =	ssyncset.s32 $0xFFFFF086  }
0x25: {  	[simem:s6], [sflag:s4] =	dma.local [hbm:s3], $0xF7A  }
0x26: {  	[smem:$0x3F8D] =	sst s1;
	(tag) =	ssettag s2;
	_ =	strace s9  }
0x27: {  	s1 =	sld [smem:$0x3F9D]  }
0x28: {  	s2 =	sld [smem:$0x3F9E]  }
0x29: {  	s4 =	sld [smem:$0x3FA0]  }
0x2a: {  	p0 =	seq.s32 s5, $0x0;
	s5 =	sld [smem:$0x3FA1]  }
0x2b: {  	s6 =	sld [smem:$0x3FA2]  }
0x2c: {  	s7 =	sld [smem:$0x3FA3]  }
0x2d: {  	s3 =	simm.s32 $0x108;
	s8 =	sld [smem:$0x3FA4]  }
0x2e: {  	s3 =	simm.s32 @!p0 $0x1082;
	s9 =	sld [smem:$0x3FA5]  }
0x2f: {  	lr =	sadd.s32 s0, s3;
	s0 =	sld [smem:$0x3F9C]  }
0x30: {  	s3 =	sld [smem:$0x3F9F]  }
0x31: {  	[smem:$0x3FA8] =	sst s10  }
0x32: {  	s10 =	sld [smem:$0x3FA6];
	_ =	sdelay $0x3  }
0x33: {  	p0 =	seq.s32 s10, $0x1;
	s10 =	sld [smem:$0x3FA8];
	_ =	sdelay $0x3  }
0x34: {  	[smem:$0x3FA8] =	sst s10  }
0x35: {  	s10 =	sld [smem:$0x3FA7];
	_ =	sdelay $0x3  }
0x36: {  	p1 =	seq.s32 s10, $0x1;
	s10 =	sld [smem:$0x3FA8];
	_ =	sdelay $0x3  }
0x37: {  	[smem:$0x3FA8] =	sst s10  }
0x38: {  	s10 =	sld [smem:$0x3FA9]  }
0x39: {  	_ = 	snop;
	(pc) =	sbr.ind lr, $3  }
0x3a: {  	_ = 	snop  }
0x3b: {  	_ = 	snop  }
0x3c: {  	p2 =	seq.s32 s10, $0x1;
	s10 =	sld [smem:$0x3FA8]  }
0x3d: {  	_ =	shalt  }
0x3e: {  	_ =	shalt  }
0x3f: {  	_ =	shalt  }
0x40: {  	_ =	shalt  }
0x41: {  	_ =	shalt  }
0x42: {  	_ =	shalt  }
0x43: {  	_ =	shalt  }
0x44: {  	_ =	shalt  }
0x45: {  	_ =	shalt  }
0x46: {  	_ =	shalt  }
0x47: {  	_ =	shalt  }
0x48: {  	_ =	shalt  }
0x49: {  	_ =	shalt  }
0x4a: {  	_ =	shalt  }
0x4b: {  	_ =	shalt  }
0x4c: {  	_ =	shalt  }
0x4d: {  	_ =	shalt  }
0x4e: {  	_ =	shalt  }
0x4f: {  	_ =	shalt  }
0x50: {  	_ =	shalt  }
0x51: {  	_ =	shalt  }
0x52: {  	_ =	shalt  }
0x53: {  	_ =	shalt  }
0x54: {  	_ =	shalt  }
0x55: {  	_ =	shalt  }
0x56: {  	_ =	shalt  }
0x57: {  	_ =	shalt  }
0x58: {  	_ =	shalt  }
0x59: {  	_ =	shalt  }
0x5a: {  	_ =	shalt  }
0x5b: {  	_ =	shalt  }
0x5c: {  	_ =	shalt  }
0x5d: {  	_ =	shalt  }
0x5e: {  	_ =	shalt  }
0x5f: {  	_ =	shalt  }
0x60: {  	_ =	shalt  }
0x61: {  	_ =	shalt  }
0x62: {  	_ =	shalt  }
0x63: {  	_ =	shalt  }
0x64: {  	_ =	shalt  }
0x65: {  	_ =	shalt  }
0x66: {  	_ =	shalt  }
0x67: {  	_ =	shalt  }
0x68: {  	_ =	shalt  }
0x69: {  	_ =	shalt  }
0x6a: {  	_ =	shalt  }
0x6b: {  	_ =	shalt  }
0x6c: {  	_ =	shalt  }
0x6d: {  	_ =	shalt  }
0x6e: {  	_ =	shalt  }
0x6f: {  	_ =	shalt  }
0x70: {  	_ =	shalt  }
0x71: {  	_ =	shalt  }
0x72: {  	_ =	shalt  }
0x73: {  	_ =	shalt  }
0x74: {  	_ =	shalt  }
0x75: {  	_ =	shalt  }
0x76: {  	_ =	shalt  }
0x77: {  	_ =	shalt  }
0x78: {  	_ =	shalt  }
0x79: {  	_ =	shalt  }
0x7a: {  	_ =	shalt  }
0x7b: {  	_ =	shalt  }
0x7c: {  	_ =	shalt  }
0x7d: {  	_ =	shalt  }
0x7e: {  	_ =	shalt  }
0x7f: {  	_ =	shalt  }
0x80: {  	_ =	shalt  }
0x81: {  	_ =	shalt  }
0x82: {  	_ =	shalt  }
0x83: {  	_ =	shalt  }
0x84: {  	_ =	shalt  }
0x85: {  	_ =	shalt  }
0x86: {  	_ =	shalt  }
0x87: {  	_ =	shalt  }
.Lfunc_end0:
.L_simem_size_0:
called_computation.1_lowered:
.L_overlay_start_0:
0x88: {  	s2 =	sld [smem:$0x3FD9]  }
0x89: {  	s3 =	sld [smem:$0x3FFE];
	_ =	sdelay $0x1  }
0x8a: {  	s1 =	srdreg.scid  }
0x8b: {  	s0 =	sand.u32 $0x1, s1  }
0x8c: {  	s14 =	sshll.u32 s0, $0xA;
	s2 =	sadd.s32 s3, s2  }
0x8d: {  	s2 =	sadd.s32 s2, s14  }
0x8e: {  	[smem:$0x3FB4] =	sst s2  }
0x8f: {  	_ = 	snop  }
0x90: {  	s2 =	sld [smem:$0x3FD0];
	_ =	sdelay $0x2  }
0x91: {  	s15 =	simm.s32 $0xA;
	s4 =	simm.s32 $0x10  }
0x92: {  	[smem:s4], [sflag:s15] =	dma.local [hbm:s2], $0x1  }
0x93: {  	_ =	swait.eq [sflag:s15], $0x1  }
0x94: {  	[sflag:s15] =	ssyncset.done $0x0  }
0x95: {  	[sflag:s15] =	ssyncadd.s32 $0xFFFFFFFF  }
0x96: {  	s16 =	sld [smem:$0x11];
	(tm) =	ssettm $0x1  }
0x97: {  	s17 =	sld [smem:$0x3FFB];
	_ =	sdelay $0x3  }
0x98: {  	_ =	strace s17  }
0x99: {  	s3 =	sld [smem:$0x3FFC];
	_ =	sdelay $0x3  }
0x9a: {  	_ =	strace s3  }
0x9b: {  	s3 =	sld [smem:$0x3FFD];
	_ =	sdelay $0x3  }
0x9c: {  	_ =	strace s3  }
0x9d: {  	_ =	strace $0x8FFFFFFF  }
0x9e: {  	s18 =	sld [smem:$0x3FDB];
	_ =	sdelay $0x1  }
0x9f: {  	s19 =	simm.s32 $_scs_section_size  }
0xa0: {  	s5 =	simm.s32 $_size__tile_overlayer_lowered;
	s6 =	simm.s32 $_tile_overlayer_lowered  }
0xa1: {  	s22 =	simm.s32 $0x1BFF;
	s21 =	sshll.u32 s6, $0x1;
	s3 =	sadd.s32 s19, s18  }
0xa2: {  	s7 =	simm.s32 $0x0;
	s20 =	sshll.u32 s5, $0x1;
	s5 =	sadd.s32 s21, s3  }
0xa3: {  	[timem:s7], [sflag:s22] =	dma.local [hbm:s5], s20  }
0xa4: {  	_ =	swait.ge [sflag:s22], s20  }
0xa5: {  	s4 =	ssub.s32 $0x0, s20;
	[sflag:s22] =	ssyncset.done $0x0  }
0xa6: {  	[sflag:s22] =	ssyncadd.s32 s4;
	_ =	sdelay $0x1  }
0xa7: {  	s23 =	simm.s32 $0x1B8B  }
0xa8: {  	_ =	swait.ge [sflag:s23], $0x1  }
0xa9: {  	[sflag:s23] =	ssyncset.done $0x0  }
0xaa: {  	s25 =	simm.s32 $0x1B8E;
	s24 =	sld [smem:$0x3FFE];
	[sflag:s23] =	ssyncadd.s32 $0xFFFFFFFF  }
0xab: {  	s26 =	simm.s32 $execute0_lowered;
	[smem:$0x3FD2] =	sst s25  }
0xac: {  	s5 =	sshll.u32 s26, $0x1;
	_ =	strace $0x80000049;
	[dreg:$0x1] =	wrdreg $0xFFFFFFFF  }
0xad: {  	s28 =	simm.s32 $_size_execute0_lowered;
	s3 =	sadd.s32 s3, s5;
	[dreg:$0x0] =	wrdreg $0x0  }
0xae: {  	s5 =	sshll.u32 s28, $0x1;
	[dreg:$0x2] =	wrdreg s3  }
0xaf: {  	[dreg:$0x3] =	wrdreg s5  }
0xb0: {  	[dreg:$0x4] =	wrdreg $0xC0  }
0xb1: {  	_ =	task [dreg:s7], $0x5FFFF  }
0xb2: {  	[dreg:$0x1] =	wrdreg $0xFFFFFFFF  }
0xb3: {  	[dreg:$0x0] =	wrdreg $0x60  }
0xb4: {  	[dreg:$0x2] =	wrdreg s24  }
0xb5: {  	[dreg:$0x3] =	wrdreg s16  }
0xb6: {  	[dreg:$0x4] =	wrdreg $0x0  }
0xb7: {  	[dreg:$0x5] =	wrdreg $0xA0000  }
0xb8: {  	[dreg:$0x6] =	wrdreg $0x9  }
0xb9: {  	_ =	task.clear_ibuf [dreg:s7], $0x7FFFF;
	_ =	strace $0x90000049  }
0xba: {  	s29 =	simm.s32 $0x9;
	_ =	strace $0x8000004B  }
0xbb: {  	_ =	swait.ge [sflag:s29], $0x1  }
0xbc: {  	[sflag:s29] =	ssyncadd.s32 $0xFFFFFFFF  }
0xbd: {  	_ =	strace $0x9000004B  }
0xbe: {  	_ =	sfence  }
0xbf: {  	s30 =	sld [smem:$0x0];
	_ =	sdelay $0x2  }
0xc0: {  	s31 =	sshll.u32 s1, $0xD;
	s1 =	sshrl.u32 s1, $0x2  }
0xc1: {  	s3 =	sand.u32 $0x4000, s31;
	s1 =	sadd.s32 s1, s30  }
0xc2: {  	s0 =	sor.u32 s3, s0;
	s1 =	sshll.u32 s1, $0x11  }
0xc3: {  	s0 =	sor.u32 s1, s0  }
0xc4: {  	s0 =	sadd.s32 $0x8F2B, s0  }
0xc5: {  	[sflag:s0] =	ssyncadd.remote.s32 $0x1  }
0xc6: {  	_ =	sfence.sel $0xFFFF  }
0xc7: {  	[dreg:$0x0] =	wrdreg $0xFFFFFFFF;
	(pc) =	sbr.abs _section_cstart, $3  }
0xc8: {  	[dreg:$0x1] =	wrdreg $0xFFFFFFFF  }
0xc9: {  	_ =	task.clear_ibuf [dreg:s7], $0x2FFFF;
	_ =	strace $0x9FFFFFFF  }
0xca: {  	(tm) =	ssettm $0x7FFFFFFF  }
0xcb: {  	_ =	shalt  }
tec
execute0_lowered:
.L_overlay_start_1:
0x0: {  	(tag) =	ssettag $0x1  }
0x1: {  	s0 =	rddreg [dreg:$0x0]  }
0x2: {  	s2 =	rddreg [dreg:$0x1]  }
0x3: {  	s3 =	rddreg [dreg:$0x2]  }
0x4: {  	s4 =	rddreg [dreg:$0x3]  }
0x5: {  	s11 =	stileid.u32;
	s1 =	srdreg.scid  }
0x6: {  	s5 =	simm.s32 $0x0;
	s18 =	simm.s32 $0x6;
	s19 =	simm.s32 $0x14000  }
0x7: {  	s20 =	simm.s32 $0x15400;
	s28 =	simm.s32 $0x2;
	s29 =	simm.s32 $0x3  }
0x8: {  	s30 =	simm.s32 $0x4;
	s31 =	simm.s32 $0x16600;
	s8 =	smul.u32 $0x14000, s11  }
0x9: {  	s1 =	sand.u32 $0x1, s1;
	[smem:$0x7FF] =	sst s5;
	s6 =	sadd.s32 $0x4C00, s0  }
0xa: {  	s22 =	sshll.u32 s11, $0x6;
	s7 =	smul.u32 $0x140000, s1;
	_ =	strace $0x8000004A  }
0xb: {  	s1 =	ssub.s32 $0x2, s1;
	s16 =	sor.u32 $0x1C06, s22;
	s9 =	sshrl.u32 s8, $0x3  }
0xc: {  	s10 =	sshrl.u32 s1, $0x1;
	s21 =	sadd.s32 s8, s4;
	s7 =	sadd.s32 s8, s7  }
0xd: {  	s9 =	sadd.s32 s9, s0;
	s1 =	ssub.s32 s1, s10;
	s8 =	sadd.s32 s8, s3  }
0xe: {  	s15 =	sshrl.u32 s21, $0x3;
	s21 =	simm.s32 $0x5;
	s10 =	simm.s32 $0x16780  }
0xf: {  	s7 =	sshrl.u32 s7, $0x3;
	s9 =	sadd.s32 $0x5EC00, s9;
	s25 =	smax.u32 s1, $0x1  }
0x10: {  	s26 =	sshrl.u32 s8, $0x3;
	s1 =	simm.s32 $0x15300;
	[dreg:$0x5] =	wrdreg s9  }
0x11: {  	s8 =	simm.s32 $0x15380;
	s0 =	sadd.s32 s7, s0;
	[dreg:$0xb] =	wrdreg s25  }
0x12: {  	s7 =	smul.u32 $0x5000, s11;
	s11 =	sor.u32 $0x1C05, s22;
	[dreg:$0xc] =	wrdreg s26  }
0x13: {  	s22 =	simm.s32 $0x80;
	s25 =	simm.s32 $0x1A800;
	s26 =	simm.s32 $0x1  }
0x14: {  	s9 =	simm.s32 $0x16700;
	[dreg:$0x6] =	wrdreg s11;
	s12 =	sadd.s32 $0xEC00, s0  }
0x15: {  	s0 =	sadd.s32 $0x86C00, s0;
	s23 =	sshrl.u32 s7, $0x3;
	[dreg:$0x7] =	wrdreg s12  }
0x16: {  	[dreg:$0xa] =	wrdreg s0;
	s0 =	simm.s32 $0x16680;
	s24 =	sadd.s32 s2, s23  }
0x17: {  	s11 =	sadd.s32 s6, s23;
	s23 =	simm.s32 $0x16800;
	[dreg:$0x8] =	wrdreg s24  }
0x18: {  	[dreg:$0x9] =	wrdreg s11;
	s24 =	simm.s32 $0x14080;
	s11 =	simm.s32 $0x0  }
.LBB2_1:
0x19: {  	s12 =	rddreg [dreg:$0x5]  }
0x1a: {  	s13 =	rddreg [dreg:$0x6]  }
0x1b: {  	[spmem:s15], [sflag:s13] =	dma.local [hbm:s12], $0x2800  }
0x1c: {  	s12 =	rddreg [dreg:$0x7]  }
0x1d: {  	s13 =	rddreg [dreg:$0xc]  }
0x1e: {  	[spmem:s13], [sflag:s16] =	dma.local [hbm:s12], $0x2800  }
0x1f: {  	_ =	swait.ge [sflag:s18], $0x2800  }
0x20: {  	[sflag:s18] =	ssyncset.done $0x0  }
0x21: {  	s14 =	rddreg [dreg:$0x8];
	[sflag:s18] =	ssyncadd.s32 $0xFFFFD800  }
0x22: {  	[tilespmem:s19], [sflag:$0x6] =	stream.linear.gather [hbm4b:s14+s5], $0x1400, $0x38;
	[tilespmem:$0x1E800] =	vst v63  }
0x23: {  	_ =	swait.ge [sflag:s18], $0x1400  }
0x24: {  	[sflag:s18] =	ssyncset.done $0x0  }
0x25: {  	s17 =	rddreg [dreg:$0x9];
	[sflag:s18] =	ssyncadd.s32 $0xFFFFEC00  }
0x26: {  	[tilespmem:s20], [sflag:$0x6] =	stream.linear.gather [hbm4b:s17+s5], $0x1400, $0x38;
	[tilespmem:$0x1E800] =	vst v63  }
0x27: {  	_ =	swait.ge [sflag:s18], $0x1400  }
0x28: {  	[sflag:s18] =	ssyncset.done $0x0  }
0x29: {  	[sflag:s18] =	ssyncadd.s32 $0xFFFFEC00  }
0x2a: {  	_ =	swait.ge [sflag:s21], $0x2800  }
0x2b: {  	[sflag:s21] =	ssyncset.done $0x0  }
0x2c: {  	[sflag:s21] =	ssyncadd.s32 $0xFFFFD800  }
0x2d: {  	s12 =	simm.s32 $0x0;
	[bflag:$0x0] =	sbarrier.arrive $0xFFFF  }
.LBB2_2:
0x2e: {  	[tilespmem:s23], [sflag:$0x1] =	stream.indirect.gather [spmem:s3], $0x40, s19, s22, $0xb8;
	[tilespmem:$0x1E800] =	vst v63  }
0x2f: {  	_ = 	snop  }
0x30: {  	[tilespmem:s25], [sflag:$0x2] =	stream.indirect.gather [spmem:s3], $0x40, s24, s22, $0xb8;
	[tilespmem:$0x1E800] =	vst v63  }
0x31: {  	_ =	swait.ge [sflag:s26], $0x2000  }
0x32: {  	[sflag:s26] =	ssyncset.done $0x0  }
0x33: {  	s13 =	simm.s32 $0x15400;
	[sflag:s26] =	ssyncadd.s32 $0xFFFFE000  }
0x34: {  	[spmem:s4] =	stream.indirect.scatter.add.f32 [tilespmem:s23], [sflag:$0x3], $0x40, s13, s22, $0xb8;
	[tilespmem:$0x1E800] =	vst v63  }
0x35: {  	_ =	swait.ge [sflag:s28], $0x2000  }
0x36: {  	[sflag:s28] =	ssyncset.done $0x0  }
0x37: {  	s14 =	simm.s32 $0x15480;
	[sflag:s28] =	ssyncadd.s32 $0xFFFFE000  }
0x38: {  	[spmem:s4] =	stream.indirect.scatter.add.f32 [tilespmem:s25], [sflag:$0x4], $0x40, s14, s22, $0xb8;
	[tilespmem:$0x1E800] =	vst v63  }
0x39: {  	_ =	swait.ge [sflag:s29], $0x2000  }
0x3a: {  	[sflag:s29] =	ssyncset.done $0x0  }
0x3b: {  	s17 =	simm.s32 $0x14100;
	[sflag:s29] =	ssyncadd.s32 $0xFFFFE000  }
0x3c: {  	[tilespmem:s23], [sflag:$0x1] =	stream.indirect.gather [spmem:s3], $0x40, s17, s22, $0xb8;
	[tilespmem:$0x1E800] =	vst v63  }
0x3d: {  	_ =	swait.ge [sflag:s30], $0x2000  }
0x3e: {  	[sflag:s30] =	ssyncset.done $0x0  }
0x3f: {  	s13 =	simm.s32 $0x400;
	s14 =	simm.s32 $0x14180;
	[sflag:s30] =	ssyncadd.s32 $0xFFFFE000  }
.LBB2_3:
0x40: {  	[tilespmem:s25], [sflag:$0x2] =	stream.indirect.gather [spmem:s3], $0x40, s14, s22, $0xb8;
	[tilespmem:$0x1E800] =	vst v63  }
0x41: {  	s14 =	smov.u32 s13  }
0x42: {  	p0 =	sne.s32 s13, $0x4400;
	s13 =	sadd.s32 $0x400, s13;
	_ =	swait.ge [sflag:s26], $0x2000  }
0x43: {  	s14 =	sshra.s32 s14, $0x2;
	[sflag:s26] =	ssyncset.done $0x0  }
0x44: {  	s17 =	sadd.s32 $0x15400, s14;
	[sflag:s26] =	ssyncadd.s32 $0xFFFFE000  }
0x45: {  	[spmem:s4] =	stream.indirect.scatter.add.f32 [tilespmem:s23], [sflag:$0x3], $0x40, s17, s22, $0xb8;
	[tilespmem:$0x1E800] =	vst v63  }
0x46: {  	_ =	swait.ge [sflag:s28], $0x2000  }
0x47: {  	[sflag:s28] =	ssyncset.done $0x0  }
0x48: {  	s17 =	sadd.s32 $0x15480, s14;
	[sflag:s28] =	ssyncadd.s32 $0xFFFFE000  }
0x49: {  	[spmem:s4] =	stream.indirect.scatter.add.f32 [tilespmem:s25], [sflag:$0x4], $0x40, s17, s22, $0xb8;
	[tilespmem:$0x1E800] =	vst v63  }
0x4a: {  	_ =	swait.ge [sflag:s29], $0x2000  }
0x4b: {  	[sflag:s29] =	ssyncset.done $0x0  }
.Ltmp0:
0x4c: {  	s17 =	sadd.s32 $0x14100, s14;
	[sflag:s29] =	ssyncadd.s32 $0xFFFFE000;
	(pc) =	sbr.rel @p0 .LBB2_3-.Ltmp0, $4  }
0x4d: {  	[tilespmem:s23], [sflag:$0x1] =	stream.indirect.gather [spmem:s3], $0x40, s17, s22, $0xb8;
	[tilespmem:$0x1E800] =	vst v63  }
0x4e: {  	_ =	swait.ge [sflag:s30], $0x2000  }
0x4f: {  	[sflag:s30] =	ssyncset.done $0x0  }
0x50: {  	s14 =	sadd.s32 $0x14180, s14;
	[sflag:s30] =	ssyncadd.s32 $0xFFFFE000  }
0x51: {  	[tilespmem:s25], [sflag:$0x2] =	stream.indirect.gather [spmem:s3], $0x40, s14, s22, $0xb8;
	[tilespmem:$0x1E800] =	vst v63  }
0x52: {  	_ =	swait.ge [sflag:s26], $0x2000  }
0x53: {  	[sflag:s26] =	ssyncset.done $0x0  }
0x54: {  	[sflag:s26] =	ssyncadd.s32 $0xFFFFE000  }
0x55: {  	[spmem:s4] =	stream.indirect.scatter.add.f32 [tilespmem:s23], [sflag:$0x3], $0x40, s31, s22, $0xb8;
	[tilespmem:$0x1E800] =	vst v63  }
0x56: {  	_ =	swait.ge [sflag:s28], $0x2000  }
0x57: {  	[sflag:s28] =	ssyncset.done $0x0  }
0x58: {  	[sflag:s28] =	ssyncadd.s32 $0xFFFFE000  }
0x59: {  	[spmem:s4] =	stream.indirect.scatter.add.f32 [tilespmem:s25], [sflag:$0x4], $0x40, s0, s22, $0xb8;
	[tilespmem:$0x1E800] =	vst v63  }
0x5a: {  	_ =	swait.ge [sflag:s29], $0x2000  }
0x5b: {  	[sflag:s29] =	ssyncset.done $0x0  }
0x5c: {  	[sflag:s29] =	ssyncadd.s32 $0xFFFFE000  }
0x5d: {  	[tilespmem:s23], [sflag:$0x1] =	stream.indirect.gather [spmem:s3], $0x40, s1, s22, $0xb8;
	[tilespmem:$0x1E800] =	vst v63  }
0x5e: {  	_ =	swait.ge [sflag:s30], $0x2000  }
0x5f: {  	[sflag:s30] =	ssyncset.done $0x0  }
0x60: {  	[sflag:s30] =	ssyncadd.s32 $0xFFFFE000  }
0x61: {  	[tilespmem:s25], [sflag:$0x2] =	stream.indirect.gather [spmem:s3], $0x40, s8, s22, $0xb8;
	[tilespmem:$0x1E800] =	vst v63  }
0x62: {  	_ =	swait.ge [sflag:s26], $0x2000  }
0x63: {  	[sflag:s26] =	ssyncset.done $0x0  }
0x64: {  	[sflag:s26] =	ssyncadd.s32 $0xFFFFE000  }
0x65: {  	[spmem:s4] =	stream.indirect.scatter.add.f32 [tilespmem:s23], [sflag:$0x3], $0x40, s9, s22, $0xb8;
	[tilespmem:$0x1E800] =	vst v63  }
0x66: {  	_ =	swait.ge [sflag:s28], $0x2000  }
0x67: {  	[sflag:s28] =	ssyncset.done $0x0  }
0x68: {  	[sflag:s28] =	ssyncadd.s32 $0xFFFFE000  }
0x69: {  	[spmem:s4] =	stream.indirect.scatter.add.f32 [tilespmem:s25], [sflag:$0x4], $0x40, s10, s22, $0xb8;
	[tilespmem:$0x1E800] =	vst v63  }
0x6a: {  	_ =	swait.ge [sflag:s29], $0x2000  }
0x6b: {  	[sflag:s29] =	ssyncset.done $0x0  }
0x6c: {  	[sflag:s29] =	ssyncadd.s32 $0xFFFFE000  }
0x6d: {  	[tilespmem:s23], [sflag:$0x1] =	stream.indirect.gather [spmem:s3], $0x40, s8, s22, $0xb8;
	[tilespmem:$0x1E800] =	vst v63  }
0x6e: {  	_ =	swait.ge [sflag:s30], $0x2000  }
0x6f: {  	s12 =	sadd.s32 $0x1, s12;
	[sflag:s30] =	ssyncset.done $0x0  }
0x70: {  	p0 =	slt.s32 s12, $0x3;
	s13 =	smov.u32 s12;
	[sflag:s30] =	ssyncadd.s32 $0xFFFFE000  }
0x71: {  	[tilespmem:s25], [sflag:$0x2] =	stream.indirect.gather [spmem:s3], $0x40, s8, s22, $0xb8;
	[tilespmem:$0x1E800] =	vst v63  }
0x72: {  	s13 =	simm.s32 @!p0 $0x3;
	_ =	swait.ge [sflag:s26], $0x2000  }
0x73: {  	s13 =	smul.u32 $0x1400, s13;
	[sflag:s26] =	ssyncset.done $0x0  }
0x74: {  	[sflag:s26] =	ssyncadd.s32 $0xFFFFE000  }
0x75: {  	s13 =	sadd.s32 s7, s13;
	_ =	swait.ge [sflag:s28], $0x2000  }
0x76: {  	s13 =	sshrl.u32 s13, $0x3;
	[sflag:s28] =	ssyncset.done $0x0  }
0x77: {  	s17 =	sadd.s32 s2, s13;
	[sflag:s28] =	ssyncadd.s32 $0xFFFFE000  }
0x78: {  	[tilespmem:s19], [sflag:$0x6] =	stream.linear.gather [hbm4b:s17+s5], $0x1400, $0x38;
	[tilespmem:$0x1E800] =	vst v63  }
0x79: {  	_ =	swait.ge [sflag:s18], $0x1400  }
0x7a: {  	p0 =	sne.s32 s12, $0x4;
	[sflag:s18] =	ssyncset.done $0x0  }
.Ltmp1:
0x7b: {  	s13 =	sadd.s32 s6, s13;
	[sflag:s18] =	ssyncadd.s32 $0xFFFFEC00;
	(pc) =	sbr.rel @p0 .LBB2_2-.Ltmp1, $4  }
0x7c: {  	[tilespmem:s20], [sflag:$0x6] =	stream.linear.gather [hbm4b:s13+s5], $0x1400, $0x38;
	[tilespmem:$0x1E800] =	vst v63  }
0x7d: {  	_ =	swait.ge [sflag:s18], $0x1400  }
0x7e: {  	[sflag:s18] =	ssyncset.done $0x0  }
0x7f: {  	[sflag:s18] =	ssyncadd.s32 $0xFFFFEC00  }
0x80: {  	[bflag:$0x0] =	sbarrier.arrive $0xFFFF  }
0x81: {  	s12 =	rddreg [dreg:$0xa]  }
0x82: {  	[hbm:s12], [sflag:s16] =	dma.local [spmem:s15], $0x2800  }
0x83: {  	_ =	swait.ge [sflag:s18], $0x2800  }
0x84: {  	s11 =	sadd.s32 $0x1, s11;
	s17 =	rddreg [dreg:$0xb]  }
0x85: {  	p0 =	sne.s32 s11, s17  }
.Ltmp2:
0x86: {  	_ = 	snop;
	(pc) =	sbr.rel @p0 .LBB2_1-.Ltmp2, $3  }
0x87: {  	_ =	sdelay $0x1  }
0x88: {  	[sflag:s18] =	ssyncset.done $0x0  }
0x89: {  	[sflag:s18] =	ssyncadd.s32 $0xFFFFD800  }
0x8a: {  	_ =	sfence.sel $0x180000  }
0x8b: {  	[bflag:$0x0] =	sbarrier.arrive $0xFFFF  }
0x8c: {  	_ =	strace $0x9000004A  }
0x8d: {  	s0 =	stileid.u32;
	[bflag:$0x2] =	sbarrier.arrive $0xFFFF  }
0x8e: {  	p0 =	sne.s32 s0, $0x0;
	s0 =	rddreg [dreg:$0x4]  }
0x8f: {  	s0 =	sadd.s32 @!p0 $0x100000, s0  }
0x90: {  	[sflag:s0] =	ssyncadd.tile.s32 @!p0 $0x1;
	_ =	shalt  }
.Lfunc_end2:
_tile_overlayer_lowered:
.L_overlay_start_2:
0x91: {  	(tag) =	ssettag $0x2  }
0x92: {  	s0 =	rddreg [dreg:$0x0];
	s2 =	stileid.u32  }
0x93: {  	s1 =	rddreg [dreg:$0x1];
	p0 =	sne.s32 s2, $0x0  }
0x94: {  	s3 =	rddreg [dreg:$0x2];
	[bflag:$0x3] =	sbarrier.arrive $0xFFFF;
	s2 =	simm.s32 @!p0 $0x1C06  }
0x95: {  	[timem:s3], [sflag:s2] =	dma.local @!p0 [hbm:s0], s1  }
0x96: {  	s0 =	simm.s32 @!p0 $0x6  }
0x97: {  	_ =	swait.ge @!p0 [sflag:s0], s1  }
0x98: {  	s1 =	ssub.s32 @!p0 $0x0, s1;
	[sflag:s0] =	ssyncset.done @!p0 $0x0  }
0x99: {  	[sflag:s0] =	ssyncadd.s32 @!p0 s1  }
0x9a: {  	[bflag:$0x3] =	sbarrier.arrive $0xFFFF  }
0x9b: {  	_ =	shalt  }

// kernel: kernel.14.cloned.1.call-start
scs
__scs_entry_jumppad:
0x0: {  	(pc) =	sbr.rel $0x88, $3  }
0x1: {  	(tag) =	ssettag $0x0;
	lr =	simm.s32 $0x1  }
0x2: {  	[smem:$0x3F8D] =	sst lr;
	_ =	strace $0xD0000000  }
0x3: {  	_ = 	snop  }
0x4: {  	_ = 	snop  }
0x5: {  	_ = 	snop  }
0x6: {  	_ = 	snop  }
0x7: {  	_ = 	snop  }
__scs_overlays_trampoline_lowered:
0x8: {  	[smem:$0x3F9C] =	sst s0  }
0x9: {  	[smem:$0x3F9D] =	sst s1  }
0xa: {  	[smem:$0x3F9E] =	sst s2  }
0xb: {  	[smem:$0x3F9F] =	sst s3  }
0xc: {  	[smem:$0x3FA0] =	sst s4  }
0xd: {  	[smem:$0x3FA1] =	sst s5  }
0xe: {  	[smem:$0x3FA2] =	sst s6  }
0xf: {  	[smem:$0x3FA3] =	sst s7  }
0x10: {  	[smem:$0x3FA4] =	sst s8  }
0x11: {  	[smem:$0x3FA5] =	sst s9;
	s0 =	simm.s32 @!p0 $0x0  }
0x12: {  	s1 =	sld [smem:$0x3F8B];
	s0 =	simm.s32 @p0 $0x1  }
0x13: {  	[smem:$0x3FA6] =	sst s0;
	s0 =	simm.s32 @!p1 $0x0  }
0x14: {  	s2 =	sld [smem:$0x3F8A];
	s0 =	simm.s32 @p1 $0x1  }
0x15: {  	[smem:$0x3FA7] =	sst s0;
	s0 =	simm.s32 @!p2 $0x0  }
0x16: {  	s3 =	sld [smem:$0x3FDB];
	s0 =	simm.s32 @p2 $0x1  }
0x17: {  	s4 =	simm.s32 $0x1BF5;
	[smem:$0x3FA9] =	sst s0  }
0x18: {  	s0 =	sld [smem:$0x3F8C];
	_ =	swait.ge [sflag:s4], $0x0  }
0x19: {  	s7 =	sld [smem:$0x3F8D]  }
0x1a: {  	s8 =	sadd.s32 $0xFFFFE003, lr  }
0x1b: {  	s9 =	sadd.s32 $0xFFFFFEF7, lr;
	s5 =	simm.s32 $0xFFFFFFFF;
	p2 =	slt.u32 s8, $0xFFFFF086  }
0x1c: {  	p1 =	slt.u32 s9, $0xF7A;
	s5 =	simm.s32 @!p2 $0x0  }
0x1d: {  	s5 =	simm.s32 @p1 $0x1;
	p0 =	seq.s32 s7, s2  }
0x1e: {  	s7 =	smul.u32 @!p0 $0xF7A, s2;
	p2 =	seq.s32 @!p0 s5, $0x0  }
0x1f: {  	s9 =	smul.u32 $0xF7A, s1;
	s8 =	simm.s32 @!p0 $0x1BF5;
	p2 =	por !p2, p0  }
0x20: {  	[sflag:s8] =	ssyncset.s32 @!p0 $0xFFFFF086;
	s6 =	sadd.s32 @!p0 s3, s7;
	s7 =	simm.s32 @!p0 $0x108  }
0x21: {  	s3 =	sadd.s32 s3, s9;
	s6 =	sadd.s32 @!p0 $0x88, s6;
	s7 =	simm.s32 @p2 $0x1082  }
0x22: {  	[simem:s7], [sflag:s8] =	dma.local @!p0 [hbm:s6], $0xF7A  }
0x23: {  	s9 =	sor.u32 $0xD0000000, s2;
	s6 =	simm.s32 $0x108;
	_ =	swait.ge @!p0 [sflag:s8], $0x0  }
0x24: {  	s3 =	sadd.s32 $0x88, s3;
	s6 =	simm.s32 @!p1 $0x1082;
	[sflag:s4] =	ssyncset.s32 $0xFFFFF086  }
0x25: {  	[simem:s6], [sflag:s4] =	dma.local [hbm:s3], $0xF7A  }
0x26: {  	[smem:$0x3F8D] =	sst s1;
	(tag) =	ssettag s2;
	_ =	strace s9  }
0x27: {  	s1 =	sld [smem:$0x3F9D]  }
0x28: {  	s2 =	sld [smem:$0x3F9E]  }
0x29: {  	s4 =	sld [smem:$0x3FA0]  }
0x2a: {  	p0 =	seq.s32 s5, $0x0;
	s5 =	sld [smem:$0x3FA1]  }
0x2b: {  	s6 =	sld [smem:$0x3FA2]  }
0x2c: {  	s7 =	sld [smem:$0x3FA3]  }
0x2d: {  	s3 =	simm.s32 $0x108;
	s8 =	sld [smem:$0x3FA4]  }
0x2e: {  	s3 =	simm.s32 @!p0 $0x1082;
	s9 =	sld [smem:$0x3FA5]  }
0x2f: {  	lr =	sadd.s32 s0, s3;
	s0 =	sld [smem:$0x3F9C]  }
0x30: {  	s3 =	sld [smem:$0x3F9F]  }
0x31: {  	[smem:$0x3FA8] =	sst s10  }
0x32: {  	s10 =	sld [smem:$0x3FA6];
	_ =	sdelay $0x3  }
0x33: {  	p0 =	seq.s32 s10, $0x1;
	s10 =	sld [smem:$0x3FA8];
	_ =	sdelay $0x3  }
0x34: {  	[smem:$0x3FA8] =	sst s10  }
0x35: {  	s10 =	sld [smem:$0x3FA7];
	_ =	sdelay $0x3  }
0x36: {  	p1 =	seq.s32 s10, $0x1;
	s10 =	sld [smem:$0x3FA8];
	_ =	sdelay $0x3  }
0x37: {  	[smem:$0x3FA8] =	sst s10  }
0x38: {  	s10 =	sld [smem:$0x3FA9]  }
0x39: {  	_ = 	snop;
	(pc) =	sbr.ind lr, $3  }
0x3a: {  	_ = 	snop  }
0x3b: {  	_ = 	snop  }
0x3c: {  	p2 =	seq.s32 s10, $0x1;
	s10 =	sld [smem:$0x3FA8]  }
0x3d: {  	_ =	shalt  }
0x3e: {  	_ =	shalt  }
0x3f: {  	_ =	shalt  }
0x40: {  	_ =	shalt  }
0x41: {  	_ =	shalt  }
0x42: {  	_ =	shalt  }
0x43: {  	_ =	shalt  }
0x44: {  	_ =	shalt  }
0x45: {  	_ =	shalt  }
0x46: {  	_ =	shalt  }
0x47: {  	_ =	shalt  }
0x48: {  	_ =	shalt  }
0x49: {  	_ =	shalt  }
0x4a: {  	_ =	shalt  }
0x4b: {  	_ =	shalt  }
0x4c: {  	_ =	shalt  }
0x4d: {  	_ =	shalt  }
0x4e: {  	_ =	shalt  }
0x4f: {  	_ =	shalt  }
0x50: {  	_ =	shalt  }
0x51: {  	_ =	shalt  }
0x52: {  	_ =	shalt  }
0x53: {  	_ =	shalt  }
0x54: {  	_ =	shalt  }
0x55: {  	_ =	shalt  }
0x56: {  	_ =	shalt  }
0x57: {  	_ =	shalt  }
0x58: {  	_ =	shalt  }
0x59: {  	_ =	shalt  }
0x5a: {  	_ =	shalt  }
0x5b: {  	_ =	shalt  }
0x5c: {  	_ =	shalt  }
0x5d: {  	_ =	shalt  }
0x5e: {  	_ =	shalt  }
0x5f: {  	_ =	shalt  }
0x60: {  	_ =	shalt  }
0x61: {  	_ =	shalt  }
0x62: {  	_ =	shalt  }
0x63: {  	_ =	shalt  }
0x64: {  	_ =	shalt  }
0x65: {  	_ =	shalt  }
0x66: {  	_ =	shalt  }
0x67: {  	_ =	shalt  }
0x68: {  	_ =	shalt  }
0x69: {  	_ =	shalt  }
0x6a: {  	_ =	shalt  }
0x6b: {  	_ =	shalt  }
0x6c: {  	_ =	shalt  }
0x6d: {  	_ =	shalt  }
0x6e: {  	_ =	shalt  }
0x6f: {  	_ =	shalt  }
0x70: {  	_ =	shalt  }
0x71: {  	_ =	shalt  }
0x72: {  	_ =	shalt  }
0x73: {  	_ =	shalt  }
0x74: {  	_ =	shalt  }
0x75: {  	_ =	shalt  }
0x76: {  	_ =	shalt  }
0x77: {  	_ =	shalt  }
0x78: {  	_ =	shalt  }
0x79: {  	_ =	shalt  }
0x7a: {  	_ =	shalt  }
0x7b: {  	_ =	shalt  }
0x7c: {  	_ =	shalt  }
0x7d: {  	_ =	shalt  }
0x7e: {  	_ =	shalt  }
0x7f: {  	_ =	shalt  }
0x80: {  	_ =	shalt  }
0x81: {  	_ =	shalt  }
0x82: {  	_ =	shalt  }
0x83: {  	_ =	shalt  }
0x84: {  	_ =	shalt  }
0x85: {  	_ =	shalt  }
0x86: {  	_ =	shalt  }
0x87: {  	_ =	shalt  }
.Lfunc_end0:
.L_simem_size_0:
called_computation.2_lowered:
.L_overlay_start_0:
0x88: {  	s2 =	sld [smem:$0x3FD9]  }
0x89: {  	s3 =	sld [smem:$0x3FFE];
	_ =	sdelay $0x1  }
0x8a: {  	s1 =	srdreg.scid  }
0x8b: {  	s0 =	sand.u32 $0x1, s1  }
0x8c: {  	s16 =	sshll.u32 s0, $0xA;
	s2 =	sadd.s32 s3, s2  }
0x8d: {  	s2 =	sadd.s32 s2, s16  }
0x8e: {  	[smem:$0x3FB4] =	sst s2  }
0x8f: {  	_ = 	snop  }
0x90: {  	(tm) =	ssettm $0x1  }
0x91: {  	s17 =	sld [smem:$0x3FFB];
	_ =	sdelay $0x3  }
0x92: {  	_ =	strace s17  }
0x93: {  	s2 =	sld [smem:$0x3FFC];
	_ =	sdelay $0x3  }
0x94: {  	_ =	strace s2  }
0x95: {  	s2 =	sld [smem:$0x3FFD];
	_ =	sdelay $0x3  }
0x96: {  	_ =	strace s2  }
0x97: {  	_ =	strace $0x8FFFFFFF  }
0x98: {  	s18 =	sld [smem:$0x3FDB];
	_ =	sdelay $0x1  }
0x99: {  	s19 =	simm.s32 $_scs_section_size  }
0x9a: {  	s4 =	simm.s32 $_size__tile_overlayer_lowered;
	s5 =	simm.s32 $_tile_overlayer_lowered  }
0x9b: {  	s22 =	simm.s32 $0x1BFF;
	s21 =	sshll.u32 s5, $0x1;
	s2 =	sadd.s32 s19, s18  }
0x9c: {  	s6 =	simm.s32 $0x0;
	s20 =	sshll.u32 s4, $0x1;
	s4 =	sadd.s32 s21, s2  }
0x9d: {  	[timem:s6], [sflag:s22] =	dma.local [hbm:s4], s20  }
0x9e: {  	_ =	swait.ge [sflag:s22], s20  }
0x9f: {  	s3 =	ssub.s32 $0x0, s20;
	[sflag:s22] =	ssyncset.done $0x0  }
0xa0: {  	[sflag:s22] =	ssyncadd.s32 s3;
	_ =	sdelay $0x1  }
0xa1: {  	s23 =	simm.s32 $0x1B8B  }
0xa2: {  	_ =	swait.ge [sflag:s23], $0x1  }
0xa3: {  	[sflag:s23] =	ssyncset.done $0x0  }
0xa4: {  	s25 =	simm.s32 $0x1B8E;
	s24 =	sld [smem:$0x3FFE];
	[sflag:s23] =	ssyncadd.s32 $0xFFFFFFFF  }
0xa5: {  	s26 =	simm.s32 $execute0_lowered;
	[smem:$0x3FD2] =	sst s25  }
0xa6: {  	s4 =	sshll.u32 s26, $0x1;
	_ =	strace $0x8000004C;
	[dreg:$0x1] =	wrdreg $0xFFFFFFFF  }
0xa7: {  	s28 =	simm.s32 $_size_execute0_lowered;
	s2 =	sadd.s32 s2, s4;
	[dreg:$0x0] =	wrdreg $0x0  }
0xa8: {  	s4 =	sshll.u32 s28, $0x1;
	[dreg:$0x2] =	wrdreg s2  }
0xa9: {  	[dreg:$0x3] =	wrdreg s4  }
0xaa: {  	[dreg:$0x4] =	wrdreg $0xC0  }
0xab: {  	_ =	task [dreg:s6], $0x5FFFF  }
0xac: {  	[dreg:$0x1] =	wrdreg $0xFFFFFFFF  }
0xad: {  	[dreg:$0x0] =	wrdreg $0x60  }
0xae: {  	[dreg:$0x2] =	wrdreg s24  }
0xaf: {  	[dreg:$0x3] =	wrdreg $0x0  }
0xb0: {  	[dreg:$0x4] =	wrdreg $0x9  }
0xb1: {  	_ =	task.clear_ibuf [dreg:s6], $0x5FFFF;
	_ =	strace $0x9000004C  }
0xb2: {  	s29 =	simm.s32 $0x9;
	_ =	strace $0x8000004E  }
0xb3: {  	_ =	swait.ge [sflag:s29], $0x1  }
0xb4: {  	[sflag:s29] =	ssyncadd.s32 $0xFFFFFFFF  }
0xb5: {  	_ =	strace $0x9000004E  }
0xb6: {  	_ =	sfence  }
0xb7: {  	s30 =	sld [smem:$0x0];
	_ =	sdelay $0x2  }
0xb8: {  	s31 =	sshll.u32 s1, $0xD;
	s1 =	sshrl.u32 s1, $0x2  }
0xb9: {  	s3 =	sand.u32 $0x4000, s31;
	s1 =	sadd.s32 s1, s30  }
0xba: {  	s0 =	sor.u32 s3, s0;
	s1 =	sshll.u32 s1, $0x11  }
0xbb: {  	s0 =	sor.u32 s1, s0  }
0xbc: {  	s0 =	sadd.s32 $0x8F2B, s0  }
0xbd: {  	[sflag:s0] =	ssyncadd.remote.s32 $0x1  }
0xbe: {  	_ =	sfence.sel $0xFFFF  }
0xbf: {  	[dreg:$0x0] =	wrdreg $0xFFFFFFFF;
	(pc) =	sbr.abs _section_cstart, $3  }
0xc0: {  	[dreg:$0x1] =	wrdreg $0xFFFFFFFF  }
0xc1: {  	_ =	task.clear_ibuf [dreg:s6], $0x2FFFF;
	_ =	strace $0x9FFFFFFF  }
0xc2: {  	(tm) =	ssettm $0x7FFFFFFF  }
0xc3: {  	_ =	shalt  }
tec
execute0_lowered:
.L_overlay_start_1:
0x0: {  	(tag) =	ssettag $0x1  }
0x1: {  	s4 =	rddreg [dreg:$0x0]  }
0x2: {  	s2 =	rddreg [dreg:$0x1]  }
0x3: {  	s0 =	rddreg [dreg:$0x2]  }
0x4: {  	s3 =	simm.s32 $0x0;
	s1 =	stileid.u32;
	s6 =	srdreg.scid  }
0x5: {  	s13 =	simm.s32 $0x14000;
	s14 =	simm.s32 $0x15000;
	s15 =	simm.s32 $0x80  }
0x6: {  	s16 =	simm.s32 $0x16000;
	s17 =	simm.s32 $0x1A000;
	s18 =	simm.s32 $0x1  }
0x7: {  	s19 =	simm.s32 $0x2;
	s20 =	simm.s32 $0x3;
	s21 =	simm.s32 $0x4  }
0x8: {  	s22 =	simm.s32 $0x0;
	[smem:$0x7FF] =	sst s3;
	s5 =	smul.u32 $0x2800, s1  }
0x9: {  	s6 =	sand.u32 $0x1, s6;
	s7 =	sshll.u32 s1, $0xA;
	s9 =	smul.u32 $0x19000, s1  }
0xa: {  	s11 =	smul.u32 $0x50000, s1;
	s29 =	sshll.u32 s1, $0x6;
	_ =	strace $0x8000004D  }
0xb: {  	s8 =	sshll.u32 s6, $0x9;
	s10 =	ssub.s32 $0x2, s6;
	s30 =	smul.u32 $0xC800, s6  }
0xc: {  	s5 =	sadd.s32 s5, s4;
	s7 =	sor.u32 s8, s7;
	s26 =	sshrl.u32 s10, $0x1  }
0xd: {  	s9 =	sadd.s32 s9, s4;
	s28 =	sshrl.u32 s11, $0x2;
	s7 =	sadd.s32 s7, s4  }
0xe: {  	s8 =	ssub.s32 s10, s26;
	s12 =	sadd.s32 s28, s2;
	s4 =	sadd.s32 $0x4C00, s5  }
0xf: {  	s5 =	sor.u32 $0x1C05, s29;
	s31 =	sadd.s32 s30, s9;
	s6 =	sadd.s32 $0xD6C00, s7  }
0x10: {  	s7 =	sadd.s32 $0xDAC00, s7;
	s8 =	smax.u32 s8, $0x1;
	s9 =	sadd.s32 $0x26EC00, s31  }
0x11: {  	s10 =	sadd.s32 $0xDEC00, s31;
	s11 =	sshrl.u32 s12, $0x3;
	s12 =	simm.s32 $0x5  }
.LBB2_1:
0x12: {  	[spmem:s11], [sflag:s5] =	dma.local [hbm:s4], $0x2800  }
0x13: {  	_ =	swait.ge [sflag:s12], $0x2800  }
0x14: {  	[sflag:s12] =	ssyncset.done $0x0  }
0x15: {  	[sflag:s12] =	ssyncadd.s32 $0xFFFFD800  }
0x16: {  	[tilespmem:s13], [sflag:$0x5] =	stream.linear.gather [hbm4b:s6+s3], $0xC80, $0x38;
	[tilespmem:$0x1E000] =	vst v63  }
0x17: {  	_ =	swait.ge [sflag:s12], $0xC80  }
0x18: {  	[sflag:s12] =	ssyncset.done $0x0  }
0x19: {  	[sflag:s12] =	ssyncadd.s32 $0xFFFFF380  }
0x1a: {  	[tilespmem:s14], [sflag:$0x5] =	stream.linear.gather [hbm4b:s7+s3], $0xC80, $0x38;
	[tilespmem:$0x1E000] =	vst v63  }
0x1b: {  	_ =	swait.ge [sflag:s12], $0xC80  }
0x1c: {  	[sflag:s12] =	ssyncset.done $0x0  }
0x1d: {  	[sflag:s12] =	ssyncadd.s32 $0xFFFFF380  }
0x1e: {  	[bflag:$0x0] =	sbarrier.arrive $0xFFFF  }
0x1f: {  	[tilespmem:s16], [sflag:$0x1] =	stream.indirect.gather [spmem:s2], $0x80, s13, s15, $0xb8;
	[tilespmem:$0x1E000] =	vst v63  }
0x20: {  	_ = 	snop  }
0x21: {  	[tilespmem:s17], [sflag:$0x2] =	stream.indirect.gather [spmem:s2], $0x80, s14, s15, $0xb8;
	[tilespmem:$0x1E000] =	vst v63  }
0x22: {  	_ =	swait.ge [sflag:s18], $0x4000  }
0x23: {  	[sflag:s18] =	ssyncset.done $0x0  }
0x24: {  	[sflag:s18] =	ssyncadd.s32 $0xFFFFC000  }
0x25: {  	[hbm4b:s10+s3] =	stream.linear.scatter [tilespmem:s16], [sflag:$0x3], $0x4000, $0x38;
	[tilespmem:$0x1E000] =	vst v63  }
0x26: {  	_ =	swait.ge [sflag:s19], $0x4000  }
0x27: {  	[sflag:s19] =	ssyncset.done $0x0  }
0x28: {  	[sflag:s19] =	ssyncadd.s32 $0xFFFFC000  }
0x29: {  	[hbm4b:s9+s3] =	stream.linear.scatter [tilespmem:s17], [sflag:$0x4], $0x4000, $0x38;
	[tilespmem:$0x1E000] =	vst v63  }
0x2a: {  	s23 =	smin.u32 s18, $0x18;
	_ =	swait.ge [sflag:s20], $0x4000  }
0x2b: {  	s25 =	sshll.u32 s23, $0x7;
	[sflag:s20] =	ssyncset.done $0x0  }
0x2c: {  	s23 =	sor.u32 $0x14000, s25;
	[sflag:s20] =	ssyncadd.s32 $0xFFFFC000  }
0x2d: {  	[tilespmem:s16], [sflag:$0x1] =	stream.indirect.gather [spmem:s2], $0x80, s23, s15, $0xb8;
	[tilespmem:$0x1E000] =	vst v63  }
0x2e: {  	_ =	swait.ge [sflag:s21], $0x4000  }
0x2f: {  	s24 =	sadd.s32 $0x800, s10;
	s26 =	sor.u32 $0x15000, s25;
	[sflag:s21] =	ssyncset.done $0x0  }
0x30: {  	s25 =	sadd.s32 $0x800, s9;
	s23 =	simm.s32 $0x2;
	[sflag:s21] =	ssyncadd.s32 $0xFFFFC000  }
.LBB2_2:
0x31: {  	[tilespmem:s17], [sflag:$0x2] =	stream.indirect.gather [spmem:s2], $0x80, s26, s15, $0xb8;
	[tilespmem:$0x1E000] =	vst v63  }
0x32: {  	s26 =	smov.u32 s23  }
0x33: {  	p0 =	sne.s32 s23, $0x19;
	s23 =	sadd.s32 $0x1, s23;
	_ =	swait.ge [sflag:s18], $0x4000  }
0x34: {  	[sflag:s18] =	ssyncset.done $0x0  }
0x35: {  	[sflag:s18] =	ssyncadd.s32 $0xFFFFC000  }
0x36: {  	[hbm4b:s24+s3] =	stream.linear.scatter [tilespmem:s16], [sflag:$0x3], $0x4000, $0x38;
	[tilespmem:$0x1E000] =	vst v63  }
0x37: {  	_ =	swait.ge [sflag:s19], $0x4000  }
0x38: {  	[sflag:s19] =	ssyncset.done $0x0  }
0x39: {  	[sflag:s19] =	ssyncadd.s32 $0xFFFFC000  }
0x3a: {  	[hbm4b:s25+s3] =	stream.linear.scatter [tilespmem:s17], [sflag:$0x4], $0x4000, $0x38;
	[tilespmem:$0x1E000] =	vst v63  }
0x3b: {  	s26 =	smin.u32 s26, $0x18;
	_ =	swait.ge [sflag:s20], $0x4000  }
0x3c: {  	s26 =	sshll.u32 s26, $0x7;
	[sflag:s20] =	ssyncset.done $0x0  }
.Ltmp0:
0x3d: {  	s28 =	sor.u32 $0x14000, s26;
	[sflag:s20] =	ssyncadd.s32 $0xFFFFC000;
	(pc) =	sbr.rel @p0 .LBB2_2-.Ltmp0, $4  }
0x3e: {  	[tilespmem:s16], [sflag:$0x1] =	stream.indirect.gather [spmem:s2], $0x80, s28, s15, $0xb8;
	[tilespmem:$0x1E000] =	vst v63  }
0x3f: {  	_ =	swait.ge [sflag:s21], $0x4000  }
0x40: {  	s24 =	sadd.s32 $0x800, s24;
	[sflag:s21] =	ssyncset.done $0x0  }
0x41: {  	s26 =	sor.u32 $0x15000, s26;
	s25 =	sadd.s32 $0x800, s25;
	[sflag:s21] =	ssyncadd.s32 $0xFFFFC000  }
0x42: {  	[tilespmem:s17], [sflag:$0x2] =	stream.indirect.gather [spmem:s2], $0x80, s26, s15, $0xb8;
	[tilespmem:$0x1E000] =	vst v63  }
0x43: {  	s22 =	sadd.s32 $0x1, s22  }
0x44: {  	_ =	swait.ge [sflag:s18], $0x4000;
	p0 =	sne.s32 s22, s8  }
.Ltmp1:
0x45: {  	[sflag:s18] =	ssyncset.done $0x0;
	(pc) =	sbr.rel @p0 .LBB2_1-.Ltmp1, $4  }
0x46: {  	[sflag:s18] =	ssyncadd.s32 $0xFFFFC000  }
0x47: {  	_ =	swait.ge [sflag:s19], $0x4000  }
0x48: {  	[sflag:s19] =	ssyncset.done $0x0  }
0x49: {  	[sflag:s19] =	ssyncadd.s32 $0xFFFFC000  }
0x4a: {  	_ =	sfence.sel $0x180000  }
0x4b: {  	[bflag:$0x0] =	sbarrier.arrive $0xFFFF  }
0x4c: {  	p0 =	sne.s32 s1, $0x0;
	_ =	strace $0x9000004D  }
0x4d: {  	s0 =	sadd.s32 @!p0 $0x100000, s0;
	[bflag:$0x2] =	sbarrier.arrive $0xFFFF  }
0x4e: {  	[sflag:s0] =	ssyncadd.tile.s32 @!p0 $0x1;
	_ =	shalt  }
.Lfunc_end2:
_tile_overlayer_lowered:
.L_overlay_start_2:
0x4f: {  	(tag) =	ssettag $0x2  }
0x50: {  	s0 =	rddreg [dreg:$0x0];
	s2 =	stileid.u32  }
0x51: {  	s1 =	rddreg [dreg:$0x1];
	p0 =	sne.s32 s2, $0x0  }
0x52: {  	s3 =	rddreg [dreg:$0x2];
	[bflag:$0x3] =	sbarrier.arrive $0xFFFF;
	s2 =	simm.s32 @!p0 $0x1C05  }
0x53: {  	[timem:s3], [sflag:s2] =	dma.local @!p0 [hbm:s0], s1  }
0x54: {  	s0 =	simm.s32 @!p0 $0x5  }
0x55: {  	_ =	swait.ge @!p0 [sflag:s0], s1  }
0x56: {  	s1 =	ssub.s32 @!p0 $0x0, s1;
	[sflag:s0] =	ssyncset.done @!p0 $0x0  }
0x57: {  	[sflag:s0] =	ssyncadd.s32 @!p0 s1  }
0x58: {  	[bflag:$0x3] =	sbarrier.arrive $0xFFFF  }
0x59: {  	_ =	shalt  }

// kernel: kernel.8.cloned.1.call-start
scs
__scs_entry_jumppad:
0x0: {  	(pc) =	sbr.rel $0x88, $3  }
0x1: {  	(tag) =	ssettag $0x0;
	lr =	simm.s32 $0x1  }
0x2: {  	[smem:$0x3F8D] =	sst lr;
	_ =	strace $0xD0000000  }
0x3: {  	_ = 	snop  }
0x4: {  	_ = 	snop  }
0x5: {  	_ = 	snop  }
0x6: {  	_ = 	snop  }
0x7: {  	_ = 	snop  }
__scs_overlays_trampoline_lowered:
0x8: {  	[smem:$0x3F9C] =	sst s0  }
0x9: {  	[smem:$0x3F9D] =	sst s1  }
0xa: {  	[smem:$0x3F9E] =	sst s2  }
0xb: {  	[smem:$0x3F9F] =	sst s3  }
0xc: {  	[smem:$0x3FA0] =	sst s4  }
0xd: {  	[smem:$0x3FA1] =	sst s5  }
0xe: {  	[smem:$0x3FA2] =	sst s6  }
0xf: {  	[smem:$0x3FA3] =	sst s7  }
0x10: {  	[smem:$0x3FA4] =	sst s8  }
0x11: {  	[smem:$0x3FA5] =	sst s9;
	s0 =	simm.s32 @!p0 $0x0  }
0x12: {  	s1 =	sld [smem:$0x3F8B];
	s0 =	simm.s32 @p0 $0x1  }
0x13: {  	[smem:$0x3FA6] =	sst s0;
	s0 =	simm.s32 @!p1 $0x0  }
0x14: {  	s2 =	sld [smem:$0x3F8A];
	s0 =	simm.s32 @p1 $0x1  }
0x15: {  	[smem:$0x3FA7] =	sst s0;
	s0 =	simm.s32 @!p2 $0x0  }
0x16: {  	s3 =	sld [smem:$0x3FDB];
	s0 =	simm.s32 @p2 $0x1  }
0x17: {  	s4 =	simm.s32 $0x1BF5;
	[smem:$0x3FA9] =	sst s0  }
0x18: {  	s0 =	sld [smem:$0x3F8C];
	_ =	swait.ge [sflag:s4], $0x0  }
0x19: {  	s7 =	sld [smem:$0x3F8D]  }
0x1a: {  	s8 =	sadd.s32 $0xFFFFE003, lr  }
0x1b: {  	s9 =	sadd.s32 $0xFFFFFEF7, lr;
	s5 =	simm.s32 $0xFFFFFFFF;
	p2 =	slt.u32 s8, $0xFFFFF086  }
0x1c: {  	p1 =	slt.u32 s9, $0xF7A;
	s5 =	simm.s32 @!p2 $0x0  }
0x1d: {  	s5 =	simm.s32 @p1 $0x1;
	p0 =	seq.s32 s7, s2  }
0x1e: {  	s7 =	smul.u32 @!p0 $0xF7A, s2;
	p2 =	seq.s32 @!p0 s5, $0x0  }
0x1f: {  	s9 =	smul.u32 $0xF7A, s1;
	s8 =	simm.s32 @!p0 $0x1BF5;
	p2 =	por !p2, p0  }
0x20: {  	[sflag:s8] =	ssyncset.s32 @!p0 $0xFFFFF086;
	s6 =	sadd.s32 @!p0 s3, s7;
	s7 =	simm.s32 @!p0 $0x108  }
0x21: {  	s3 =	sadd.s32 s3, s9;
	s6 =	sadd.s32 @!p0 $0x88, s6;
	s7 =	simm.s32 @p2 $0x1082  }
0x22: {  	[simem:s7], [sflag:s8] =	dma.local @!p0 [hbm:s6], $0xF7A  }
0x23: {  	s9 =	sor.u32 $0xD0000000, s2;
	s6 =	simm.s32 $0x108;
	_ =	swait.ge @!p0 [sflag:s8], $0x0  }
0x24: {  	s3 =	sadd.s32 $0x88, s3;
	s6 =	simm.s32 @!p1 $0x1082;
	[sflag:s4] =	ssyncset.s32 $0xFFFFF086  }
0x25: {  	[simem:s6], [sflag:s4] =	dma.local [hbm:s3], $0xF7A  }
0x26: {  	[smem:$0x3F8D] =	sst s1;
	(tag) =	ssettag s2;
	_ =	strace s9  }
0x27: {  	s1 =	sld [smem:$0x3F9D]  }
0x28: {  	s2 =	sld [smem:$0x3F9E]  }
0x29: {  	s4 =	sld [smem:$0x3FA0]  }
0x2a: {  	p0 =	seq.s32 s5, $0x0;
	s5 =	sld [smem:$0x3FA1]  }
0x2b: {  	s6 =	sld [smem:$0x3FA2]  }
0x2c: {  	s7 =	sld [smem:$0x3FA3]  }
0x2d: {  	s3 =	simm.s32 $0x108;
	s8 =	sld [smem:$0x3FA4]  }
0x2e: {  	s3 =	simm.s32 @!p0 $0x1082;
	s9 =	sld [smem:$0x3FA5]  }
0x2f: {  	lr =	sadd.s32 s0, s3;
	s0 =	sld [smem:$0x3F9C]  }
0x30: {  	s3 =	sld [smem:$0x3F9F]  }
0x31: {  	[smem:$0x3FA8] =	sst s10  }
0x32: {  	s10 =	sld [smem:$0x3FA6];
	_ =	sdelay $0x3  }
0x33: {  	p0 =	seq.s32 s10, $0x1;
	s10 =	sld [smem:$0x3FA8];
	_ =	sdelay $0x3  }
0x34: {  	[smem:$0x3FA8] =	sst s10  }
0x35: {  	s10 =	sld [smem:$0x3FA7];
	_ =	sdelay $0x3  }
0x36: {  	p1 =	seq.s32 s10, $0x1;
	s10 =	sld [smem:$0x3FA8];
	_ =	sdelay $0x3  }
0x37: {  	[smem:$0x3FA8] =	sst s10  }
0x38: {  	s10 =	sld [smem:$0x3FA9]  }
0x39: {  	_ = 	snop;
	(pc) =	sbr.ind lr, $3  }
0x3a: {  	_ = 	snop  }
0x3b: {  	_ = 	snop  }
0x3c: {  	p2 =	seq.s32 s10, $0x1;
	s10 =	sld [smem:$0x3FA8]  }
0x3d: {  	_ =	shalt  }
0x3e: {  	_ =	shalt  }
0x3f: {  	_ =	shalt  }
0x40: {  	_ =	shalt  }
0x41: {  	_ =	shalt  }
0x42: {  	_ =	shalt  }
0x43: {  	_ =	shalt  }
0x44: {  	_ =	shalt  }
0x45: {  	_ =	shalt  }
0x46: {  	_ =	shalt  }
0x47: {  	_ =	shalt  }
0x48: {  	_ =	shalt  }
0x49: {  	_ =	shalt  }
0x4a: {  	_ =	shalt  }
0x4b: {  	_ =	shalt  }
0x4c: {  	_ =	shalt  }
0x4d: {  	_ =	shalt  }
0x4e: {  	_ =	shalt  }
0x4f: {  	_ =	shalt  }
0x50: {  	_ =	shalt  }
0x51: {  	_ =	shalt  }
0x52: {  	_ =	shalt  }
0x53: {  	_ =	shalt  }
0x54: {  	_ =	shalt  }
0x55: {  	_ =	shalt  }
0x56: {  	_ =	shalt  }
0x57: {  	_ =	shalt  }
0x58: {  	_ =	shalt  }
0x59: {  	_ =	shalt  }
0x5a: {  	_ =	shalt  }
0x5b: {  	_ =	shalt  }
0x5c: {  	_ =	shalt  }
0x5d: {  	_ =	shalt  }
0x5e: {  	_ =	shalt  }
0x5f: {  	_ =	shalt  }
0x60: {  	_ =	shalt  }
0x61: {  	_ =	shalt  }
0x62: {  	_ =	shalt  }
0x63: {  	_ =	shalt  }
0x64: {  	_ =	shalt  }
0x65: {  	_ =	shalt  }
0x66: {  	_ =	shalt  }
0x67: {  	_ =	shalt  }
0x68: {  	_ =	shalt  }
0x69: {  	_ =	shalt  }
0x6a: {  	_ =	shalt  }
0x6b: {  	_ =	shalt  }
0x6c: {  	_ =	shalt  }
0x6d: {  	_ =	shalt  }
0x6e: {  	_ =	shalt  }
0x6f: {  	_ =	shalt  }
0x70: {  	_ =	shalt  }
0x71: {  	_ =	shalt  }
0x72: {  	_ =	shalt  }
0x73: {  	_ =	shalt  }
0x74: {  	_ =	shalt  }
0x75: {  	_ =	shalt  }
0x76: {  	_ =	shalt  }
0x77: {  	_ =	shalt  }
0x78: {  	_ =	shalt  }
0x79: {  	_ =	shalt  }
0x7a: {  	_ =	shalt  }
0x7b: {  	_ =	shalt  }
0x7c: {  	_ =	shalt  }
0x7d: {  	_ =	shalt  }
0x7e: {  	_ =	shalt  }
0x7f: {  	_ =	shalt  }
0x80: {  	_ =	shalt  }
0x81: {  	_ =	shalt  }
0x82: {  	_ =	shalt  }
0x83: {  	_ =	shalt  }
0x84: {  	_ =	shalt  }
0x85: {  	_ =	shalt  }
0x86: {  	_ =	shalt  }
0x87: {  	_ =	shalt  }
.Lfunc_end0:
.L_simem_size_0:
called_computation_lowered:
.L_overlay_start_0:
0x88: {  	s2 =	sld [smem:$0x3FD9]  }
0x89: {  	s3 =	sld [smem:$0x3FFE];
	_ =	sdelay $0x1  }
0x8a: {  	s1 =	srdreg.scid  }
0x8b: {  	s0 =	sand.u32 $0x1, s1  }
0x8c: {  	s14 =	sshll.u32 s0, $0xA;
	s2 =	sadd.s32 s3, s2  }
0x8d: {  	s2 =	sadd.s32 s2, s14  }
0x8e: {  	[smem:$0x3FB4] =	sst s2  }
0x8f: {  	_ = 	snop  }
0x90: {  	s2 =	sld [smem:$0x3FD0];
	_ =	sdelay $0x2  }
0x91: {  	s15 =	simm.s32 $0xA;
	s4 =	simm.s32 $0x10  }
0x92: {  	[smem:s4], [sflag:s15] =	dma.local [hbm:s2], $0x1  }
0x93: {  	_ =	swait.eq [sflag:s15], $0x1  }
0x94: {  	[sflag:s15] =	ssyncset.done $0x0  }
0x95: {  	[sflag:s15] =	ssyncadd.s32 $0xFFFFFFFF  }
0x96: {  	s16 =	sld [smem:$0x11];
	(tm) =	ssettm $0x1  }
0x97: {  	s17 =	sld [smem:$0x3FFB];
	_ =	sdelay $0x3  }
0x98: {  	_ =	strace s17  }
0x99: {  	s3 =	sld [smem:$0x3FFC];
	_ =	sdelay $0x3  }
0x9a: {  	_ =	strace s3  }
0x9b: {  	s3 =	sld [smem:$0x3FFD];
	_ =	sdelay $0x3  }
0x9c: {  	_ =	strace s3  }
0x9d: {  	_ =	strace $0x8FFFFFFF  }
0x9e: {  	s18 =	sld [smem:$0x3FDB];
	_ =	sdelay $0x1  }
0x9f: {  	s19 =	simm.s32 $_scs_section_size  }
0xa0: {  	s5 =	simm.s32 $_size__tile_overlayer_lowered;
	s6 =	simm.s32 $_tile_overlayer_lowered  }
0xa1: {  	s22 =	simm.s32 $0x1BFF;
	s21 =	sshll.u32 s6, $0x1;
	s3 =	sadd.s32 s19, s18  }
0xa2: {  	s7 =	simm.s32 $0x0;
	s20 =	sshll.u32 s5, $0x1;
	s5 =	sadd.s32 s21, s3  }
0xa3: {  	[timem:s7], [sflag:s22] =	dma.local [hbm:s5], s20  }
0xa4: {  	_ =	swait.ge [sflag:s22], s20  }
0xa5: {  	s4 =	ssub.s32 $0x0, s20;
	[sflag:s22] =	ssyncset.done $0x0  }
0xa6: {  	[sflag:s22] =	ssyncadd.s32 s4;
	_ =	sdelay $0x1  }
0xa7: {  	s23 =	simm.s32 $0x1B8B  }
0xa8: {  	_ =	swait.ge [sflag:s23], $0x1  }
0xa9: {  	[sflag:s23] =	ssyncset.done $0x0  }
0xaa: {  	s25 =	simm.s32 $0x1B8E;
	s24 =	sld [smem:$0x3FFE];
	[sflag:s23] =	ssyncadd.s32 $0xFFFFFFFF  }
0xab: {  	s26 =	simm.s32 $execute0_lowered;
	[smem:$0x3FD2] =	sst s25  }
0xac: {  	s5 =	sshll.u32 s26, $0x1;
	_ =	strace $0x80000046;
	[dreg:$0x1] =	wrdreg $0xFFFFFFFF  }
0xad: {  	s28 =	simm.s32 $_size_execute0_lowered;
	s3 =	sadd.s32 s3, s5;
	[dreg:$0x0] =	wrdreg $0x0  }
0xae: {  	s5 =	sshll.u32 s28, $0x1;
	[dreg:$0x2] =	wrdreg s3  }
0xaf: {  	[dreg:$0x3] =	wrdreg s5  }
0xb0: {  	[dreg:$0x4] =	wrdreg $0xC0  }
0xb1: {  	_ =	task [dreg:s7], $0x5FFFF  }
0xb2: {  	[dreg:$0x1] =	wrdreg $0xFFFFFFFF  }
0xb3: {  	[dreg:$0x0] =	wrdreg $0x60  }
0xb4: {  	[dreg:$0x2] =	wrdreg s24  }
0xb5: {  	[dreg:$0x3] =	wrdreg s16  }
0xb6: {  	[dreg:$0x4] =	wrdreg $0x0  }
0xb7: {  	[dreg:$0x5] =	wrdreg $0xA0000  }
0xb8: {  	[dreg:$0x6] =	wrdreg $0x9  }
0xb9: {  	_ =	task.clear_ibuf [dreg:s7], $0x7FFFF;
	_ =	strace $0x90000046  }
0xba: {  	s29 =	simm.s32 $0x9;
	_ =	strace $0x80000048  }
0xbb: {  	_ =	swait.ge [sflag:s29], $0x1  }
0xbc: {  	[sflag:s29] =	ssyncadd.s32 $0xFFFFFFFF  }
0xbd: {  	_ =	strace $0x90000048  }
0xbe: {  	_ =	sfence  }
0xbf: {  	s30 =	sld [smem:$0x0];
	_ =	sdelay $0x2  }
0xc0: {  	s31 =	sshll.u32 s1, $0xD;
	s1 =	sshrl.u32 s1, $0x2  }
0xc1: {  	s3 =	sand.u32 $0x4000, s31;
	s1 =	sadd.s32 s1, s30  }
0xc2: {  	s0 =	sor.u32 s3, s0;
	s1 =	sshll.u32 s1, $0x11  }
0xc3: {  	s0 =	sor.u32 s1, s0  }
0xc4: {  	s0 =	sadd.s32 $0x8F2B, s0  }
0xc5: {  	[sflag:s0] =	ssyncadd.remote.s32 $0x1  }
0xc6: {  	_ =	sfence.sel $0xFFFF  }
0xc7: {  	[dreg:$0x0] =	wrdreg $0xFFFFFFFF;
	(pc) =	sbr.abs _section_cstart, $3  }
0xc8: {  	[dreg:$0x1] =	wrdreg $0xFFFFFFFF  }
0xc9: {  	_ =	task.clear_ibuf [dreg:s7], $0x2FFFF;
	_ =	strace $0x9FFFFFFF  }
0xca: {  	(tm) =	ssettm $0x7FFFFFFF  }
0xcb: {  	_ =	shalt  }
tec
execute0_lowered:
.L_overlay_start_1:
0x0: {  	(tag) =	ssettag $0x1  }
0x1: {  	s0 =	rddreg [dreg:$0x0]  }
0x2: {  	s2 =	rddreg [dreg:$0x1]  }
0x3: {  	s3 =	rddreg [dreg:$0x2]  }
0x4: {  	s4 =	rddreg [dreg:$0x3]  }
0x5: {  	s11 =	stileid.u32;
	s1 =	srdreg.scid  }
0x6: {  	s5 =	simm.s32 $0x0;
	s18 =	simm.s32 $0x6;
	s19 =	simm.s32 $0x14000  }
0x7: {  	s20 =	simm.s32 $0x15400;
	s28 =	simm.s32 $0x2;
	s29 =	simm.s32 $0x3  }
0x8: {  	s30 =	simm.s32 $0x4;
	s31 =	simm.s32 $0x16600;
	s8 =	smul.u32 $0x14000, s11  }
0x9: {  	s1 =	sand.u32 $0x1, s1;
	[smem:$0x7FF] =	sst s5;
	s6 =	sadd.s32 $0x4C00, s0  }
0xa: {  	s22 =	sshll.u32 s11, $0x6;
	s7 =	smul.u32 $0x140000, s1;
	_ =	strace $0x80000047  }
0xb: {  	s1 =	ssub.s32 $0x2, s1;
	s16 =	sor.u32 $0x1C06, s22;
	s9 =	sshrl.u32 s8, $0x3  }
0xc: {  	s10 =	sshrl.u32 s1, $0x1;
	s21 =	sadd.s32 s8, s4;
	s7 =	sadd.s32 s8, s7  }
0xd: {  	s9 =	sadd.s32 s9, s0;
	s1 =	ssub.s32 s1, s10;
	s8 =	sadd.s32 s8, s3  }
0xe: {  	s15 =	sshrl.u32 s21, $0x3;
	s21 =	simm.s32 $0x5;
	s10 =	simm.s32 $0x16780  }
0xf: {  	s7 =	sshrl.u32 s7, $0x3;
	s9 =	sadd.s32 $0x5EC00, s9;
	s25 =	smax.u32 s1, $0x1  }
0x10: {  	s26 =	sshrl.u32 s8, $0x3;
	s1 =	simm.s32 $0x15300;
	[dreg:$0x5] =	wrdreg s9  }
0x11: {  	s8 =	simm.s32 $0x15380;
	s0 =	sadd.s32 s7, s0;
	[dreg:$0xb] =	wrdreg s25  }
0x12: {  	s7 =	smul.u32 $0x5000, s11;
	s11 =	sor.u32 $0x1C05, s22;
	[dreg:$0xc] =	wrdreg s26  }
0x13: {  	s22 =	simm.s32 $0x80;
	s25 =	simm.s32 $0x1A800;
	s26 =	simm.s32 $0x1  }
0x14: {  	s9 =	simm.s32 $0x16700;
	[dreg:$0x6] =	wrdreg s11;
	s12 =	sadd.s32 $0xEC00, s0  }
0x15: {  	s0 =	sadd.s32 $0x86C00, s0;
	s23 =	sshrl.u32 s7, $0x3;
	[dreg:$0x7] =	wrdreg s12  }
0x16: {  	[dreg:$0xa] =	wrdreg s0;
	s0 =	simm.s32 $0x16680;
	s24 =	sadd.s32 s2, s23  }
0x17: {  	s11 =	sadd.s32 s6, s23;
	s23 =	simm.s32 $0x16800;
	[dreg:$0x8] =	wrdreg s24  }
0x18: {  	[dreg:$0x9] =	wrdreg s11;
	s24 =	simm.s32 $0x14080;
	s11 =	simm.s32 $0x0  }
.LBB2_1:
0x19: {  	s12 =	rddreg [dreg:$0x5]  }
0x1a: {  	s13 =	rddreg [dreg:$0x6]  }
0x1b: {  	[spmem:s15], [sflag:s13] =	dma.local [hbm:s12], $0x2800  }
0x1c: {  	s12 =	rddreg [dreg:$0x7]  }
0x1d: {  	s13 =	rddreg [dreg:$0xc]  }
0x1e: {  	[spmem:s13], [sflag:s16] =	dma.local [hbm:s12], $0x2800  }
0x1f: {  	_ =	swait.ge [sflag:s18], $0x2800  }
0x20: {  	[sflag:s18] =	ssyncset.done $0x0  }
0x21: {  	s14 =	rddreg [dreg:$0x8];
	[sflag:s18] =	ssyncadd.s32 $0xFFFFD800  }
0x22: {  	[tilespmem:s19], [sflag:$0x6] =	stream.linear.gather [hbm4b:s14+s5], $0x1400, $0x38;
	[tilespmem:$0x1E800] =	vst v63  }
0x23: {  	_ =	swait.ge [sflag:s18], $0x1400  }
0x24: {  	[sflag:s18] =	ssyncset.done $0x0  }
0x25: {  	s17 =	rddreg [dreg:$0x9];
	[sflag:s18] =	ssyncadd.s32 $0xFFFFEC00  }
0x26: {  	[tilespmem:s20], [sflag:$0x6] =	stream.linear.gather [hbm4b:s17+s5], $0x1400, $0x38;
	[tilespmem:$0x1E800] =	vst v63  }
0x27: {  	_ =	swait.ge [sflag:s18], $0x1400  }
0x28: {  	[sflag:s18] =	ssyncset.done $0x0  }
0x29: {  	[sflag:s18] =	ssyncadd.s32 $0xFFFFEC00  }
0x2a: {  	_ =	swait.ge [sflag:s21], $0x2800  }
0x2b: {  	[sflag:s21] =	ssyncset.done $0x0  }
0x2c: {  	[sflag:s21] =	ssyncadd.s32 $0xFFFFD800  }
0x2d: {  	s12 =	simm.s32 $0x0;
	[bflag:$0x0] =	sbarrier.arrive $0xFFFF  }
.LBB2_2:
0x2e: {  	[tilespmem:s23], [sflag:$0x1] =	stream.indirect.gather [spmem:s3], $0x40, s19, s22, $0xb8;
	[tilespmem:$0x1E800] =	vst v63  }
0x2f: {  	_ = 	snop  }
0x30: {  	[tilespmem:s25], [sflag:$0x2] =	stream.indirect.gather [spmem:s3], $0x40, s24, s22, $0xb8;
	[tilespmem:$0x1E800] =	vst v63  }
0x31: {  	_ =	swait.ge [sflag:s26], $0x2000  }
0x32: {  	[sflag:s26] =	ssyncset.done $0x0  }
0x33: {  	s13 =	simm.s32 $0x15400;
	[sflag:s26] =	ssyncadd.s32 $0xFFFFE000  }
0x34: {  	[spmem:s4] =	stream.indirect.scatter.add.f32 [tilespmem:s23], [sflag:$0x3], $0x40, s13, s22, $0xb8;
	[tilespmem:$0x1E800] =	vst v63  }
0x35: {  	_ =	swait.ge [sflag:s28], $0x2000  }
0x36: {  	[sflag:s28] =	ssyncset.done $0x0  }
0x37: {  	s14 =	simm.s32 $0x15480;
	[sflag:s28] =	ssyncadd.s32 $0xFFFFE000  }
0x38: {  	[spmem:s4] =	stream.indirect.scatter.add.f32 [tilespmem:s25], [sflag:$0x4], $0x40, s14, s22, $0xb8;
	[tilespmem:$0x1E800] =	vst v63  }
0x39: {  	_ =	swait.ge [sflag:s29], $0x2000  }
0x3a: {  	[sflag:s29] =	ssyncset.done $0x0  }
0x3b: {  	s17 =	simm.s32 $0x14100;
	[sflag:s29] =	ssyncadd.s32 $0xFFFFE000  }
0x3c: {  	[tilespmem:s23], [sflag:$0x1] =	stream.indirect.gather [spmem:s3], $0x40, s17, s22, $0xb8;
	[tilespmem:$0x1E800] =	vst v63  }
0x3d: {  	_ =	swait.ge [sflag:s30], $0x2000  }
0x3e: {  	[sflag:s30] =	ssyncset.done $0x0  }
0x3f: {  	s13 =	simm.s32 $0x400;
	s14 =	simm.s32 $0x14180;
	[sflag:s30] =	ssyncadd.s32 $0xFFFFE000  }
.LBB2_3:
0x40: {  	[tilespmem:s25], [sflag:$0x2] =	stream.indirect.gather [spmem:s3], $0x40, s14, s22, $0xb8;
	[tilespmem:$0x1E800] =	vst v63  }
0x41: {  	s14 =	smov.u32 s13  }
0x42: {  	p0 =	sne.s32 s13, $0x4400;
	s13 =	sadd.s32 $0x400, s13;
	_ =	swait.ge [sflag:s26], $0x2000  }
0x43: {  	s14 =	sshra.s32 s14, $0x2;
	[sflag:s26] =	ssyncset.done $0x0  }
0x44: {  	s17 =	sadd.s32 $0x15400, s14;
	[sflag:s26] =	ssyncadd.s32 $0xFFFFE000  }
0x45: {  	[spmem:s4] =	stream.indirect.scatter.add.f32 [tilespmem:s23], [sflag:$0x3], $0x40, s17, s22, $0xb8;
	[tilespmem:$0x1E800] =	vst v63  }
0x46: {  	_ =	swait.ge [sflag:s28], $0x2000  }
0x47: {  	[sflag:s28] =	ssyncset.done $0x0  }
0x48: {  	s17 =	sadd.s32 $0x15480, s14;
	[sflag:s28] =	ssyncadd.s32 $0xFFFFE000  }
0x49: {  	[spmem:s4] =	stream.indirect.scatter.add.f32 [tilespmem:s25], [sflag:$0x4], $0x40, s17, s22, $0xb8;
	[tilespmem:$0x1E800] =	vst v63  }
0x4a: {  	_ =	swait.ge [sflag:s29], $0x2000  }
0x4b: {  	[sflag:s29] =	ssyncset.done $0x0  }
.Ltmp0:
0x4c: {  	s17 =	sadd.s32 $0x14100, s14;
	[sflag:s29] =	ssyncadd.s32 $0xFFFFE000;
	(pc) =	sbr.rel @p0 .LBB2_3-.Ltmp0, $4  }
0x4d: {  	[tilespmem:s23], [sflag:$0x1] =	stream.indirect.gather [spmem:s3], $0x40, s17, s22, $0xb8;
	[tilespmem:$0x1E800] =	vst v63  }
0x4e: {  	_ =	swait.ge [sflag:s30], $0x2000  }
0x4f: {  	[sflag:s30] =	ssyncset.done $0x0  }
0x50: {  	s14 =	sadd.s32 $0x14180, s14;
	[sflag:s30] =	ssyncadd.s32 $0xFFFFE000  }
0x51: {  	[tilespmem:s25], [sflag:$0x2] =	stream.indirect.gather [spmem:s3], $0x40, s14, s22, $0xb8;
	[tilespmem:$0x1E800] =	vst v63  }
0x52: {  	_ =	swait.ge [sflag:s26], $0x2000  }
0x53: {  	[sflag:s26] =	ssyncset.done $0x0  }
0x54: {  	[sflag:s26] =	ssyncadd.s32 $0xFFFFE000  }
0x55: {  	[spmem:s4] =	stream.indirect.scatter.add.f32 [tilespmem:s23], [sflag:$0x3], $0x40, s31, s22, $0xb8;
	[tilespmem:$0x1E800] =	vst v63  }
0x56: {  	_ =	swait.ge [sflag:s28], $0x2000  }
0x57: {  	[sflag:s28] =	ssyncset.done $0x0  }
0x58: {  	[sflag:s28] =	ssyncadd.s32 $0xFFFFE000  }
0x59: {  	[spmem:s4] =	stream.indirect.scatter.add.f32 [tilespmem:s25], [sflag:$0x4], $0x40, s0, s22, $0xb8;
	[tilespmem:$0x1E800] =	vst v63  }
0x5a: {  	_ =	swait.ge [sflag:s29], $0x2000  }
0x5b: {  	[sflag:s29] =	ssyncset.done $0x0  }
0x5c: {  	[sflag:s29] =	ssyncadd.s32 $0xFFFFE000  }
0x5d: {  	[tilespmem:s23], [sflag:$0x1] =	stream.indirect.gather [spmem:s3], $0x40, s1, s22, $0xb8;
	[tilespmem:$0x1E800] =	vst v63  }
0x5e: {  	_ =	swait.ge [sflag:s30], $0x2000  }
0x5f: {  	[sflag:s30] =	ssyncset.done $0x0  }
0x60: {  	[sflag:s30] =	ssyncadd.s32 $0xFFFFE000  }
0x61: {  	[tilespmem:s25], [sflag:$0x2] =	stream.indirect.gather [spmem:s3], $0x40, s8, s22, $0xb8;
	[tilespmem:$0x1E800] =	vst v63  }
0x62: {  	_ =	swait.ge [sflag:s26], $0x2000  }
0x63: {  	[sflag:s26] =	ssyncset.done $0x0  }
0x64: {  	[sflag:s26] =	ssyncadd.s32 $0xFFFFE000  }
0x65: {  	[spmem:s4] =	stream.indirect.scatter.add.f32 [tilespmem:s23], [sflag:$0x3], $0x40, s9, s22, $0xb8;
	[tilespmem:$0x1E800] =	vst v63  }
0x66: {  	_ =	swait.ge [sflag:s28], $0x2000  }
0x67: {  	[sflag:s28] =	ssyncset.done $0x0  }
0x68: {  	[sflag:s28] =	ssyncadd.s32 $0xFFFFE000  }
0x69: {  	[spmem:s4] =	stream.indirect.scatter.add.f32 [tilespmem:s25], [sflag:$0x4], $0x40, s10, s22, $0xb8;
	[tilespmem:$0x1E800] =	vst v63  }
0x6a: {  	_ =	swait.ge [sflag:s29], $0x2000  }
0x6b: {  	[sflag:s29] =	ssyncset.done $0x0  }
0x6c: {  	[sflag:s29] =	ssyncadd.s32 $0xFFFFE000  }
0x6d: {  	[tilespmem:s23], [sflag:$0x1] =	stream.indirect.gather [spmem:s3], $0x40, s8, s22, $0xb8;
	[tilespmem:$0x1E800] =	vst v63  }
0x6e: {  	_ =	swait.ge [sflag:s30], $0x2000  }
0x6f: {  	s12 =	sadd.s32 $0x1, s12;
	[sflag:s30] =	ssyncset.done $0x0  }
0x70: {  	p0 =	slt.s32 s12, $0x3;
	s13 =	smov.u32 s12;
	[sflag:s30] =	ssyncadd.s32 $0xFFFFE000  }
0x71: {  	[tilespmem:s25], [sflag:$0x2] =	stream.indirect.gather [spmem:s3], $0x40, s8, s22, $0xb8;
	[tilespmem:$0x1E800] =	vst v63  }
0x72: {  	s13 =	simm.s32 @!p0 $0x3;
	_ =	swait.ge [sflag:s26], $0x2000  }
0x73: {  	s13 =	smul.u32 $0x1400, s13;
	[sflag:s26] =	ssyncset.done $0x0  }
0x74: {  	[sflag:s26] =	ssyncadd.s32 $0xFFFFE000  }
0x75: {  	s13 =	sadd.s32 s7, s13;
	_ =	swait.ge [sflag:s28], $0x2000  }
0x76: {  	s13 =	sshrl.u32 s13, $0x3;
	[sflag:s28] =	ssyncset.done $0x0  }
0x77: {  	s17 =	sadd.s32 s2, s13;
	[sflag:s28] =	ssyncadd.s32 $0xFFFFE000  }
0x78: {  	[tilespmem:s19], [sflag:$0x6] =	stream.linear.gather [hbm4b:s17+s5], $0x1400, $0x38;
	[tilespmem:$0x1E800] =	vst v63  }
0x79: {  	_ =	swait.ge [sflag:s18], $0x1400  }
0x7a: {  	p0 =	sne.s32 s12, $0x4;
	[sflag:s18] =	ssyncset.done $0x0  }
.Ltmp1:
0x7b: {  	s13 =	sadd.s32 s6, s13;
	[sflag:s18] =	ssyncadd.s32 $0xFFFFEC00;
	(pc) =	sbr.rel @p0 .LBB2_2-.Ltmp1, $4  }
0x7c: {  	[tilespmem:s20], [sflag:$0x6] =	stream.linear.gather [hbm4b:s13+s5], $0x1400, $0x38;
	[tilespmem:$0x1E800] =	vst v63  }
0x7d: {  	_ =	swait.ge [sflag:s18], $0x1400  }
0x7e: {  	[sflag:s18] =	ssyncset.done $0x0  }
0x7f: {  	[sflag:s18] =	ssyncadd.s32 $0xFFFFEC00  }
0x80: {  	[bflag:$0x0] =	sbarrier.arrive $0xFFFF  }
0x81: {  	s12 =	rddreg [dreg:$0xa]  }
0x82: {  	[hbm:s12], [sflag:s16] =	dma.local [spmem:s15], $0x2800  }
0x83: {  	_ =	swait.ge [sflag:s18], $0x2800  }
0x84: {  	s11 =	sadd.s32 $0x1, s11;
	s17 =	rddreg [dreg:$0xb]  }
0x85: {  	p0 =	sne.s32 s11, s17  }
.Ltmp2:
0x86: {  	_ = 	snop;
	(pc) =	sbr.rel @p0 .LBB2_1-.Ltmp2, $3  }
0x87: {  	_ =	sdelay $0x1  }
0x88: {  	[sflag:s18] =	ssyncset.done $0x0  }
0x89: {  	[sflag:s18] =	ssyncadd.s32 $0xFFFFD800  }
0x8a: {  	_ =	sfence.sel $0x180000  }
0x8b: {  	[bflag:$0x0] =	sbarrier.arrive $0xFFFF  }
0x8c: {  	_ =	strace $0x90000047  }
0x8d: {  	s0 =	stileid.u32;
	[bflag:$0x2] =	sbarrier.arrive $0xFFFF  }
0x8e: {  	p0 =	sne.s32 s0, $0x0;
	s0 =	rddreg [dreg:$0x4]  }
0x8f: {  	s0 =	sadd.s32 @!p0 $0x100000, s0  }
0x90: {  	[sflag:s0] =	ssyncadd.tile.s32 @!p0 $0x1;
	_ =	shalt  }
.Lfunc_end2:
_tile_overlayer_lowered:
.L_overlay_start_2:
0x91: {  	(tag) =	ssettag $0x2  }
0x92: {  	s0 =	rddreg [dreg:$0x0];
	s2 =	stileid.u32  }
0x93: {  	s1 =	rddreg [dreg:$0x1];
	p0 =	sne.s32 s2, $0x0  }
0x94: {  	s3 =	rddreg [dreg:$0x2];
	[bflag:$0x3] =	sbarrier.arrive $0xFFFF;
	s2 =	simm.s32 @!p0 $0x1C06  }
0x95: {  	[timem:s3], [sflag:s2] =	dma.local @!p0 [hbm:s0], s1  }
0x96: {  	s0 =	simm.s32 @!p0 $0x6  }
0x97: {  	_ =	swait.ge @!p0 [sflag:s0], s1  }
0x98: {  	s1 =	ssub.s32 @!p0 $0x0, s1;
	[sflag:s0] =	ssyncset.done @!p0 $0x0  }
0x99: {  	[sflag:s0] =	ssyncadd.s32 @!p0 s1  }
0x9a: {  	[bflag:$0x3] =	sbarrier.arrive $0xFFFF  }
0x9b: {  	_ =	shalt  }

</sc_bundles>
